<compile_context>
chip_gen: v7x
topology: tpu7x:2x2x1
jax: 0.10.2.dev20260603
libtpu: 0.0.44.dev20260713+nightly
codegen_flags: <defaults>
</compile_context>

<pallas_src>
import functools

import jax
import jax.numpy as jnp
from jax import lax
from jax.experimental import pallas as pl
from jax.experimental.pallas import tpu as pltpu
from jax.experimental.pallas import tpu_sc as plsc

NC = 2
NS = 16
NW = NC * NS
CHUNK = 32
NBUF = 4


@functools.cache
def _make_kernel(b_total: int, d: int):
    per_w = b_total // NW
    nchunk = per_w // CHUNK
    mesh = plsc.VectorSubcoreMesh(core_axis_name="c", subcore_axis_name="s")

    @functools.partial(
        pl.kernel,
        mesh=mesh,
        out_type=jax.ShapeDtypeStruct((b_total, d), jnp.float32),
        scratch_types=[
            pltpu.VMEM((nchunk, CHUNK), jnp.int32),
        ]
        + [pltpu.VMEM((CHUNK, d), jnp.float32) for _ in range(NBUF)]
        + [pltpu.SemaphoreType.DMA for _ in range(2 * NBUF)],
    )
    def emb(idx_hbm, table_hbm, out_hbm, idx_v, *bufs_sems):
        bufs = bufs_sems[:NBUF]
        gsems = bufs_sems[NBUF:2 * NBUF]
        wsems = bufs_sems[2 * NBUF:]
        wid = lax.axis_index("s") * NC + lax.axis_index("c")
        row_base = wid * per_w
        pltpu.sync_copy(idx_hbm.at[pl.ds(wid * nchunk, nchunk)], idx_v)
        gcp = [None] * NBUF
        wcp = [None] * NBUF
        for b in range(NBUF):
            gcp[b] = pltpu.async_copy(
                table_hbm.at[idx_v.at[b]], bufs[b], gsems[b])
        for c in range(nchunk):
            cur = c % NBUF
            gcp[cur].wait()
            wcp[cur] = pltpu.async_copy(
                bufs[cur], out_hbm.at[pl.ds(row_base + c * CHUNK, CHUNK)],
                wsems[cur])
            if c + NBUF < nchunk:
                wcp[cur].wait()
                gcp[cur] = pltpu.async_copy(
                    table_hbm.at[idx_v.at[c + NBUF]], bufs[cur], gsems[cur])
        for b in range(max(0, nchunk - NBUF), nchunk):
            wcp[b % NBUF].wait()

    return emb


def kernel(token, table):
    b, s = token.shape
    flat = token.reshape(-1).astype(jnp.int32)
    idx2d = flat.reshape(-1, CHUNK)
    out = _make_kernel(b * s, table.shape[1])(idx2d, table)
    return out.reshape(b, s, table.shape[1])

# --- scband reference (transcript-rebuilt; emitter-appended) ---
"""Pipeline reference for scband-position-embedding-17128329577091 (READ-ONLY COPY).

The authoritative reference and input builder live on the scoring server;
editing this copy changes nothing except your own understanding.
"""

import jax, jax.numpy as jnp
import numpy as np

VOCAB_SIZE = 8192
HIDDEN_SIZE = 768
BATCH = 4
SEQ_LEN = 8192


def setup_inputs(seed: int = 0) -> dict:
    key = jax.random.key(seed)
    k1, k2 = jax.random.split(key)
    token = jax.random.randint(k1, (BATCH, SEQ_LEN), 0, VOCAB_SIZE, dtype=jnp.int64 if jax.config.jax_enable_x64 else jnp.int32)
    # NOTE: in the original torch code, `self.pos_embedding.from_pretrained(pos_enc)`
    # is a classmethod whose return value is discarded, so the module actually uses the
    # default randomly-initialized nn.Embedding weight (N(0,1)). We replicate that: the
    # table is a random learned parameter.
    table = jax.random.normal(k2, (VOCAB_SIZE, HIDDEN_SIZE), dtype=jnp.float32)
    return {"token": token, "table": table}


def reference(token, table):
    # forward: embedding lookup (gather rows of table by token ids)
    return jnp.take(table, token, axis=0)

if __name__ == "__main__":
    import jax
    _d = setup_inputs()
    print(jax.jit(kernel)(*tuple(_d.values())))

</pallas_src>

<mosaic_0001>
#map = affine_map<(d0, d1) -> (0, 0)>
module attributes {stable_mosaic.version = 14 : i64} {
  func.func @emb(%arg0: i32, %arg1: i32, %arg2: memref<1024x32xi32, #tpu.memory_space<hbm>>, %arg3: memref<8192x768xf32, #tpu.memory_space<hbm>>, %arg4: memref<32768x768xf32, #tpu.memory_space<hbm>>, %arg5: memref<32x32xi32, #tpu.memory_space<vmem>>, %arg6: memref<32x768xf32, #tpu.memory_space<vmem>>, %arg7: memref<32x768xf32, #tpu.memory_space<vmem>>, %arg8: memref<32x768xf32, #tpu.memory_space<vmem>>, %arg9: memref<32x768xf32, #tpu.memory_space<vmem>>, %arg10: memref<!tpu.dma_semaphore, #tpu.memory_space<semaphore_mem>>, %arg11: memref<!tpu.dma_semaphore, #tpu.memory_space<semaphore_mem>>, %arg12: memref<!tpu.dma_semaphore, #tpu.memory_space<semaphore_mem>>, %arg13: memref<!tpu.dma_semaphore, #tpu.memory_space<semaphore_mem>>, %arg14: memref<!tpu.dma_semaphore, #tpu.memory_space<semaphore_mem>>, %arg15: memref<!tpu.dma_semaphore, #tpu.memory_space<semaphore_mem>>, %arg16: memref<!tpu.dma_semaphore, #tpu.memory_space<semaphore_mem>>, %arg17: memref<!tpu.dma_semaphore, #tpu.memory_space<semaphore_mem>>) attributes {dimension_semantics = [#tpu.dimension_semantics<core_parallel>, #tpu.dimension_semantics<subcore_parallel>], iteration_bounds = array<i64: 2, 16>, scalar_prefetch = 0 : i64, scratch_operands = 13 : i64, tpu.core_type = #tpu.core_type<sc_vector_subcore>, window_params = [{transform_indices = #map}, {transform_indices = #map}, {transform_indices = #map}]} {
    %mul3A = arith.constant 2 : i32
    %mul3A_0 = arith.muli %arg1, %mul3A : i32
    %add3A = arith.addi %mul3A_0, %arg0 : i32
    %mul3A_1 = arith.constant 1024 : i32
    %mul3A_2 = arith.muli %add3A, %mul3A_1 : i32
    %mul3A_3 = arith.constant 32 : i32
    %mul3A_4 = arith.muli %add3A, %mul3A_3 : i32
    "tpu.region"() ({
      %run_scoped3A = tpu.sem_alloc : memref<!tpu.dma_semaphore, #tpu.memory_space<semaphore_mem>>
      %dma_start3A_771 = arith.constant 0 : i32
      %dma_start3A_772 = tpu.memref_slice %arg2[%mul3A_4, %dma_start3A_771] : memref<1024x32xi32, #tpu.memory_space<hbm>> -> memref<32x32xi32, #tpu.memory_space<hbm>>
      %dma_start3A_773 = arith.constant 0 : i32
      %dma_start3A_774 = tpu.memref_slice %arg2[%mul3A_4, %dma_start3A_773] : memref<1024x32xi32, #tpu.memory_space<hbm>> -> memref<32x32xi32, #tpu.memory_space<hbm>>
      tpu.enqueue_dma source(%dma_start3A_774 : memref<32x32xi32, #tpu.memory_space<hbm>>) target(%arg5 : memref<32x32xi32, #tpu.memory_space<vmem>>) target_semaphore(%run_scoped3A : memref<!tpu.dma_semaphore, #tpu.memory_space<semaphore_mem>>)
      %dma_wait3A_775 = arith.constant 0 : i32
      %dma_wait3A_776 = tpu.memref_slice %arg2[%mul3A_4, %dma_wait3A_775] : memref<1024x32xi32, #tpu.memory_space<hbm>> -> memref<32x32xi32, #tpu.memory_space<hbm>>
      %dma_wait3A_777 = arith.constant 0 : i32
      %dma_wait3A_778 = tpu.memref_slice %arg2[%mul3A_4, %dma_wait3A_777] : memref<1024x32xi32, #tpu.memory_space<hbm>> -> memref<32x32xi32, #tpu.memory_space<hbm>>
      tpu.wait_dma2 semaphore(%run_scoped3A : memref<!tpu.dma_semaphore, #tpu.memory_space<semaphore_mem>>) src(%dma_wait3A_778 : memref<32x32xi32, #tpu.memory_space<hbm>>) dst(%arg5 : memref<32x32xi32, #tpu.memory_space<vmem>>)
      tpu.yield
    }) : () -> ()
    %dma_start3A = arith.constant 0 : i32
    %dma_start3A_5 = arith.constant 0 : i32
    %dma_start3A_6 = tpu.memref_slice %arg5[%dma_start3A, %dma_start3A_5] : memref<32x32xi32, #tpu.memory_space<vmem>> -> memref<1x32xi32, #tpu.memory_space<vmem>>
    %dma_start3A_7 = tpu.memref_squeeze %dma_start3A_6 : memref<1x32xi32, #tpu.memory_space<vmem>> -> memref<32xi32, #tpu.memory_space<vmem>>
    %dma_start3A_8 = arith.constant 0 : i32
    %dma_start3A_9 = arith.constant 0 : i32
    %dma_start3A_10 = tpu.memref_slice %arg3[%dma_start3A_8, %dma_start3A_9] : memref<8192x768xf32, #tpu.memory_space<hbm>> -> memref<8192x768xf32, #tpu.memory_space<hbm>>
    tpu.enqueue_indirect_dma source(%dma_start3A_10 : memref<8192x768xf32, #tpu.memory_space<hbm>>) target(%arg6 : memref<32x768xf32, #tpu.memory_space<vmem>>) offsets(%dma_start3A_7 : memref<32xi32, #tpu.memory_space<vmem>>) semaphore(%arg10 : memref<!tpu.dma_semaphore, #tpu.memory_space<semaphore_mem>>)
    %dma_start3A_11 = arith.constant 1 : i32
    %dma_start3A_12 = arith.constant 0 : i32
    %dma_start3A_13 = tpu.memref_slice %arg5[%dma_start3A_11, %dma_start3A_12] : memref<32x32xi32, #tpu.memory_space<vmem>> -> memref<1x32xi32, #tpu.memory_space<vmem>>
    %dma_start3A_14 = tpu.memref_squeeze %dma_start3A_13 : memref<1x32xi32, #tpu.memory_space<vmem>> -> memref<32xi32, #tpu.memory_space<vmem>>
    %dma_start3A_15 = arith.constant 0 : i32
    %dma_start3A_16 = arith.constant 0 : i32
    %dma_start3A_17 = tpu.memref_slice %arg3[%dma_start3A_15, %dma_start3A_16] : memref<8192x768xf32, #tpu.memory_space<hbm>> -> memref<8192x768xf32, #tpu.memory_space<hbm>>
    tpu.enqueue_indirect_dma source(%dma_start3A_17 : memref<8192x768xf32, #tpu.memory_space<hbm>>) target(%arg7 : memref<32x768xf32, #tpu.memory_space<vmem>>) offsets(%dma_start3A_14 : memref<32xi32, #tpu.memory_space<vmem>>) semaphore(%arg11 : memref<!tpu.dma_semaphore, #tpu.memory_space<semaphore_mem>>)
    %dma_start3A_18 = arith.constant 2 : i32
    %dma_start3A_19 = arith.constant 0 : i32
    %dma_start3A_20 = tpu.memref_slice %arg5[%dma_start3A_18, %dma_start3A_19] : memref<32x32xi32, #tpu.memory_space<vmem>> -> memref<1x32xi32, #tpu.memory_space<vmem>>
    %dma_start3A_21 = tpu.memref_squeeze %dma_start3A_20 : memref<1x32xi32, #tpu.memory_space<vmem>> -> memref<32xi32, #tpu.memory_space<vmem>>
    %dma_start3A_22 = arith.constant 0 : i32
    %dma_start3A_23 = arith.constant 0 : i32
    %dma_start3A_24 = tpu.memref_slice %arg3[%dma_start3A_22, %dma_start3A_23] : memref<8192x768xf32, #tpu.memory_space<hbm>> -> memref<8192x768xf32, #tpu.memory_space<hbm>>
    tpu.enqueue_indirect_dma source(%dma_start3A_24 : memref<8192x768xf32, #tpu.memory_space<hbm>>) target(%arg8 : memref<32x768xf32, #tpu.memory_space<vmem>>) offsets(%dma_start3A_21 : memref<32xi32, #tpu.memory_space<vmem>>) semaphore(%arg12 : memref<!tpu.dma_semaphore, #tpu.memory_space<semaphore_mem>>)
    %dma_start3A_25 = arith.constant 3 : i32
    %dma_start3A_26 = arith.constant 0 : i32
    %dma_start3A_27 = tpu.memref_slice %arg5[%dma_start3A_25, %dma_start3A_26] : memref<32x32xi32, #tpu.memory_space<vmem>> -> memref<1x32xi32, #tpu.memory_space<vmem>>
    %dma_start3A_28 = tpu.memref_squeeze %dma_start3A_27 : memref<1x32xi32, #tpu.memory_space<vmem>> -> memref<32xi32, #tpu.memory_space<vmem>>
    %dma_start3A_29 = arith.constant 0 : i32
    %dma_start3A_30 = arith.constant 0 : i32
    %dma_start3A_31 = tpu.memref_slice %arg3[%dma_start3A_29, %dma_start3A_30] : memref<8192x768xf32, #tpu.memory_space<hbm>> -> memref<8192x768xf32, #tpu.memory_space<hbm>>
    tpu.enqueue_indirect_dma source(%dma_start3A_31 : memref<8192x768xf32, #tpu.memory_space<hbm>>) target(%arg9 : memref<32x768xf32, #tpu.memory_space<vmem>>) offsets(%dma_start3A_28 : memref<32xi32, #tpu.memory_space<vmem>>) semaphore(%arg13 : memref<!tpu.dma_semaphore, #tpu.memory_space<semaphore_mem>>)
    %dma_wait3A = arith.constant 0 : i32
    %dma_wait3A_32 = arith.constant 0 : i32
    %dma_wait3A_33 = tpu.memref_slice %arg5[%dma_wait3A, %dma_wait3A_32] : memref<32x32xi32, #tpu.memory_space<vmem>> -> memref<1x32xi32, #tpu.memory_space<vmem>>
    %dma_wait3A_34 = tpu.memref_squeeze %dma_wait3A_33 : memref<1x32xi32, #tpu.memory_space<vmem>> -> memref<32xi32, #tpu.memory_space<vmem>>
    %dma_wait3A_35 = arith.constant 0 : i32
    %dma_wait3A_36 = arith.constant 0 : i32
    %dma_wait3A_37 = tpu.memref_slice %arg3[%dma_wait3A_35, %dma_wait3A_36] : memref<8192x768xf32, #tpu.memory_space<hbm>> -> memref<8192x768xf32, #tpu.memory_space<hbm>>
    tpu.wait_indirect_dma semaphore(%arg10 : memref<!tpu.dma_semaphore, #tpu.memory_space<semaphore_mem>>) src(%dma_wait3A_37 : memref<8192x768xf32, #tpu.memory_space<hbm>>) dst(%arg6 : memref<32x768xf32, #tpu.memory_space<vmem>>)
    %add3A_38 = arith.constant 0 : i32
    %add3A_39 = arith.addi %mul3A_2, %add3A_38 : i32
    %dma_start3A_40 = arith.constant 0 : i32
    %dma_start3A_41 = tpu.memref_slice %arg4[%add3A_39, %dma_start3A_40] : memref<32768x768xf32, #tpu.memory_space<hbm>> -> memref<32x768xf32, #tpu.memory_space<hbm>>
    %dma_start3A_42 = arith.constant 0 : i32
    %dma_start3A_43 = tpu.memref_slice %arg4[%add3A_39, %dma_start3A_42] : memref<32768x768xf32, #tpu.memory_space<hbm>> -> memref<32x768xf32, #tpu.memory_space<hbm>>
    tpu.enqueue_dma source(%arg6 : memref<32x768xf32, #tpu.memory_space<vmem>>) target(%dma_start3A_43 : memref<32x768xf32, #tpu.memory_space<hbm>>) target_semaphore(%arg14 : memref<!tpu.dma_semaphore, #tpu.memory_space<semaphore_mem>>)
    %dma_wait3A_44 = arith.constant 0 : i32
    %dma_wait3A_45 = tpu.memref_slice %arg4[%add3A_39, %dma_wait3A_44] : memref<32768x768xf32, #tpu.memory_space<hbm>> -> memref<32x768xf32, #tpu.memory_space<hbm>>
    %dma_wait3A_46 = arith.constant 0 : i32
    %dma_wait3A_47 = tpu.memref_slice %arg4[%add3A_39, %dma_wait3A_46] : memref<32768x768xf32, #tpu.memory_space<hbm>> -> memref<32x768xf32, #tpu.memory_space<hbm>>
    tpu.wait_dma2 semaphore(%arg14 : memref<!tpu.dma_semaphore, #tpu.memory_space<semaphore_mem>>) src(%arg6 : memref<32x768xf32, #tpu.memory_space<vmem>>) dst(%dma_wait3A_47 : memref<32x768xf32, #tpu.memory_space<hbm>>)
    %dma_start3A_48 = arith.constant 4 : i32
    %dma_start3A_49 = arith.constant 0 : i32
    %dma_start3A_50 = tpu.memref_slice %arg5[%dma_start3A_48, %dma_start3A_49] : memref<32x32xi32, #tpu.memory_space<vmem>> -> memref<1x32xi32, #tpu.memory_space<vmem>>
    %dma_start3A_51 = tpu.memref_squeeze %dma_start3A_50 : memref<1x32xi32, #tpu.memory_space<vmem>> -> memref<32xi32, #tpu.memory_space<vmem>>
    %dma_start3A_52 = arith.constant 0 : i32
    %dma_start3A_53 = arith.constant 0 : i32
    %dma_start3A_54 = tpu.memref_slice %arg3[%dma_start3A_52, %dma_start3A_53] : memref<8192x768xf32, #tpu.memory_space<hbm>> -> memref<8192x768xf32, #tpu.memory_space<hbm>>
    tpu.enqueue_indirect_dma source(%dma_start3A_54 : memref<8192x768xf32, #tpu.memory_space<hbm>>) target(%arg6 : memref<32x768xf32, #tpu.memory_space<vmem>>) offsets(%dma_start3A_51 : memref<32xi32, #tpu.memory_space<vmem>>) semaphore(%arg10 : memref<!tpu.dma_semaphore, #tpu.memory_space<semaphore_mem>>)
    %dma_wait3A_55 = arith.constant 1 : i32
    %dma_wait3A_56 = arith.constant 0 : i32
    %dma_wait3A_57 = tpu.memref_slice %arg5[%dma_wait3A_55, %dma_wait3A_56] : memref<32x32xi32, #tpu.memory_space<vmem>> -> memref<1x32xi32, #tpu.memory_space<vmem>>
    %dma_wait3A_58 = tpu.memref_squeeze %dma_wait3A_57 : memref<1x32xi32, #tpu.memory_space<vmem>> -> memref<32xi32, #tpu.memory_space<vmem>>
    %dma_wait3A_59 = arith.constant 0 : i32
    %dma_wait3A_60 = arith.constant 0 : i32
    %dma_wait3A_61 = tpu.memref_slice %arg3[%dma_wait3A_59, %dma_wait3A_60] : memref<8192x768xf32, #tpu.memory_space<hbm>> -> memref<8192x768xf32, #tpu.memory_space<hbm>>
    tpu.wait_indirect_dma semaphore(%arg11 : memref<!tpu.dma_semaphore, #tpu.memory_space<semaphore_mem>>) src(%dma_wait3A_61 : memref<8192x768xf32, #tpu.memory_space<hbm>>) dst(%arg7 : memref<32x768xf32, #tpu.memory_space<vmem>>)
    %add3A_62 = arith.constant 32 : i32
    %add3A_63 = arith.addi %mul3A_2, %add3A_62 : i32
    %dma_start3A_64 = arith.constant 0 : i32
    %dma_start3A_65 = tpu.memref_slice %arg4[%add3A_63, %dma_start3A_64] : memref<32768x768xf32, #tpu.memory_space<hbm>> -> memref<32x768xf32, #tpu.memory_space<hbm>>
    %dma_start3A_66 = arith.constant 0 : i32
    %dma_start3A_67 = tpu.memref_slice %arg4[%add3A_63, %dma_start3A_66] : memref<32768x768xf32, #tpu.memory_space<hbm>> -> memref<32x768xf32, #tpu.memory_space<hbm>>
    tpu.enqueue_dma source(%arg7 : memref<32x768xf32, #tpu.memory_space<vmem>>) target(%dma_start3A_67 : memref<32x768xf32, #tpu.memory_space<hbm>>) target_semaphore(%arg15 : memref<!tpu.dma_semaphore, #tpu.memory_space<semaphore_mem>>)
    %dma_wait3A_68 = arith.constant 0 : i32
    %dma_wait3A_69 = tpu.memref_slice %arg4[%add3A_63, %dma_wait3A_68] : memref<32768x768xf32, #tpu.memory_space<hbm>> -> memref<32x768xf32, #tpu.memory_space<hbm>>
    %dma_wait3A_70 = arith.constant 0 : i32
    %dma_wait3A_71 = tpu.memref_slice %arg4[%add3A_63, %dma_wait3A_70] : memref<32768x768xf32, #tpu.memory_space<hbm>> -> memref<32x768xf32, #tpu.memory_space<hbm>>
    tpu.wait_dma2 semaphore(%arg15 : memref<!tpu.dma_semaphore, #tpu.memory_space<semaphore_mem>>) src(%arg7 : memref<32x768xf32, #tpu.memory_space<vmem>>) dst(%dma_wait3A_71 : memref<32x768xf32, #tpu.memory_space<hbm>>)
    %dma_start3A_72 = arith.constant 5 : i32
    %dma_start3A_73 = arith.constant 0 : i32
    %dma_start3A_74 = tpu.memref_slice %arg5[%dma_start3A_72, %dma_start3A_73] : memref<32x32xi32, #tpu.memory_space<vmem>> -> memref<1x32xi32, #tpu.memory_space<vmem>>
    %dma_start3A_75 = tpu.memref_squeeze %dma_start3A_74 : memref<1x32xi32, #tpu.memory_space<vmem>> -> memref<32xi32, #tpu.memory_space<vmem>>
    %dma_start3A_76 = arith.constant 0 : i32
    %dma_start3A_77 = arith.constant 0 : i32
    %dma_start3A_78 = tpu.memref_slice %arg3[%dma_start3A_76, %dma_start3A_77] : memref<8192x768xf32, #tpu.memory_space<hbm>> -> memref<8192x768xf32, #tpu.memory_space<hbm>>
    tpu.enqueue_indirect_dma source(%dma_start3A_78 : memref<8192x768xf32, #tpu.memory_space<hbm>>) target(%arg7 : memref<32x768xf32, #tpu.memory_space<vmem>>) offsets(%dma_start3A_75 : memref<32xi32, #tpu.memory_space<vmem>>) semaphore(%arg11 : memref<!tpu.dma_semaphore, #tpu.memory_space<semaphore_mem>>)
    %dma_wait3A_79 = arith.constant 2 : i32
    %dma_wait3A_80 = arith.constant 0 : i32
    %dma_wait3A_81 = tpu.memref_slice %arg5[%dma_wait3A_79, %dma_wait3A_80] : memref<32x32xi32, #tpu.memory_space<vmem>> -> memref<1x32xi32, #tpu.memory_space<vmem>>
    %dma_wait3A_82 = tpu.memref_squeeze %dma_wait3A_81 : memref<1x32xi32, #tpu.memory_space<vmem>> -> memref<32xi32, #tpu.memory_space<vmem>>
    %dma_wait3A_83 = arith.constant 0 : i32
    %dma_wait3A_84 = arith.constant 0 : i32
    %dma_wait3A_85 = tpu.memref_slice %arg3[%dma_wait3A_83, %dma_wait3A_84] : memref<8192x768xf32, #tpu.memory_space<hbm>> -> memref<8192x768xf32, #tpu.memory_space<hbm>>
    tpu.wait_indirect_dma semaphore(%arg12 : memref<!tpu.dma_semaphore, #tpu.memory_space<semaphore_mem>>) src(%dma_wait3A_85 : memref<8192x768xf32, #tpu.memory_space<hbm>>) dst(%arg8 : memref<32x768xf32, #tpu.memory_space<vmem>>)
    %add3A_86 = arith.constant 64 : i32
    %add3A_87 = arith.addi %mul3A_2, %add3A_86 : i32
    %dma_start3A_88 = arith.constant 0 : i32
    %dma_start3A_89 = tpu.memref_slice %arg4[%add3A_87, %dma_start3A_88] : memref<32768x768xf32, #tpu.memory_space<hbm>> -> memref<32x768xf32, #tpu.memory_space<hbm>>
    %dma_start3A_90 = arith.constant 0 : i32
    %dma_start3A_91 = tpu.memref_slice %arg4[%add3A_87, %dma_start3A_90] : memref<32768x768xf32, #tpu.memory_space<hbm>> -> memref<32x768xf32, #tpu.memory_space<hbm>>
    tpu.enqueue_dma source(%arg8 : memref<32x768xf32, #tpu.memory_space<vmem>>) target(%dma_start3A_91 : memref<32x768xf32, #tpu.memory_space<hbm>>) target_semaphore(%arg16 : memref<!tpu.dma_semaphore, #tpu.memory_space<semaphore_mem>>)
    %dma_wait3A_92 = arith.constant 0 : i32
    %dma_wait3A_93 = tpu.memref_slice %arg4[%add3A_87, %dma_wait3A_92] : memref<32768x768xf32, #tpu.memory_space<hbm>> -> memref<32x768xf32, #tpu.memory_space<hbm>>
    %dma_wait3A_94 = arith.constant 0 : i32
    %dma_wait3A_95 = tpu.memref_slice %arg4[%add3A_87, %dma_wait3A_94] : memref<32768x768xf32, #tpu.memory_space<hbm>> -> memref<32x768xf32, #tpu.memory_space<hbm>>
    tpu.wait_dma2 semaphore(%arg16 : memref<!tpu.dma_semaphore, #tpu.memory_space<semaphore_mem>>) src(%arg8 : memref<32x768xf32, #tpu.memory_space<vmem>>) dst(%dma_wait3A_95 : memref<32x768xf32, #tpu.memory_space<hbm>>)
    %dma_start3A_96 = arith.constant 6 : i32
    %dma_start3A_97 = arith.constant 0 : i32
    %dma_start3A_98 = tpu.memref_slice %arg5[%dma_start3A_96, %dma_start3A_97] : memref<32x32xi32, #tpu.memory_space<vmem>> -> memref<1x32xi32, #tpu.memory_space<vmem>>
    %dma_start3A_99 = tpu.memref_squeeze %dma_start3A_98 : memref<1x32xi32, #tpu.memory_space<vmem>> -> memref<32xi32, #tpu.memory_space<vmem>>
    %dma_start3A_100 = arith.constant 0 : i32
    %dma_start3A_101 = arith.constant 0 : i32
    %dma_start3A_102 = tpu.memref_slice %arg3[%dma_start3A_100, %dma_start3A_101] : memref<8192x768xf32, #tpu.memory_space<hbm>> -> memref<8192x768xf32, #tpu.memory_space<hbm>>
    tpu.enqueue_indirect_dma source(%dma_start3A_102 : memref<8192x768xf32, #tpu.memory_space<hbm>>) target(%arg8 : memref<32x768xf32, #tpu.memory_space<vmem>>) offsets(%dma_start3A_99 : memref<32xi32, #tpu.memory_space<vmem>>) semaphore(%arg12 : memref<!tpu.dma_semaphore, #tpu.memory_space<semaphore_mem>>)
    %dma_wait3A_103 = arith.constant 3 : i32
    %dma_wait3A_104 = arith.constant 0 : i32
    %dma_wait3A_105 = tpu.memref_slice %arg5[%dma_wait3A_103, %dma_wait3A_104] : memref<32x32xi32, #tpu.memory_space<vmem>> -> memref<1x32xi32, #tpu.memory_space<vmem>>
    %dma_wait3A_106 = tpu.memref_squeeze %dma_wait3A_105 : memref<1x32xi32, #tpu.memory_space<vmem>> -> memref<32xi32, #tpu.memory_space<vmem>>
    %dma_wait3A_107 = arith.constant 0 : i32
    %dma_wait3A_108 = arith.constant 0 : i32
    %dma_wait3A_109 = tpu.memref_slice %arg3[%dma_wait3A_107, %dma_wait3A_108] : memref<8192x768xf32, #tpu.memory_space<hbm>> -> memref<8192x768xf32, #tpu.memory_space<hbm>>
    tpu.wait_indirect_dma semaphore(%arg13 : memref<!tpu.dma_semaphore, #tpu.memory_space<semaphore_mem>>) src(%dma_wait3A_109 : memref<8192x768xf32, #tpu.memory_space<hbm>>) dst(%arg9 : memref<32x768xf32, #tpu.memory_space<vmem>>)
    %add3A_110 = arith.constant 96 : i32
    %add3A_111 = arith.addi %mul3A_2, %add3A_110 : i32
    %dma_start3A_112 = arith.constant 0 : i32
    %dma_start3A_113 = tpu.memref_slice %arg4[%add3A_111, %dma_start3A_112] : memref<32768x768xf32, #tpu.memory_space<hbm>> -> memref<32x768xf32, #tpu.memory_space<hbm>>
    %dma_start3A_114 = arith.constant 0 : i32
    %dma_start3A_115 = tpu.memref_slice %arg4[%add3A_111, %dma_start3A_114] : memref<32768x768xf32, #tpu.memory_space<hbm>> -> memref<32x768xf32, #tpu.memory_space<hbm>>
    tpu.enqueue_dma source(%arg9 : memref<32x768xf32, #tpu.memory_space<vmem>>) target(%dma_start3A_115 : memref<32x768xf32, #tpu.memory_space<hbm>>) target_semaphore(%arg17 : memref<!tpu.dma_semaphore, #tpu.memory_space<semaphore_mem>>)
    %dma_wait3A_116 = arith.constant 0 : i32
    %dma_wait3A_117 = tpu.memref_slice %arg4[%add3A_111, %dma_wait3A_116] : memref<32768x768xf32, #tpu.memory_space<hbm>> -> memref<32x768xf32, #tpu.memory_space<hbm>>
    %dma_wait3A_118 = arith.constant 0 : i32
    %dma_wait3A_119 = tpu.memref_slice %arg4[%add3A_111, %dma_wait3A_118] : memref<32768x768xf32, #tpu.memory_space<hbm>> -> memref<32x768xf32, #tpu.memory_space<hbm>>
    tpu.wait_dma2 semaphore(%arg17 : memref<!tpu.dma_semaphore, #tpu.memory_space<semaphore_mem>>) src(%arg9 : memref<32x768xf32, #tpu.memory_space<vmem>>) dst(%dma_wait3A_119 : memref<32x768xf32, #tpu.memory_space<hbm>>)
    %dma_start3A_120 = arith.constant 7 : i32
    %dma_start3A_121 = arith.constant 0 : i32
    %dma_start3A_122 = tpu.memref_slice %arg5[%dma_start3A_120, %dma_start3A_121] : memref<32x32xi32, #tpu.memory_space<vmem>> -> memref<1x32xi32, #tpu.memory_space<vmem>>
    %dma_start3A_123 = tpu.memref_squeeze %dma_start3A_122 : memref<1x32xi32, #tpu.memory_space<vmem>> -> memref<32xi32, #tpu.memory_space<vmem>>
    %dma_start3A_124 = arith.constant 0 : i32
    %dma_start3A_125 = arith.constant 0 : i32
    %dma_start3A_126 = tpu.memref_slice %arg3[%dma_start3A_124, %dma_start3A_125] : memref<8192x768xf32, #tpu.memory_space<hbm>> -> memref<8192x768xf32, #tpu.memory_space<hbm>>
    tpu.enqueue_indirect_dma source(%dma_start3A_126 : memref<8192x768xf32, #tpu.memory_space<hbm>>) target(%arg9 : memref<32x768xf32, #tpu.memory_space<vmem>>) offsets(%dma_start3A_123 : memref<32xi32, #tpu.memory_space<vmem>>) semaphore(%arg13 : memref<!tpu.dma_semaphore, #tpu.memory_space<semaphore_mem>>)
    %dma_wait3A_127 = arith.constant 4 : i32
    %dma_wait3A_128 = arith.constant 0 : i32
    %dma_wait3A_129 = tpu.memref_slice %arg5[%dma_wait3A_127, %dma_wait3A_128] : memref<32x32xi32, #tpu.memory_space<vmem>> -> memref<1x32xi32, #tpu.memory_space<vmem>>
    %dma_wait3A_130 = tpu.memref_squeeze %dma_wait3A_129 : memref<1x32xi32, #tpu.memory_space<vmem>> -> memref<32xi32, #tpu.memory_space<vmem>>
    %dma_wait3A_131 = arith.constant 0 : i32
    %dma_wait3A_132 = arith.constant 0 : i32
    %dma_wait3A_133 = tpu.memref_slice %arg3[%dma_wait3A_131, %dma_wait3A_132] : memref<8192x768xf32, #tpu.memory_space<hbm>> -> memref<8192x768xf32, #tpu.memory_space<hbm>>
    tpu.wait_indirect_dma semaphore(%arg10 : memref<!tpu.dma_semaphore, #tpu.memory_space<semaphore_mem>>) src(%dma_wait3A_133 : memref<8192x768xf32, #tpu.memory_space<hbm>>) dst(%arg6 : memref<32x768xf32, #tpu.memory_space<vmem>>)
    %add3A_134 = arith.constant 128 : i32
    %add3A_135 = arith.addi %mul3A_2, %add3A_134 : i32
    %dma_start3A_136 = arith.constant 0 : i32
    %dma_start3A_137 = tpu.memref_slice %arg4[%add3A_135, %dma_start3A_136] : memref<32768x768xf32, #tpu.memory_space<hbm>> -> memref<32x768xf32, #tpu.memory_space<hbm>>
    %dma_start3A_138 = arith.constant 0 : i32
    %dma_start3A_139 = tpu.memref_slice %arg4[%add3A_135, %dma_start3A_138] : memref<32768x768xf32, #tpu.memory_space<hbm>> -> memref<32x768xf32, #tpu.memory_space<hbm>>
    tpu.enqueue_dma source(%arg6 : memref<32x768xf32, #tpu.memory_space<vmem>>) target(%dma_start3A_139 : memref<32x768xf32, #tpu.memory_space<hbm>>) target_semaphore(%arg14 : memref<!tpu.dma_semaphore, #tpu.memory_space<semaphore_mem>>)
    %dma_wait3A_140 = arith.constant 0 : i32
    %dma_wait3A_141 = tpu.memref_slice %arg4[%add3A_135, %dma_wait3A_140] : memref<32768x768xf32, #tpu.memory_space<hbm>> -> memref<32x768xf32, #tpu.memory_space<hbm>>
    %dma_wait3A_142 = arith.constant 0 : i32
    %dma_wait3A_143 = tpu.memref_slice %arg4[%add3A_135, %dma_wait3A_142] : memref<32768x768xf32, #tpu.memory_space<hbm>> -> memref<32x768xf32, #tpu.memory_space<hbm>>
    tpu.wait_dma2 semaphore(%arg14 : memref<!tpu.dma_semaphore, #tpu.memory_space<semaphore_mem>>) src(%arg6 : memref<32x768xf32, #tpu.memory_space<vmem>>) dst(%dma_wait3A_143 : memref<32x768xf32, #tpu.memory_space<hbm>>)
    %dma_start3A_144 = arith.constant 8 : i32
    %dma_start3A_145 = arith.constant 0 : i32
    %dma_start3A_146 = tpu.memref_slice %arg5[%dma_start3A_144, %dma_start3A_145] : memref<32x32xi32, #tpu.memory_space<vmem>> -> memref<1x32xi32, #tpu.memory_space<vmem>>
    %dma_start3A_147 = tpu.memref_squeeze %dma_start3A_146 : memref<1x32xi32, #tpu.memory_space<vmem>> -> memref<32xi32, #tpu.memory_space<vmem>>
    %dma_start3A_148 = arith.constant 0 : i32
    %dma_start3A_149 = arith.constant 0 : i32
    %dma_start3A_150 = tpu.memref_slice %arg3[%dma_start3A_148, %dma_start3A_149] : memref<8192x768xf32, #tpu.memory_space<hbm>> -> memref<8192x768xf32, #tpu.memory_space<hbm>>
    tpu.enqueue_indirect_dma source(%dma_start3A_150 : memref<8192x768xf32, #tpu.memory_space<hbm>>) target(%arg6 : memref<32x768xf32, #tpu.memory_space<vmem>>) offsets(%dma_start3A_147 : memref<32xi32, #tpu.memory_space<vmem>>) semaphore(%arg10 : memref<!tpu.dma_semaphore, #tpu.memory_space<semaphore_mem>>)
    %dma_wait3A_151 = arith.constant 5 : i32
    %dma_wait3A_152 = arith.constant 0 : i32
    %dma_wait3A_153 = tpu.memref_slice %arg5[%dma_wait3A_151, %dma_wait3A_152] : memref<32x32xi32, #tpu.memory_space<vmem>> -> memref<1x32xi32, #tpu.memory_space<vmem>>
    %dma_wait3A_154 = tpu.memref_squeeze %dma_wait3A_153 : memref<1x32xi32, #tpu.memory_space<vmem>> -> memref<32xi32, #tpu.memory_space<vmem>>
    %dma_wait3A_155 = arith.constant 0 : i32
    %dma_wait3A_156 = arith.constant 0 : i32
    %dma_wait3A_157 = tpu.memref_slice %arg3[%dma_wait3A_155, %dma_wait3A_156] : memref<8192x768xf32, #tpu.memory_space<hbm>> -> memref<8192x768xf32, #tpu.memory_space<hbm>>
    tpu.wait_indirect_dma semaphore(%arg11 : memref<!tpu.dma_semaphore, #tpu.memory_space<semaphore_mem>>) src(%dma_wait3A_157 : memref<8192x768xf32, #tpu.memory_space<hbm>>) dst(%arg7 : memref<32x768xf32, #tpu.memory_space<vmem>>)
    %add3A_158 = arith.constant 160 : i32
    %add3A_159 = arith.addi %mul3A_2, %add3A_158 : i32
    %dma_start3A_160 = arith.constant 0 : i32
    %dma_start3A_161 = tpu.memref_slice %arg4[%add3A_159, %dma_start3A_160] : memref<32768x768xf32, #tpu.memory_space<hbm>> -> memref<32x768xf32, #tpu.memory_space<hbm>>
    %dma_start3A_162 = arith.constant 0 : i32
    %dma_start3A_163 = tpu.memref_slice %arg4[%add3A_159, %dma_start3A_162] : memref<32768x768xf32, #tpu.memory_space<hbm>> -> memref<32x768xf32, #tpu.memory_space<hbm>>
    tpu.enqueue_dma source(%arg7 : memref<32x768xf32, #tpu.memory_space<vmem>>) target(%dma_start3A_163 : memref<32x768xf32, #tpu.memory_space<hbm>>) target_semaphore(%arg15 : memref<!tpu.dma_semaphore, #tpu.memory_space<semaphore_mem>>)
    %dma_wait3A_164 = arith.constant 0 : i32
    %dma_wait3A_165 = tpu.memref_slice %arg4[%add3A_159, %dma_wait3A_164] : memref<32768x768xf32, #tpu.memory_space<hbm>> -> memref<32x768xf32, #tpu.memory_space<hbm>>
    %dma_wait3A_166 = arith.constant 0 : i32
    %dma_wait3A_167 = tpu.memref_slice %arg4[%add3A_159, %dma_wait3A_166] : memref<32768x768xf32, #tpu.memory_space<hbm>> -> memref<32x768xf32, #tpu.memory_space<hbm>>
    tpu.wait_dma2 semaphore(%arg15 : memref<!tpu.dma_semaphore, #tpu.memory_space<semaphore_mem>>) src(%arg7 : memref<32x768xf32, #tpu.memory_space<vmem>>) dst(%dma_wait3A_167 : memref<32x768xf32, #tpu.memory_space<hbm>>)
    %dma_start3A_168 = arith.constant 9 : i32
    %dma_start3A_169 = arith.constant 0 : i32
    %dma_start3A_170 = tpu.memref_slice %arg5[%dma_start3A_168, %dma_start3A_169] : memref<32x32xi32, #tpu.memory_space<vmem>> -> memref<1x32xi32, #tpu.memory_space<vmem>>
    %dma_start3A_171 = tpu.memref_squeeze %dma_start3A_170 : memref<1x32xi32, #tpu.memory_space<vmem>> -> memref<32xi32, #tpu.memory_space<vmem>>
    %dma_start3A_172 = arith.constant 0 : i32
    %dma_start3A_173 = arith.constant 0 : i32
    %dma_start3A_174 = tpu.memref_slice %arg3[%dma_start3A_172, %dma_start3A_173] : memref<8192x768xf32, #tpu.memory_space<hbm>> -> memref<8192x768xf32, #tpu.memory_space<hbm>>
    tpu.enqueue_indirect_dma source(%dma_start3A_174 : memref<8192x768xf32, #tpu.memory_space<hbm>>) target(%arg7 : memref<32x768xf32, #tpu.memory_space<vmem>>) offsets(%dma_start3A_171 : memref<32xi32, #tpu.memory_space<vmem>>) semaphore(%arg11 : memref<!tpu.dma_semaphore, #tpu.memory_space<semaphore_mem>>)
    %dma_wait3A_175 = arith.constant 6 : i32
    %dma_wait3A_176 = arith.constant 0 : i32
    %dma_wait3A_177 = tpu.memref_slice %arg5[%dma_wait3A_175, %dma_wait3A_176] : memref<32x32xi32, #tpu.memory_space<vmem>> -> memref<1x32xi32, #tpu.memory_space<vmem>>
    %dma_wait3A_178 = tpu.memref_squeeze %dma_wait3A_177 : memref<1x32xi32, #tpu.memory_space<vmem>> -> memref<32xi32, #tpu.memory_space<vmem>>
    %dma_wait3A_179 = arith.constant 0 : i32
    %dma_wait3A_180 = arith.constant 0 : i32
    %dma_wait3A_181 = tpu.memref_slice %arg3[%dma_wait3A_179, %dma_wait3A_180] : memref<8192x768xf32, #tpu.memory_space<hbm>> -> memref<8192x768xf32, #tpu.memory_space<hbm>>
    tpu.wait_indirect_dma semaphore(%arg12 : memref<!tpu.dma_semaphore, #tpu.memory_space<semaphore_mem>>) src(%dma_wait3A_181 : memref<8192x768xf32, #tpu.memory_space<hbm>>) dst(%arg8 : memref<32x768xf32, #tpu.memory_space<vmem>>)
    %add3A_182 = arith.constant 192 : i32
    %add3A_183 = arith.addi %mul3A_2, %add3A_182 : i32
    %dma_start3A_184 = arith.constant 0 : i32
    %dma_start3A_185 = tpu.memref_slice %arg4[%add3A_183, %dma_start3A_184] : memref<32768x768xf32, #tpu.memory_space<hbm>> -> memref<32x768xf32, #tpu.memory_space<hbm>>
    %dma_start3A_186 = arith.constant 0 : i32
    %dma_start3A_187 = tpu.memref_slice %arg4[%add3A_183, %dma_start3A_186] : memref<32768x768xf32, #tpu.memory_space<hbm>> -> memref<32x768xf32, #tpu.memory_space<hbm>>
    tpu.enqueue_dma source(%arg8 : memref<32x768xf32, #tpu.memory_space<vmem>>) target(%dma_start3A_187 : memref<32x768xf32, #tpu.memory_space<hbm>>) target_semaphore(%arg16 : memref<!tpu.dma_semaphore, #tpu.memory_space<semaphore_mem>>)
    %dma_wait3A_188 = arith.constant 0 : i32
    %dma_wait3A_189 = tpu.memref_slice %arg4[%add3A_183, %dma_wait3A_188] : memref<32768x768xf32, #tpu.memory_space<hbm>> -> memref<32x768xf32, #tpu.memory_space<hbm>>
    %dma_wait3A_190 = arith.constant 0 : i32
    %dma_wait3A_191 = tpu.memref_slice %arg4[%add3A_183, %dma_wait3A_190] : memref<32768x768xf32, #tpu.memory_space<hbm>> -> memref<32x768xf32, #tpu.memory_space<hbm>>
    tpu.wait_dma2 semaphore(%arg16 : memref<!tpu.dma_semaphore, #tpu.memory_space<semaphore_mem>>) src(%arg8 : memref<32x768xf32, #tpu.memory_space<vmem>>) dst(%dma_wait3A_191 : memref<32x768xf32, #tpu.memory_space<hbm>>)
    %dma_start3A_192 = arith.constant 10 : i32
    %dma_start3A_193 = arith.constant 0 : i32
    %dma_start3A_194 = tpu.memref_slice %arg5[%dma_start3A_192, %dma_start3A_193] : memref<32x32xi32, #tpu.memory_space<vmem>> -> memref<1x32xi32, #tpu.memory_space<vmem>>
    %dma_start3A_195 = tpu.memref_squeeze %dma_start3A_194 : memref<1x32xi32, #tpu.memory_space<vmem>> -> memref<32xi32, #tpu.memory_space<vmem>>
    %dma_start3A_196 = arith.constant 0 : i32
    %dma_start3A_197 = arith.constant 0 : i32
    %dma_start3A_198 = tpu.memref_slice %arg3[%dma_start3A_196, %dma_start3A_197] : memref<8192x768xf32, #tpu.memory_space<hbm>> -> memref<8192x768xf32, #tpu.memory_space<hbm>>
    tpu.enqueue_indirect_dma source(%dma_start3A_198 : memref<8192x768xf32, #tpu.memory_space<hbm>>) target(%arg8 : memref<32x768xf32, #tpu.memory_space<vmem>>) offsets(%dma_start3A_195 : memref<32xi32, #tpu.memory_space<vmem>>) semaphore(%arg12 : memref<!tpu.dma_semaphore, #tpu.memory_space<semaphore_mem>>)
    %dma_wait3A_199 = arith.constant 7 : i32
    %dma_wait3A_200 = arith.constant 0 : i32
    %dma_wait3A_201 = tpu.memref_slice %arg5[%dma_wait3A_199, %dma_wait3A_200] : memref<32x32xi32, #tpu.memory_space<vmem>> -> memref<1x32xi32, #tpu.memory_space<vmem>>
    %dma_wait3A_202 = tpu.memref_squeeze %dma_wait3A_201 : memref<1x32xi32, #tpu.memory_space<vmem>> -> memref<32xi32, #tpu.memory_space<vmem>>
    %dma_wait3A_203 = arith.constant 0 : i32
    %dma_wait3A_204 = arith.constant 0 : i32
    %dma_wait3A_205 = tpu.memref_slice %arg3[%dma_wait3A_203, %dma_wait3A_204] : memref<8192x768xf32, #tpu.memory_space<hbm>> -> memref<8192x768xf32, #tpu.memory_space<hbm>>
    tpu.wait_indirect_dma semaphore(%arg13 : memref<!tpu.dma_semaphore, #tpu.memory_space<semaphore_mem>>) src(%dma_wait3A_205 : memref<8192x768xf32, #tpu.memory_space<hbm>>) dst(%arg9 : memref<32x768xf32, #tpu.memory_space<vmem>>)
    %add3A_206 = arith.constant 224 : i32
    %add3A_207 = arith.addi %mul3A_2, %add3A_206 : i32
    %dma_start3A_208 = arith.constant 0 : i32
    %dma_start3A_209 = tpu.memref_slice %arg4[%add3A_207, %dma_start3A_208] : memref<32768x768xf32, #tpu.memory_space<hbm>> -> memref<32x768xf32, #tpu.memory_space<hbm>>
    %dma_start3A_210 = arith.constant 0 : i32
    %dma_start3A_211 = tpu.memref_slice %arg4[%add3A_207, %dma_start3A_210] : memref<32768x768xf32, #tpu.memory_space<hbm>> -> memref<32x768xf32, #tpu.memory_space<hbm>>
    tpu.enqueue_dma source(%arg9 : memref<32x768xf32, #tpu.memory_space<vmem>>) target(%dma_start3A_211 : memref<32x768xf32, #tpu.memory_space<hbm>>) target_semaphore(%arg17 : memref<!tpu.dma_semaphore, #tpu.memory_space<semaphore_mem>>)
    %dma_wait3A_212 = arith.constant 0 : i32
    %dma_wait3A_213 = tpu.memref_slice %arg4[%add3A_207, %dma_wait3A_212] : memref<32768x768xf32, #tpu.memory_space<hbm>> -> memref<32x768xf32, #tpu.memory_space<hbm>>
    %dma_wait3A_214 = arith.constant 0 : i32
    %dma_wait3A_215 = tpu.memref_slice %arg4[%add3A_207, %dma_wait3A_214] : memref<32768x768xf32, #tpu.memory_space<hbm>> -> memref<32x768xf32, #tpu.memory_space<hbm>>
    tpu.wait_dma2 semaphore(%arg17 : memref<!tpu.dma_semaphore, #tpu.memory_space<semaphore_mem>>) src(%arg9 : memref<32x768xf32, #tpu.memory_space<vmem>>) dst(%dma_wait3A_215 : memref<32x768xf32, #tpu.memory_space<hbm>>)
    %dma_start3A_216 = arith.constant 11 : i32
    %dma_start3A_217 = arith.constant 0 : i32
    %dma_start3A_218 = tpu.memref_slice %arg5[%dma_start3A_216, %dma_start3A_217] : memref<32x32xi32, #tpu.memory_space<vmem>> -> memref<1x32xi32, #tpu.memory_space<vmem>>
    %dma_start3A_219 = tpu.memref_squeeze %dma_start3A_218 : memref<1x32xi32, #tpu.memory_space<vmem>> -> memref<32xi32, #tpu.memory_space<vmem>>
    %dma_start3A_220 = arith.constant 0 : i32
    %dma_start3A_221 = arith.constant 0 : i32
    %dma_start3A_222 = tpu.memref_slice %arg3[%dma_start3A_220, %dma_start3A_221] : memref<8192x768xf32, #tpu.memory_space<hbm>> -> memref<8192x768xf32, #tpu.memory_space<hbm>>
    tpu.enqueue_indirect_dma source(%dma_start3A_222 : memref<8192x768xf32, #tpu.memory_space<hbm>>) target(%arg9 : memref<32x768xf32, #tpu.memory_space<vmem>>) offsets(%dma_start3A_219 : memref<32xi32, #tpu.memory_space<vmem>>) semaphore(%arg13 : memref<!tpu.dma_semaphore, #tpu.memory_space<semaphore_mem>>)
    %dma_wait3A_223 = arith.constant 8 : i32
    %dma_wait3A_224 = arith.constant 0 : i32
    %dma_wait3A_225 = tpu.memref_slice %arg5[%dma_wait3A_223, %dma_wait3A_224] : memref<32x32xi32, #tpu.memory_space<vmem>> -> memref<1x32xi32, #tpu.memory_space<vmem>>
    %dma_wait3A_226 = tpu.memref_squeeze %dma_wait3A_225 : memref<1x32xi32, #tpu.memory_space<vmem>> -> memref<32xi32, #tpu.memory_space<vmem>>
    %dma_wait3A_227 = arith.constant 0 : i32
    %dma_wait3A_228 = arith.constant 0 : i32
    %dma_wait3A_229 = tpu.memref_slice %arg3[%dma_wait3A_227, %dma_wait3A_228] : memref<8192x768xf32, #tpu.memory_space<hbm>> -> memref<8192x768xf32, #tpu.memory_space<hbm>>
    tpu.wait_indirect_dma semaphore(%arg10 : memref<!tpu.dma_semaphore, #tpu.memory_space<semaphore_mem>>) src(%dma_wait3A_229 : memref<8192x768xf32, #tpu.memory_space<hbm>>) dst(%arg6 : memref<32x768xf32, #tpu.memory_space<vmem>>)
    %add3A_230 = arith.constant 256 : i32
    %add3A_231 = arith.addi %mul3A_2, %add3A_230 : i32
    %dma_start3A_232 = arith.constant 0 : i32
    %dma_start3A_233 = tpu.memref_slice %arg4[%add3A_231, %dma_start3A_232] : memref<32768x768xf32, #tpu.memory_space<hbm>> -> memref<32x768xf32, #tpu.memory_space<hbm>>
    %dma_start3A_234 = arith.constant 0 : i32
    %dma_start3A_235 = tpu.memref_slice %arg4[%add3A_231, %dma_start3A_234] : memref<32768x768xf32, #tpu.memory_space<hbm>> -> memref<32x768xf32, #tpu.memory_space<hbm>>
    tpu.enqueue_dma source(%arg6 : memref<32x768xf32, #tpu.memory_space<vmem>>) target(%dma_start3A_235 : memref<32x768xf32, #tpu.memory_space<hbm>>) target_semaphore(%arg14 : memref<!tpu.dma_semaphore, #tpu.memory_space<semaphore_mem>>)
    %dma_wait3A_236 = arith.constant 0 : i32
    %dma_wait3A_237 = tpu.memref_slice %arg4[%add3A_231, %dma_wait3A_236] : memref<32768x768xf32, #tpu.memory_space<hbm>> -> memref<32x768xf32, #tpu.memory_space<hbm>>
    %dma_wait3A_238 = arith.constant 0 : i32
    %dma_wait3A_239 = tpu.memref_slice %arg4[%add3A_231, %dma_wait3A_238] : memref<32768x768xf32, #tpu.memory_space<hbm>> -> memref<32x768xf32, #tpu.memory_space<hbm>>
    tpu.wait_dma2 semaphore(%arg14 : memref<!tpu.dma_semaphore, #tpu.memory_space<semaphore_mem>>) src(%arg6 : memref<32x768xf32, #tpu.memory_space<vmem>>) dst(%dma_wait3A_239 : memref<32x768xf32, #tpu.memory_space<hbm>>)
    %dma_start3A_240 = arith.constant 12 : i32
    %dma_start3A_241 = arith.constant 0 : i32
    %dma_start3A_242 = tpu.memref_slice %arg5[%dma_start3A_240, %dma_start3A_241] : memref<32x32xi32, #tpu.memory_space<vmem>> -> memref<1x32xi32, #tpu.memory_space<vmem>>
    %dma_start3A_243 = tpu.memref_squeeze %dma_start3A_242 : memref<1x32xi32, #tpu.memory_space<vmem>> -> memref<32xi32, #tpu.memory_space<vmem>>
    %dma_start3A_244 = arith.constant 0 : i32
    %dma_start3A_245 = arith.constant 0 : i32
    %dma_start3A_246 = tpu.memref_slice %arg3[%dma_start3A_244, %dma_start3A_245] : memref<8192x768xf32, #tpu.memory_space<hbm>> -> memref<8192x768xf32, #tpu.memory_space<hbm>>
    tpu.enqueue_indirect_dma source(%dma_start3A_246 : memref<8192x768xf32, #tpu.memory_space<hbm>>) target(%arg6 : memref<32x768xf32, #tpu.memory_space<vmem>>) offsets(%dma_start3A_243 : memref<32xi32, #tpu.memory_space<vmem>>) semaphore(%arg10 : memref<!tpu.dma_semaphore, #tpu.memory_space<semaphore_mem>>)
    %dma_wait3A_247 = arith.constant 9 : i32
    %dma_wait3A_248 = arith.constant 0 : i32
    %dma_wait3A_249 = tpu.memref_slice %arg5[%dma_wait3A_247, %dma_wait3A_248] : memref<32x32xi32, #tpu.memory_space<vmem>> -> memref<1x32xi32, #tpu.memory_space<vmem>>
    %dma_wait3A_250 = tpu.memref_squeeze %dma_wait3A_249 : memref<1x32xi32, #tpu.memory_space<vmem>> -> memref<32xi32, #tpu.memory_space<vmem>>
    %dma_wait3A_251 = arith.constant 0 : i32
    %dma_wait3A_252 = arith.constant 0 : i32
    %dma_wait3A_253 = tpu.memref_slice %arg3[%dma_wait3A_251, %dma_wait3A_252] : memref<8192x768xf32, #tpu.memory_space<hbm>> -> memref<8192x768xf32, #tpu.memory_space<hbm>>
    tpu.wait_indirect_dma semaphore(%arg11 : memref<!tpu.dma_semaphore, #tpu.memory_space<semaphore_mem>>) src(%dma_wait3A_253 : memref<8192x768xf32, #tpu.memory_space<hbm>>) dst(%arg7 : memref<32x768xf32, #tpu.memory_space<vmem>>)
    %add3A_254 = arith.constant 288 : i32
    %add3A_255 = arith.addi %mul3A_2, %add3A_254 : i32
    %dma_start3A_256 = arith.constant 0 : i32
    %dma_start3A_257 = tpu.memref_slice %arg4[%add3A_255, %dma_start3A_256] : memref<32768x768xf32, #tpu.memory_space<hbm>> -> memref<32x768xf32, #tpu.memory_space<hbm>>
    %dma_start3A_258 = arith.constant 0 : i32
    %dma_start3A_259 = tpu.memref_slice %arg4[%add3A_255, %dma_start3A_258] : memref<32768x768xf32, #tpu.memory_space<hbm>> -> memref<32x768xf32, #tpu.memory_space<hbm>>
    tpu.enqueue_dma source(%arg7 : memref<32x768xf32, #tpu.memory_space<vmem>>) target(%dma_start3A_259 : memref<32x768xf32, #tpu.memory_space<hbm>>) target_semaphore(%arg15 : memref<!tpu.dma_semaphore, #tpu.memory_space<semaphore_mem>>)
    %dma_wait3A_260 = arith.constant 0 : i32
    %dma_wait3A_261 = tpu.memref_slice %arg4[%add3A_255, %dma_wait3A_260] : memref<32768x768xf32, #tpu.memory_space<hbm>> -> memref<32x768xf32, #tpu.memory_space<hbm>>
    %dma_wait3A_262 = arith.constant 0 : i32
    %dma_wait3A_263 = tpu.memref_slice %arg4[%add3A_255, %dma_wait3A_262] : memref<32768x768xf32, #tpu.memory_space<hbm>> -> memref<32x768xf32, #tpu.memory_space<hbm>>
    tpu.wait_dma2 semaphore(%arg15 : memref<!tpu.dma_semaphore, #tpu.memory_space<semaphore_mem>>) src(%arg7 : memref<32x768xf32, #tpu.memory_space<vmem>>) dst(%dma_wait3A_263 : memref<32x768xf32, #tpu.memory_space<hbm>>)
    %dma_start3A_264 = arith.constant 13 : i32
    %dma_start3A_265 = arith.constant 0 : i32
    %dma_start3A_266 = tpu.memref_slice %arg5[%dma_start3A_264, %dma_start3A_265] : memref<32x32xi32, #tpu.memory_space<vmem>> -> memref<1x32xi32, #tpu.memory_space<vmem>>
    %dma_start3A_267 = tpu.memref_squeeze %dma_start3A_266 : memref<1x32xi32, #tpu.memory_space<vmem>> -> memref<32xi32, #tpu.memory_space<vmem>>
    %dma_start3A_268 = arith.constant 0 : i32
    %dma_start3A_269 = arith.constant 0 : i32
    %dma_start3A_270 = tpu.memref_slice %arg3[%dma_start3A_268, %dma_start3A_269] : memref<8192x768xf32, #tpu.memory_space<hbm>> -> memref<8192x768xf32, #tpu.memory_space<hbm>>
    tpu.enqueue_indirect_dma source(%dma_start3A_270 : memref<8192x768xf32, #tpu.memory_space<hbm>>) target(%arg7 : memref<32x768xf32, #tpu.memory_space<vmem>>) offsets(%dma_start3A_267 : memref<32xi32, #tpu.memory_space<vmem>>) semaphore(%arg11 : memref<!tpu.dma_semaphore, #tpu.memory_space<semaphore_mem>>)
    %dma_wait3A_271 = arith.constant 10 : i32
    %dma_wait3A_272 = arith.constant 0 : i32
    %dma_wait3A_273 = tpu.memref_slice %arg5[%dma_wait3A_271, %dma_wait3A_272] : memref<32x32xi32, #tpu.memory_space<vmem>> -> memref<1x32xi32, #tpu.memory_space<vmem>>
    %dma_wait3A_274 = tpu.memref_squeeze %dma_wait3A_273 : memref<1x32xi32, #tpu.memory_space<vmem>> -> memref<32xi32, #tpu.memory_space<vmem>>
    %dma_wait3A_275 = arith.constant 0 : i32
    %dma_wait3A_276 = arith.constant 0 : i32
    %dma_wait3A_277 = tpu.memref_slice %arg3[%dma_wait3A_275, %dma_wait3A_276] : memref<8192x768xf32, #tpu.memory_space<hbm>> -> memref<8192x768xf32, #tpu.memory_space<hbm>>
    tpu.wait_indirect_dma semaphore(%arg12 : memref<!tpu.dma_semaphore, #tpu.memory_space<semaphore_mem>>) src(%dma_wait3A_277 : memref<8192x768xf32, #tpu.memory_space<hbm>>) dst(%arg8 : memref<32x768xf32, #tpu.memory_space<vmem>>)
    %add3A_278 = arith.constant 320 : i32
    %add3A_279 = arith.addi %mul3A_2, %add3A_278 : i32
    %dma_start3A_280 = arith.constant 0 : i32
    %dma_start3A_281 = tpu.memref_slice %arg4[%add3A_279, %dma_start3A_280] : memref<32768x768xf32, #tpu.memory_space<hbm>> -> memref<32x768xf32, #tpu.memory_space<hbm>>
    %dma_start3A_282 = arith.constant 0 : i32
    %dma_start3A_283 = tpu.memref_slice %arg4[%add3A_279, %dma_start3A_282] : memref<32768x768xf32, #tpu.memory_space<hbm>> -> memref<32x768xf32, #tpu.memory_space<hbm>>
    tpu.enqueue_dma source(%arg8 : memref<32x768xf32, #tpu.memory_space<vmem>>) target(%dma_start3A_283 : memref<32x768xf32, #tpu.memory_space<hbm>>) target_semaphore(%arg16 : memref<!tpu.dma_semaphore, #tpu.memory_space<semaphore_mem>>)
    %dma_wait3A_284 = arith.constant 0 : i32
    %dma_wait3A_285 = tpu.memref_slice %arg4[%add3A_279, %dma_wait3A_284] : memref<32768x768xf32, #tpu.memory_space<hbm>> -> memref<32x768xf32, #tpu.memory_space<hbm>>
    %dma_wait3A_286 = arith.constant 0 : i32
    %dma_wait3A_287 = tpu.memref_slice %arg4[%add3A_279, %dma_wait3A_286] : memref<32768x768xf32, #tpu.memory_space<hbm>> -> memref<32x768xf32, #tpu.memory_space<hbm>>
    tpu.wait_dma2 semaphore(%arg16 : memref<!tpu.dma_semaphore, #tpu.memory_space<semaphore_mem>>) src(%arg8 : memref<32x768xf32, #tpu.memory_space<vmem>>) dst(%dma_wait3A_287 : memref<32x768xf32, #tpu.memory_space<hbm>>)
    %dma_start3A_288 = arith.constant 14 : i32
    %dma_start3A_289 = arith.constant 0 : i32
    %dma_start3A_290 = tpu.memref_slice %arg5[%dma_start3A_288, %dma_start3A_289] : memref<32x32xi32, #tpu.memory_space<vmem>> -> memref<1x32xi32, #tpu.memory_space<vmem>>
    %dma_start3A_291 = tpu.memref_squeeze %dma_start3A_290 : memref<1x32xi32, #tpu.memory_space<vmem>> -> memref<32xi32, #tpu.memory_space<vmem>>
    %dma_start3A_292 = arith.constant 0 : i32
    %dma_start3A_293 = arith.constant 0 : i32
    %dma_start3A_294 = tpu.memref_slice %arg3[%dma_start3A_292, %dma_start3A_293] : memref<8192x768xf32, #tpu.memory_space<hbm>> -> memref<8192x768xf32, #tpu.memory_space<hbm>>
    tpu.enqueue_indirect_dma source(%dma_start3A_294 : memref<8192x768xf32, #tpu.memory_space<hbm>>) target(%arg8 : memref<32x768xf32, #tpu.memory_space<vmem>>) offsets(%dma_start3A_291 : memref<32xi32, #tpu.memory_space<vmem>>) semaphore(%arg12 : memref<!tpu.dma_semaphore, #tpu.memory_space<semaphore_mem>>)
    %dma_wait3A_295 = arith.constant 11 : i32
    %dma_wait3A_296 = arith.constant 0 : i32
    %dma_wait3A_297 = tpu.memref_slice %arg5[%dma_wait3A_295, %dma_wait3A_296] : memref<32x32xi32, #tpu.memory_space<vmem>> -> memref<1x32xi32, #tpu.memory_space<vmem>>
    %dma_wait3A_298 = tpu.memref_squeeze %dma_wait3A_297 : memref<1x32xi32, #tpu.memory_space<vmem>> -> memref<32xi32, #tpu.memory_space<vmem>>
    %dma_wait3A_299 = arith.constant 0 : i32
    %dma_wait3A_300 = arith.constant 0 : i32
    %dma_wait3A_301 = tpu.memref_slice %arg3[%dma_wait3A_299, %dma_wait3A_300] : memref<8192x768xf32, #tpu.memory_space<hbm>> -> memref<8192x768xf32, #tpu.memory_space<hbm>>
    tpu.wait_indirect_dma semaphore(%arg13 : memref<!tpu.dma_semaphore, #tpu.memory_space<semaphore_mem>>) src(%dma_wait3A_301 : memref<8192x768xf32, #tpu.memory_space<hbm>>) dst(%arg9 : memref<32x768xf32, #tpu.memory_space<vmem>>)
    %add3A_302 = arith.constant 352 : i32
    %add3A_303 = arith.addi %mul3A_2, %add3A_302 : i32
    %dma_start3A_304 = arith.constant 0 : i32
    %dma_start3A_305 = tpu.memref_slice %arg4[%add3A_303, %dma_start3A_304] : memref<32768x768xf32, #tpu.memory_space<hbm>> -> memref<32x768xf32, #tpu.memory_space<hbm>>
    %dma_start3A_306 = arith.constant 0 : i32
    %dma_start3A_307 = tpu.memref_slice %arg4[%add3A_303, %dma_start3A_306] : memref<32768x768xf32, #tpu.memory_space<hbm>> -> memref<32x768xf32, #tpu.memory_space<hbm>>
    tpu.enqueue_dma source(%arg9 : memref<32x768xf32, #tpu.memory_space<vmem>>) target(%dma_start3A_307 : memref<32x768xf32, #tpu.memory_space<hbm>>) target_semaphore(%arg17 : memref<!tpu.dma_semaphore, #tpu.memory_space<semaphore_mem>>)
    %dma_wait3A_308 = arith.constant 0 : i32
    %dma_wait3A_309 = tpu.memref_slice %arg4[%add3A_303, %dma_wait3A_308] : memref<32768x768xf32, #tpu.memory_space<hbm>> -> memref<32x768xf32, #tpu.memory_space<hbm>>
    %dma_wait3A_310 = arith.constant 0 : i32
    %dma_wait3A_311 = tpu.memref_slice %arg4[%add3A_303, %dma_wait3A_310] : memref<32768x768xf32, #tpu.memory_space<hbm>> -> memref<32x768xf32, #tpu.memory_space<hbm>>
    tpu.wait_dma2 semaphore(%arg17 : memref<!tpu.dma_semaphore, #tpu.memory_space<semaphore_mem>>) src(%arg9 : memref<32x768xf32, #tpu.memory_space<vmem>>) dst(%dma_wait3A_311 : memref<32x768xf32, #tpu.memory_space<hbm>>)
    %dma_start3A_312 = arith.constant 15 : i32
    %dma_start3A_313 = arith.constant 0 : i32
    %dma_start3A_314 = tpu.memref_slice %arg5[%dma_start3A_312, %dma_start3A_313] : memref<32x32xi32, #tpu.memory_space<vmem>> -> memref<1x32xi32, #tpu.memory_space<vmem>>
    %dma_start3A_315 = tpu.memref_squeeze %dma_start3A_314 : memref<1x32xi32, #tpu.memory_space<vmem>> -> memref<32xi32, #tpu.memory_space<vmem>>
    %dma_start3A_316 = arith.constant 0 : i32
    %dma_start3A_317 = arith.constant 0 : i32
    %dma_start3A_318 = tpu.memref_slice %arg3[%dma_start3A_316, %dma_start3A_317] : memref<8192x768xf32, #tpu.memory_space<hbm>> -> memref<8192x768xf32, #tpu.memory_space<hbm>>
    tpu.enqueue_indirect_dma source(%dma_start3A_318 : memref<8192x768xf32, #tpu.memory_space<hbm>>) target(%arg9 : memref<32x768xf32, #tpu.memory_space<vmem>>) offsets(%dma_start3A_315 : memref<32xi32, #tpu.memory_space<vmem>>) semaphore(%arg13 : memref<!tpu.dma_semaphore, #tpu.memory_space<semaphore_mem>>)
    %dma_wait3A_319 = arith.constant 12 : i32
    %dma_wait3A_320 = arith.constant 0 : i32
    %dma_wait3A_321 = tpu.memref_slice %arg5[%dma_wait3A_319, %dma_wait3A_320] : memref<32x32xi32, #tpu.memory_space<vmem>> -> memref<1x32xi32, #tpu.memory_space<vmem>>
    %dma_wait3A_322 = tpu.memref_squeeze %dma_wait3A_321 : memref<1x32xi32, #tpu.memory_space<vmem>> -> memref<32xi32, #tpu.memory_space<vmem>>
    %dma_wait3A_323 = arith.constant 0 : i32
    %dma_wait3A_324 = arith.constant 0 : i32
    %dma_wait3A_325 = tpu.memref_slice %arg3[%dma_wait3A_323, %dma_wait3A_324] : memref<8192x768xf32, #tpu.memory_space<hbm>> -> memref<8192x768xf32, #tpu.memory_space<hbm>>
    tpu.wait_indirect_dma semaphore(%arg10 : memref<!tpu.dma_semaphore, #tpu.memory_space<semaphore_mem>>) src(%dma_wait3A_325 : memref<8192x768xf32, #tpu.memory_space<hbm>>) dst(%arg6 : memref<32x768xf32, #tpu.memory_space<vmem>>)
    %add3A_326 = arith.constant 384 : i32
    %add3A_327 = arith.addi %mul3A_2, %add3A_326 : i32
    %dma_start3A_328 = arith.constant 0 : i32
    %dma_start3A_329 = tpu.memref_slice %arg4[%add3A_327, %dma_start3A_328] : memref<32768x768xf32, #tpu.memory_space<hbm>> -> memref<32x768xf32, #tpu.memory_space<hbm>>
    %dma_start3A_330 = arith.constant 0 : i32
    %dma_start3A_331 = tpu.memref_slice %arg4[%add3A_327, %dma_start3A_330] : memref<32768x768xf32, #tpu.memory_space<hbm>> -> memref<32x768xf32, #tpu.memory_space<hbm>>
    tpu.enqueue_dma source(%arg6 : memref<32x768xf32, #tpu.memory_space<vmem>>) target(%dma_start3A_331 : memref<32x768xf32, #tpu.memory_space<hbm>>) target_semaphore(%arg14 : memref<!tpu.dma_semaphore, #tpu.memory_space<semaphore_mem>>)
    %dma_wait3A_332 = arith.constant 0 : i32
    %dma_wait3A_333 = tpu.memref_slice %arg4[%add3A_327, %dma_wait3A_332] : memref<32768x768xf32, #tpu.memory_space<hbm>> -> memref<32x768xf32, #tpu.memory_space<hbm>>
    %dma_wait3A_334 = arith.constant 0 : i32
    %dma_wait3A_335 = tpu.memref_slice %arg4[%add3A_327, %dma_wait3A_334] : memref<32768x768xf32, #tpu.memory_space<hbm>> -> memref<32x768xf32, #tpu.memory_space<hbm>>
    tpu.wait_dma2 semaphore(%arg14 : memref<!tpu.dma_semaphore, #tpu.memory_space<semaphore_mem>>) src(%arg6 : memref<32x768xf32, #tpu.memory_space<vmem>>) dst(%dma_wait3A_335 : memref<32x768xf32, #tpu.memory_space<hbm>>)
    %dma_start3A_336 = arith.constant 16 : i32
    %dma_start3A_337 = arith.constant 0 : i32
    %dma_start3A_338 = tpu.memref_slice %arg5[%dma_start3A_336, %dma_start3A_337] : memref<32x32xi32, #tpu.memory_space<vmem>> -> memref<1x32xi32, #tpu.memory_space<vmem>>
    %dma_start3A_339 = tpu.memref_squeeze %dma_start3A_338 : memref<1x32xi32, #tpu.memory_space<vmem>> -> memref<32xi32, #tpu.memory_space<vmem>>
    %dma_start3A_340 = arith.constant 0 : i32
    %dma_start3A_341 = arith.constant 0 : i32
    %dma_start3A_342 = tpu.memref_slice %arg3[%dma_start3A_340, %dma_start3A_341] : memref<8192x768xf32, #tpu.memory_space<hbm>> -> memref<8192x768xf32, #tpu.memory_space<hbm>>
    tpu.enqueue_indirect_dma source(%dma_start3A_342 : memref<8192x768xf32, #tpu.memory_space<hbm>>) target(%arg6 : memref<32x768xf32, #tpu.memory_space<vmem>>) offsets(%dma_start3A_339 : memref<32xi32, #tpu.memory_space<vmem>>) semaphore(%arg10 : memref<!tpu.dma_semaphore, #tpu.memory_space<semaphore_mem>>)
    %dma_wait3A_343 = arith.constant 13 : i32
    %dma_wait3A_344 = arith.constant 0 : i32
    %dma_wait3A_345 = tpu.memref_slice %arg5[%dma_wait3A_343, %dma_wait3A_344] : memref<32x32xi32, #tpu.memory_space<vmem>> -> memref<1x32xi32, #tpu.memory_space<vmem>>
    %dma_wait3A_346 = tpu.memref_squeeze %dma_wait3A_345 : memref<1x32xi32, #tpu.memory_space<vmem>> -> memref<32xi32, #tpu.memory_space<vmem>>
    %dma_wait3A_347 = arith.constant 0 : i32
    %dma_wait3A_348 = arith.constant 0 : i32
    %dma_wait3A_349 = tpu.memref_slice %arg3[%dma_wait3A_347, %dma_wait3A_348] : memref<8192x768xf32, #tpu.memory_space<hbm>> -> memref<8192x768xf32, #tpu.memory_space<hbm>>
    tpu.wait_indirect_dma semaphore(%arg11 : memref<!tpu.dma_semaphore, #tpu.memory_space<semaphore_mem>>) src(%dma_wait3A_349 : memref<8192x768xf32, #tpu.memory_space<hbm>>) dst(%arg7 : memref<32x768xf32, #tpu.memory_space<vmem>>)
    %add3A_350 = arith.constant 416 : i32
    %add3A_351 = arith.addi %mul3A_2, %add3A_350 : i32
    %dma_start3A_352 = arith.constant 0 : i32
    %dma_start3A_353 = tpu.memref_slice %arg4[%add3A_351, %dma_start3A_352] : memref<32768x768xf32, #tpu.memory_space<hbm>> -> memref<32x768xf32, #tpu.memory_space<hbm>>
    %dma_start3A_354 = arith.constant 0 : i32
    %dma_start3A_355 = tpu.memref_slice %arg4[%add3A_351, %dma_start3A_354] : memref<32768x768xf32, #tpu.memory_space<hbm>> -> memref<32x768xf32, #tpu.memory_space<hbm>>
    tpu.enqueue_dma source(%arg7 : memref<32x768xf32, #tpu.memory_space<vmem>>) target(%dma_start3A_355 : memref<32x768xf32, #tpu.memory_space<hbm>>) target_semaphore(%arg15 : memref<!tpu.dma_semaphore, #tpu.memory_space<semaphore_mem>>)
    %dma_wait3A_356 = arith.constant 0 : i32
    %dma_wait3A_357 = tpu.memref_slice %arg4[%add3A_351, %dma_wait3A_356] : memref<32768x768xf32, #tpu.memory_space<hbm>> -> memref<32x768xf32, #tpu.memory_space<hbm>>
    %dma_wait3A_358 = arith.constant 0 : i32
    %dma_wait3A_359 = tpu.memref_slice %arg4[%add3A_351, %dma_wait3A_358] : memref<32768x768xf32, #tpu.memory_space<hbm>> -> memref<32x768xf32, #tpu.memory_space<hbm>>
    tpu.wait_dma2 semaphore(%arg15 : memref<!tpu.dma_semaphore, #tpu.memory_space<semaphore_mem>>) src(%arg7 : memref<32x768xf32, #tpu.memory_space<vmem>>) dst(%dma_wait3A_359 : memref<32x768xf32, #tpu.memory_space<hbm>>)
    %dma_start3A_360 = arith.constant 17 : i32
    %dma_start3A_361 = arith.constant 0 : i32
    %dma_start3A_362 = tpu.memref_slice %arg5[%dma_start3A_360, %dma_start3A_361] : memref<32x32xi32, #tpu.memory_space<vmem>> -> memref<1x32xi32, #tpu.memory_space<vmem>>
    %dma_start3A_363 = tpu.memref_squeeze %dma_start3A_362 : memref<1x32xi32, #tpu.memory_space<vmem>> -> memref<32xi32, #tpu.memory_space<vmem>>
    %dma_start3A_364 = arith.constant 0 : i32
    %dma_start3A_365 = arith.constant 0 : i32
    %dma_start3A_366 = tpu.memref_slice %arg3[%dma_start3A_364, %dma_start3A_365] : memref<8192x768xf32, #tpu.memory_space<hbm>> -> memref<8192x768xf32, #tpu.memory_space<hbm>>
    tpu.enqueue_indirect_dma source(%dma_start3A_366 : memref<8192x768xf32, #tpu.memory_space<hbm>>) target(%arg7 : memref<32x768xf32, #tpu.memory_space<vmem>>) offsets(%dma_start3A_363 : memref<32xi32, #tpu.memory_space<vmem>>) semaphore(%arg11 : memref<!tpu.dma_semaphore, #tpu.memory_space<semaphore_mem>>)
    %dma_wait3A_367 = arith.constant 14 : i32
    %dma_wait3A_368 = arith.constant 0 : i32
    %dma_wait3A_369 = tpu.memref_slice %arg5[%dma_wait3A_367, %dma_wait3A_368] : memref<32x32xi32, #tpu.memory_space<vmem>> -> memref<1x32xi32, #tpu.memory_space<vmem>>
    %dma_wait3A_370 = tpu.memref_squeeze %dma_wait3A_369 : memref<1x32xi32, #tpu.memory_space<vmem>> -> memref<32xi32, #tpu.memory_space<vmem>>
    %dma_wait3A_371 = arith.constant 0 : i32
    %dma_wait3A_372 = arith.constant 0 : i32
    %dma_wait3A_373 = tpu.memref_slice %arg3[%dma_wait3A_371, %dma_wait3A_372] : memref<8192x768xf32, #tpu.memory_space<hbm>> -> memref<8192x768xf32, #tpu.memory_space<hbm>>
    tpu.wait_indirect_dma semaphore(%arg12 : memref<!tpu.dma_semaphore, #tpu.memory_space<semaphore_mem>>) src(%dma_wait3A_373 : memref<8192x768xf32, #tpu.memory_space<hbm>>) dst(%arg8 : memref<32x768xf32, #tpu.memory_space<vmem>>)
    %add3A_374 = arith.constant 448 : i32
    %add3A_375 = arith.addi %mul3A_2, %add3A_374 : i32
    %dma_start3A_376 = arith.constant 0 : i32
    %dma_start3A_377 = tpu.memref_slice %arg4[%add3A_375, %dma_start3A_376] : memref<32768x768xf32, #tpu.memory_space<hbm>> -> memref<32x768xf32, #tpu.memory_space<hbm>>
    %dma_start3A_378 = arith.constant 0 : i32
    %dma_start3A_379 = tpu.memref_slice %arg4[%add3A_375, %dma_start3A_378] : memref<32768x768xf32, #tpu.memory_space<hbm>> -> memref<32x768xf32, #tpu.memory_space<hbm>>
    tpu.enqueue_dma source(%arg8 : memref<32x768xf32, #tpu.memory_space<vmem>>) target(%dma_start3A_379 : memref<32x768xf32, #tpu.memory_space<hbm>>) target_semaphore(%arg16 : memref<!tpu.dma_semaphore, #tpu.memory_space<semaphore_mem>>)
    %dma_wait3A_380 = arith.constant 0 : i32
    %dma_wait3A_381 = tpu.memref_slice %arg4[%add3A_375, %dma_wait3A_380] : memref<32768x768xf32, #tpu.memory_space<hbm>> -> memref<32x768xf32, #tpu.memory_space<hbm>>
    %dma_wait3A_382 = arith.constant 0 : i32
    %dma_wait3A_383 = tpu.memref_slice %arg4[%add3A_375, %dma_wait3A_382] : memref<32768x768xf32, #tpu.memory_space<hbm>> -> memref<32x768xf32, #tpu.memory_space<hbm>>
    tpu.wait_dma2 semaphore(%arg16 : memref<!tpu.dma_semaphore, #tpu.memory_space<semaphore_mem>>) src(%arg8 : memref<32x768xf32, #tpu.memory_space<vmem>>) dst(%dma_wait3A_383 : memref<32x768xf32, #tpu.memory_space<hbm>>)
    %dma_start3A_384 = arith.constant 18 : i32
    %dma_start3A_385 = arith.constant 0 : i32
    %dma_start3A_386 = tpu.memref_slice %arg5[%dma_start3A_384, %dma_start3A_385] : memref<32x32xi32, #tpu.memory_space<vmem>> -> memref<1x32xi32, #tpu.memory_space<vmem>>
    %dma_start3A_387 = tpu.memref_squeeze %dma_start3A_386 : memref<1x32xi32, #tpu.memory_space<vmem>> -> memref<32xi32, #tpu.memory_space<vmem>>
    %dma_start3A_388 = arith.constant 0 : i32
    %dma_start3A_389 = arith.constant 0 : i32
    %dma_start3A_390 = tpu.memref_slice %arg3[%dma_start3A_388, %dma_start3A_389] : memref<8192x768xf32, #tpu.memory_space<hbm>> -> memref<8192x768xf32, #tpu.memory_space<hbm>>
    tpu.enqueue_indirect_dma source(%dma_start3A_390 : memref<8192x768xf32, #tpu.memory_space<hbm>>) target(%arg8 : memref<32x768xf32, #tpu.memory_space<vmem>>) offsets(%dma_start3A_387 : memref<32xi32, #tpu.memory_space<vmem>>) semaphore(%arg12 : memref<!tpu.dma_semaphore, #tpu.memory_space<semaphore_mem>>)
    %dma_wait3A_391 = arith.constant 15 : i32
    %dma_wait3A_392 = arith.constant 0 : i32
    %dma_wait3A_393 = tpu.memref_slice %arg5[%dma_wait3A_391, %dma_wait3A_392] : memref<32x32xi32, #tpu.memory_space<vmem>> -> memref<1x32xi32, #tpu.memory_space<vmem>>
    %dma_wait3A_394 = tpu.memref_squeeze %dma_wait3A_393 : memref<1x32xi32, #tpu.memory_space<vmem>> -> memref<32xi32, #tpu.memory_space<vmem>>
    %dma_wait3A_395 = arith.constant 0 : i32
    %dma_wait3A_396 = arith.constant 0 : i32
    %dma_wait3A_397 = tpu.memref_slice %arg3[%dma_wait3A_395, %dma_wait3A_396] : memref<8192x768xf32, #tpu.memory_space<hbm>> -> memref<8192x768xf32, #tpu.memory_space<hbm>>
    tpu.wait_indirect_dma semaphore(%arg13 : memref<!tpu.dma_semaphore, #tpu.memory_space<semaphore_mem>>) src(%dma_wait3A_397 : memref<8192x768xf32, #tpu.memory_space<hbm>>) dst(%arg9 : memref<32x768xf32, #tpu.memory_space<vmem>>)
    %add3A_398 = arith.constant 480 : i32
    %add3A_399 = arith.addi %mul3A_2, %add3A_398 : i32
    %dma_start3A_400 = arith.constant 0 : i32
    %dma_start3A_401 = tpu.memref_slice %arg4[%add3A_399, %dma_start3A_400] : memref<32768x768xf32, #tpu.memory_space<hbm>> -> memref<32x768xf32, #tpu.memory_space<hbm>>
    %dma_start3A_402 = arith.constant 0 : i32
    %dma_start3A_403 = tpu.memref_slice %arg4[%add3A_399, %dma_start3A_402] : memref<32768x768xf32, #tpu.memory_space<hbm>> -> memref<32x768xf32, #tpu.memory_space<hbm>>
    tpu.enqueue_dma source(%arg9 : memref<32x768xf32, #tpu.memory_space<vmem>>) target(%dma_start3A_403 : memref<32x768xf32, #tpu.memory_space<hbm>>) target_semaphore(%arg17 : memref<!tpu.dma_semaphore, #tpu.memory_space<semaphore_mem>>)
    %dma_wait3A_404 = arith.constant 0 : i32
    %dma_wait3A_405 = tpu.memref_slice %arg4[%add3A_399, %dma_wait3A_404] : memref<32768x768xf32, #tpu.memory_space<hbm>> -> memref<32x768xf32, #tpu.memory_space<hbm>>
    %dma_wait3A_406 = arith.constant 0 : i32
    %dma_wait3A_407 = tpu.memref_slice %arg4[%add3A_399, %dma_wait3A_406] : memref<32768x768xf32, #tpu.memory_space<hbm>> -> memref<32x768xf32, #tpu.memory_space<hbm>>
    tpu.wait_dma2 semaphore(%arg17 : memref<!tpu.dma_semaphore, #tpu.memory_space<semaphore_mem>>) src(%arg9 : memref<32x768xf32, #tpu.memory_space<vmem>>) dst(%dma_wait3A_407 : memref<32x768xf32, #tpu.memory_space<hbm>>)
    %dma_start3A_408 = arith.constant 19 : i32
    %dma_start3A_409 = arith.constant 0 : i32
    %dma_start3A_410 = tpu.memref_slice %arg5[%dma_start3A_408, %dma_start3A_409] : memref<32x32xi32, #tpu.memory_space<vmem>> -> memref<1x32xi32, #tpu.memory_space<vmem>>
    %dma_start3A_411 = tpu.memref_squeeze %dma_start3A_410 : memref<1x32xi32, #tpu.memory_space<vmem>> -> memref<32xi32, #tpu.memory_space<vmem>>
    %dma_start3A_412 = arith.constant 0 : i32
    %dma_start3A_413 = arith.constant 0 : i32
    %dma_start3A_414 = tpu.memref_slice %arg3[%dma_start3A_412, %dma_start3A_413] : memref<8192x768xf32, #tpu.memory_space<hbm>> -> memref<8192x768xf32, #tpu.memory_space<hbm>>
    tpu.enqueue_indirect_dma source(%dma_start3A_414 : memref<8192x768xf32, #tpu.memory_space<hbm>>) target(%arg9 : memref<32x768xf32, #tpu.memory_space<vmem>>) offsets(%dma_start3A_411 : memref<32xi32, #tpu.memory_space<vmem>>) semaphore(%arg13 : memref<!tpu.dma_semaphore, #tpu.memory_space<semaphore_mem>>)
    %dma_wait3A_415 = arith.constant 16 : i32
    %dma_wait3A_416 = arith.constant 0 : i32
    %dma_wait3A_417 = tpu.memref_slice %arg5[%dma_wait3A_415, %dma_wait3A_416] : memref<32x32xi32, #tpu.memory_space<vmem>> -> memref<1x32xi32, #tpu.memory_space<vmem>>
    %dma_wait3A_418 = tpu.memref_squeeze %dma_wait3A_417 : memref<1x32xi32, #tpu.memory_space<vmem>> -> memref<32xi32, #tpu.memory_space<vmem>>
    %dma_wait3A_419 = arith.constant 0 : i32
    %dma_wait3A_420 = arith.constant 0 : i32
    %dma_wait3A_421 = tpu.memref_slice %arg3[%dma_wait3A_419, %dma_wait3A_420] : memref<8192x768xf32, #tpu.memory_space<hbm>> -> memref<8192x768xf32, #tpu.memory_space<hbm>>
    tpu.wait_indirect_dma semaphore(%arg10 : memref<!tpu.dma_semaphore, #tpu.memory_space<semaphore_mem>>) src(%dma_wait3A_421 : memref<8192x768xf32, #tpu.memory_space<hbm>>) dst(%arg6 : memref<32x768xf32, #tpu.memory_space<vmem>>)
    %add3A_422 = arith.constant 512 : i32
    %add3A_423 = arith.addi %mul3A_2, %add3A_422 : i32
    %dma_start3A_424 = arith.constant 0 : i32
    %dma_start3A_425 = tpu.memref_slice %arg4[%add3A_423, %dma_start3A_424] : memref<32768x768xf32, #tpu.memory_space<hbm>> -> memref<32x768xf32, #tpu.memory_space<hbm>>
    %dma_start3A_426 = arith.constant 0 : i32
    %dma_start3A_427 = tpu.memref_slice %arg4[%add3A_423, %dma_start3A_426] : memref<32768x768xf32, #tpu.memory_space<hbm>> -> memref<32x768xf32, #tpu.memory_space<hbm>>
    tpu.enqueue_dma source(%arg6 : memref<32x768xf32, #tpu.memory_space<vmem>>) target(%dma_start3A_427 : memref<32x768xf32, #tpu.memory_space<hbm>>) target_semaphore(%arg14 : memref<!tpu.dma_semaphore, #tpu.memory_space<semaphore_mem>>)
    %dma_wait3A_428 = arith.constant 0 : i32
    %dma_wait3A_429 = tpu.memref_slice %arg4[%add3A_423, %dma_wait3A_428] : memref<32768x768xf32, #tpu.memory_space<hbm>> -> memref<32x768xf32, #tpu.memory_space<hbm>>
    %dma_wait3A_430 = arith.constant 0 : i32
    %dma_wait3A_431 = tpu.memref_slice %arg4[%add3A_423, %dma_wait3A_430] : memref<32768x768xf32, #tpu.memory_space<hbm>> -> memref<32x768xf32, #tpu.memory_space<hbm>>
    tpu.wait_dma2 semaphore(%arg14 : memref<!tpu.dma_semaphore, #tpu.memory_space<semaphore_mem>>) src(%arg6 : memref<32x768xf32, #tpu.memory_space<vmem>>) dst(%dma_wait3A_431 : memref<32x768xf32, #tpu.memory_space<hbm>>)
    %dma_start3A_432 = arith.constant 20 : i32
    %dma_start3A_433 = arith.constant 0 : i32
    %dma_start3A_434 = tpu.memref_slice %arg5[%dma_start3A_432, %dma_start3A_433] : memref<32x32xi32, #tpu.memory_space<vmem>> -> memref<1x32xi32, #tpu.memory_space<vmem>>
    %dma_start3A_435 = tpu.memref_squeeze %dma_start3A_434 : memref<1x32xi32, #tpu.memory_space<vmem>> -> memref<32xi32, #tpu.memory_space<vmem>>
    %dma_start3A_436 = arith.constant 0 : i32
    %dma_start3A_437 = arith.constant 0 : i32
    %dma_start3A_438 = tpu.memref_slice %arg3[%dma_start3A_436, %dma_start3A_437] : memref<8192x768xf32, #tpu.memory_space<hbm>> -> memref<8192x768xf32, #tpu.memory_space<hbm>>
    tpu.enqueue_indirect_dma source(%dma_start3A_438 : memref<8192x768xf32, #tpu.memory_space<hbm>>) target(%arg6 : memref<32x768xf32, #tpu.memory_space<vmem>>) offsets(%dma_start3A_435 : memref<32xi32, #tpu.memory_space<vmem>>) semaphore(%arg10 : memref<!tpu.dma_semaphore, #tpu.memory_space<semaphore_mem>>)
    %dma_wait3A_439 = arith.constant 17 : i32
    %dma_wait3A_440 = arith.constant 0 : i32
    %dma_wait3A_441 = tpu.memref_slice %arg5[%dma_wait3A_439, %dma_wait3A_440] : memref<32x32xi32, #tpu.memory_space<vmem>> -> memref<1x32xi32, #tpu.memory_space<vmem>>
    %dma_wait3A_442 = tpu.memref_squeeze %dma_wait3A_441 : memref<1x32xi32, #tpu.memory_space<vmem>> -> memref<32xi32, #tpu.memory_space<vmem>>
    %dma_wait3A_443 = arith.constant 0 : i32
    %dma_wait3A_444 = arith.constant 0 : i32
    %dma_wait3A_445 = tpu.memref_slice %arg3[%dma_wait3A_443, %dma_wait3A_444] : memref<8192x768xf32, #tpu.memory_space<hbm>> -> memref<8192x768xf32, #tpu.memory_space<hbm>>
    tpu.wait_indirect_dma semaphore(%arg11 : memref<!tpu.dma_semaphore, #tpu.memory_space<semaphore_mem>>) src(%dma_wait3A_445 : memref<8192x768xf32, #tpu.memory_space<hbm>>) dst(%arg7 : memref<32x768xf32, #tpu.memory_space<vmem>>)
    %add3A_446 = arith.constant 544 : i32
    %add3A_447 = arith.addi %mul3A_2, %add3A_446 : i32
    %dma_start3A_448 = arith.constant 0 : i32
    %dma_start3A_449 = tpu.memref_slice %arg4[%add3A_447, %dma_start3A_448] : memref<32768x768xf32, #tpu.memory_space<hbm>> -> memref<32x768xf32, #tpu.memory_space<hbm>>
    %dma_start3A_450 = arith.constant 0 : i32
    %dma_start3A_451 = tpu.memref_slice %arg4[%add3A_447, %dma_start3A_450] : memref<32768x768xf32, #tpu.memory_space<hbm>> -> memref<32x768xf32, #tpu.memory_space<hbm>>
    tpu.enqueue_dma source(%arg7 : memref<32x768xf32, #tpu.memory_space<vmem>>) target(%dma_start3A_451 : memref<32x768xf32, #tpu.memory_space<hbm>>) target_semaphore(%arg15 : memref<!tpu.dma_semaphore, #tpu.memory_space<semaphore_mem>>)
    %dma_wait3A_452 = arith.constant 0 : i32
    %dma_wait3A_453 = tpu.memref_slice %arg4[%add3A_447, %dma_wait3A_452] : memref<32768x768xf32, #tpu.memory_space<hbm>> -> memref<32x768xf32, #tpu.memory_space<hbm>>
    %dma_wait3A_454 = arith.constant 0 : i32
    %dma_wait3A_455 = tpu.memref_slice %arg4[%add3A_447, %dma_wait3A_454] : memref<32768x768xf32, #tpu.memory_space<hbm>> -> memref<32x768xf32, #tpu.memory_space<hbm>>
    tpu.wait_dma2 semaphore(%arg15 : memref<!tpu.dma_semaphore, #tpu.memory_space<semaphore_mem>>) src(%arg7 : memref<32x768xf32, #tpu.memory_space<vmem>>) dst(%dma_wait3A_455 : memref<32x768xf32, #tpu.memory_space<hbm>>)
    %dma_start3A_456 = arith.constant 21 : i32
    %dma_start3A_457 = arith.constant 0 : i32
    %dma_start3A_458 = tpu.memref_slice %arg5[%dma_start3A_456, %dma_start3A_457] : memref<32x32xi32, #tpu.memory_space<vmem>> -> memref<1x32xi32, #tpu.memory_space<vmem>>
    %dma_start3A_459 = tpu.memref_squeeze %dma_start3A_458 : memref<1x32xi32, #tpu.memory_space<vmem>> -> memref<32xi32, #tpu.memory_space<vmem>>
    %dma_start3A_460 = arith.constant 0 : i32
    %dma_start3A_461 = arith.constant 0 : i32
    %dma_start3A_462 = tpu.memref_slice %arg3[%dma_start3A_460, %dma_start3A_461] : memref<8192x768xf32, #tpu.memory_space<hbm>> -> memref<8192x768xf32, #tpu.memory_space<hbm>>
    tpu.enqueue_indirect_dma source(%dma_start3A_462 : memref<8192x768xf32, #tpu.memory_space<hbm>>) target(%arg7 : memref<32x768xf32, #tpu.memory_space<vmem>>) offsets(%dma_start3A_459 : memref<32xi32, #tpu.memory_space<vmem>>) semaphore(%arg11 : memref<!tpu.dma_semaphore, #tpu.memory_space<semaphore_mem>>)
    %dma_wait3A_463 = arith.constant 18 : i32
    %dma_wait3A_464 = arith.constant 0 : i32
    %dma_wait3A_465 = tpu.memref_slice %arg5[%dma_wait3A_463, %dma_wait3A_464] : memref<32x32xi32, #tpu.memory_space<vmem>> -> memref<1x32xi32, #tpu.memory_space<vmem>>
    %dma_wait3A_466 = tpu.memref_squeeze %dma_wait3A_465 : memref<1x32xi32, #tpu.memory_space<vmem>> -> memref<32xi32, #tpu.memory_space<vmem>>
    %dma_wait3A_467 = arith.constant 0 : i32
    %dma_wait3A_468 = arith.constant 0 : i32
    %dma_wait3A_469 = tpu.memref_slice %arg3[%dma_wait3A_467, %dma_wait3A_468] : memref<8192x768xf32, #tpu.memory_space<hbm>> -> memref<8192x768xf32, #tpu.memory_space<hbm>>
    tpu.wait_indirect_dma semaphore(%arg12 : memref<!tpu.dma_semaphore, #tpu.memory_space<semaphore_mem>>) src(%dma_wait3A_469 : memref<8192x768xf32, #tpu.memory_space<hbm>>) dst(%arg8 : memref<32x768xf32, #tpu.memory_space<vmem>>)
    %add3A_470 = arith.constant 576 : i32
    %add3A_471 = arith.addi %mul3A_2, %add3A_470 : i32
    %dma_start3A_472 = arith.constant 0 : i32
    %dma_start3A_473 = tpu.memref_slice %arg4[%add3A_471, %dma_start3A_472] : memref<32768x768xf32, #tpu.memory_space<hbm>> -> memref<32x768xf32, #tpu.memory_space<hbm>>
    %dma_start3A_474 = arith.constant 0 : i32
    %dma_start3A_475 = tpu.memref_slice %arg4[%add3A_471, %dma_start3A_474] : memref<32768x768xf32, #tpu.memory_space<hbm>> -> memref<32x768xf32, #tpu.memory_space<hbm>>
    tpu.enqueue_dma source(%arg8 : memref<32x768xf32, #tpu.memory_space<vmem>>) target(%dma_start3A_475 : memref<32x768xf32, #tpu.memory_space<hbm>>) target_semaphore(%arg16 : memref<!tpu.dma_semaphore, #tpu.memory_space<semaphore_mem>>)
    %dma_wait3A_476 = arith.constant 0 : i32
    %dma_wait3A_477 = tpu.memref_slice %arg4[%add3A_471, %dma_wait3A_476] : memref<32768x768xf32, #tpu.memory_space<hbm>> -> memref<32x768xf32, #tpu.memory_space<hbm>>
    %dma_wait3A_478 = arith.constant 0 : i32
    %dma_wait3A_479 = tpu.memref_slice %arg4[%add3A_471, %dma_wait3A_478] : memref<32768x768xf32, #tpu.memory_space<hbm>> -> memref<32x768xf32, #tpu.memory_space<hbm>>
    tpu.wait_dma2 semaphore(%arg16 : memref<!tpu.dma_semaphore, #tpu.memory_space<semaphore_mem>>) src(%arg8 : memref<32x768xf32, #tpu.memory_space<vmem>>) dst(%dma_wait3A_479 : memref<32x768xf32, #tpu.memory_space<hbm>>)
    %dma_start3A_480 = arith.constant 22 : i32
    %dma_start3A_481 = arith.constant 0 : i32
    %dma_start3A_482 = tpu.memref_slice %arg5[%dma_start3A_480, %dma_start3A_481] : memref<32x32xi32, #tpu.memory_space<vmem>> -> memref<1x32xi32, #tpu.memory_space<vmem>>
    %dma_start3A_483 = tpu.memref_squeeze %dma_start3A_482 : memref<1x32xi32, #tpu.memory_space<vmem>> -> memref<32xi32, #tpu.memory_space<vmem>>
    %dma_start3A_484 = arith.constant 0 : i32
    %dma_start3A_485 = arith.constant 0 : i32
    %dma_start3A_486 = tpu.memref_slice %arg3[%dma_start3A_484, %dma_start3A_485] : memref<8192x768xf32, #tpu.memory_space<hbm>> -> memref<8192x768xf32, #tpu.memory_space<hbm>>
    tpu.enqueue_indirect_dma source(%dma_start3A_486 : memref<8192x768xf32, #tpu.memory_space<hbm>>) target(%arg8 : memref<32x768xf32, #tpu.memory_space<vmem>>) offsets(%dma_start3A_483 : memref<32xi32, #tpu.memory_space<vmem>>) semaphore(%arg12 : memref<!tpu.dma_semaphore, #tpu.memory_space<semaphore_mem>>)
    %dma_wait3A_487 = arith.constant 19 : i32
    %dma_wait3A_488 = arith.constant 0 : i32
    %dma_wait3A_489 = tpu.memref_slice %arg5[%dma_wait3A_487, %dma_wait3A_488] : memref<32x32xi32, #tpu.memory_space<vmem>> -> memref<1x32xi32, #tpu.memory_space<vmem>>
    %dma_wait3A_490 = tpu.memref_squeeze %dma_wait3A_489 : memref<1x32xi32, #tpu.memory_space<vmem>> -> memref<32xi32, #tpu.memory_space<vmem>>
    %dma_wait3A_491 = arith.constant 0 : i32
    %dma_wait3A_492 = arith.constant 0 : i32
    %dma_wait3A_493 = tpu.memref_slice %arg3[%dma_wait3A_491, %dma_wait3A_492] : memref<8192x768xf32, #tpu.memory_space<hbm>> -> memref<8192x768xf32, #tpu.memory_space<hbm>>
    tpu.wait_indirect_dma semaphore(%arg13 : memref<!tpu.dma_semaphore, #tpu.memory_space<semaphore_mem>>) src(%dma_wait3A_493 : memref<8192x768xf32, #tpu.memory_space<hbm>>) dst(%arg9 : memref<32x768xf32, #tpu.memory_space<vmem>>)
    %add3A_494 = arith.constant 608 : i32
    %add3A_495 = arith.addi %mul3A_2, %add3A_494 : i32
    %dma_start3A_496 = arith.constant 0 : i32
    %dma_start3A_497 = tpu.memref_slice %arg4[%add3A_495, %dma_start3A_496] : memref<32768x768xf32, #tpu.memory_space<hbm>> -> memref<32x768xf32, #tpu.memory_space<hbm>>
    %dma_start3A_498 = arith.constant 0 : i32
    %dma_start3A_499 = tpu.memref_slice %arg4[%add3A_495, %dma_start3A_498] : memref<32768x768xf32, #tpu.memory_space<hbm>> -> memref<32x768xf32, #tpu.memory_space<hbm>>
    tpu.enqueue_dma source(%arg9 : memref<32x768xf32, #tpu.memory_space<vmem>>) target(%dma_start3A_499 : memref<32x768xf32, #tpu.memory_space<hbm>>) target_semaphore(%arg17 : memref<!tpu.dma_semaphore, #tpu.memory_space<semaphore_mem>>)
    %dma_wait3A_500 = arith.constant 0 : i32
    %dma_wait3A_501 = tpu.memref_slice %arg4[%add3A_495, %dma_wait3A_500] : memref<32768x768xf32, #tpu.memory_space<hbm>> -> memref<32x768xf32, #tpu.memory_space<hbm>>
    %dma_wait3A_502 = arith.constant 0 : i32
    %dma_wait3A_503 = tpu.memref_slice %arg4[%add3A_495, %dma_wait3A_502] : memref<32768x768xf32, #tpu.memory_space<hbm>> -> memref<32x768xf32, #tpu.memory_space<hbm>>
    tpu.wait_dma2 semaphore(%arg17 : memref<!tpu.dma_semaphore, #tpu.memory_space<semaphore_mem>>) src(%arg9 : memref<32x768xf32, #tpu.memory_space<vmem>>) dst(%dma_wait3A_503 : memref<32x768xf32, #tpu.memory_space<hbm>>)
    %dma_start3A_504 = arith.constant 23 : i32
    %dma_start3A_505 = arith.constant 0 : i32
    %dma_start3A_506 = tpu.memref_slice %arg5[%dma_start3A_504, %dma_start3A_505] : memref<32x32xi32, #tpu.memory_space<vmem>> -> memref<1x32xi32, #tpu.memory_space<vmem>>
    %dma_start3A_507 = tpu.memref_squeeze %dma_start3A_506 : memref<1x32xi32, #tpu.memory_space<vmem>> -> memref<32xi32, #tpu.memory_space<vmem>>
    %dma_start3A_508 = arith.constant 0 : i32
    %dma_start3A_509 = arith.constant 0 : i32
    %dma_start3A_510 = tpu.memref_slice %arg3[%dma_start3A_508, %dma_start3A_509] : memref<8192x768xf32, #tpu.memory_space<hbm>> -> memref<8192x768xf32, #tpu.memory_space<hbm>>
    tpu.enqueue_indirect_dma source(%dma_start3A_510 : memref<8192x768xf32, #tpu.memory_space<hbm>>) target(%arg9 : memref<32x768xf32, #tpu.memory_space<vmem>>) offsets(%dma_start3A_507 : memref<32xi32, #tpu.memory_space<vmem>>) semaphore(%arg13 : memref<!tpu.dma_semaphore, #tpu.memory_space<semaphore_mem>>)
    %dma_wait3A_511 = arith.constant 20 : i32
    %dma_wait3A_512 = arith.constant 0 : i32
    %dma_wait3A_513 = tpu.memref_slice %arg5[%dma_wait3A_511, %dma_wait3A_512] : memref<32x32xi32, #tpu.memory_space<vmem>> -> memref<1x32xi32, #tpu.memory_space<vmem>>
    %dma_wait3A_514 = tpu.memref_squeeze %dma_wait3A_513 : memref<1x32xi32, #tpu.memory_space<vmem>> -> memref<32xi32, #tpu.memory_space<vmem>>
    %dma_wait3A_515 = arith.constant 0 : i32
    %dma_wait3A_516 = arith.constant 0 : i32
    %dma_wait3A_517 = tpu.memref_slice %arg3[%dma_wait3A_515, %dma_wait3A_516] : memref<8192x768xf32, #tpu.memory_space<hbm>> -> memref<8192x768xf32, #tpu.memory_space<hbm>>
    tpu.wait_indirect_dma semaphore(%arg10 : memref<!tpu.dma_semaphore, #tpu.memory_space<semaphore_mem>>) src(%dma_wait3A_517 : memref<8192x768xf32, #tpu.memory_space<hbm>>) dst(%arg6 : memref<32x768xf32, #tpu.memory_space<vmem>>)
    %add3A_518 = arith.constant 640 : i32
    %add3A_519 = arith.addi %mul3A_2, %add3A_518 : i32
    %dma_start3A_520 = arith.constant 0 : i32
    %dma_start3A_521 = tpu.memref_slice %arg4[%add3A_519, %dma_start3A_520] : memref<32768x768xf32, #tpu.memory_space<hbm>> -> memref<32x768xf32, #tpu.memory_space<hbm>>
    %dma_start3A_522 = arith.constant 0 : i32
    %dma_start3A_523 = tpu.memref_slice %arg4[%add3A_519, %dma_start3A_522] : memref<32768x768xf32, #tpu.memory_space<hbm>> -> memref<32x768xf32, #tpu.memory_space<hbm>>
    tpu.enqueue_dma source(%arg6 : memref<32x768xf32, #tpu.memory_space<vmem>>) target(%dma_start3A_523 : memref<32x768xf32, #tpu.memory_space<hbm>>) target_semaphore(%arg14 : memref<!tpu.dma_semaphore, #tpu.memory_space<semaphore_mem>>)
    %dma_wait3A_524 = arith.constant 0 : i32
    %dma_wait3A_525 = tpu.memref_slice %arg4[%add3A_519, %dma_wait3A_524] : memref<32768x768xf32, #tpu.memory_space<hbm>> -> memref<32x768xf32, #tpu.memory_space<hbm>>
    %dma_wait3A_526 = arith.constant 0 : i32
    %dma_wait3A_527 = tpu.memref_slice %arg4[%add3A_519, %dma_wait3A_526] : memref<32768x768xf32, #tpu.memory_space<hbm>> -> memref<32x768xf32, #tpu.memory_space<hbm>>
    tpu.wait_dma2 semaphore(%arg14 : memref<!tpu.dma_semaphore, #tpu.memory_space<semaphore_mem>>) src(%arg6 : memref<32x768xf32, #tpu.memory_space<vmem>>) dst(%dma_wait3A_527 : memref<32x768xf32, #tpu.memory_space<hbm>>)
    %dma_start3A_528 = arith.constant 24 : i32
    %dma_start3A_529 = arith.constant 0 : i32
    %dma_start3A_530 = tpu.memref_slice %arg5[%dma_start3A_528, %dma_start3A_529] : memref<32x32xi32, #tpu.memory_space<vmem>> -> memref<1x32xi32, #tpu.memory_space<vmem>>
    %dma_start3A_531 = tpu.memref_squeeze %dma_start3A_530 : memref<1x32xi32, #tpu.memory_space<vmem>> -> memref<32xi32, #tpu.memory_space<vmem>>
    %dma_start3A_532 = arith.constant 0 : i32
    %dma_start3A_533 = arith.constant 0 : i32
    %dma_start3A_534 = tpu.memref_slice %arg3[%dma_start3A_532, %dma_start3A_533] : memref<8192x768xf32, #tpu.memory_space<hbm>> -> memref<8192x768xf32, #tpu.memory_space<hbm>>
    tpu.enqueue_indirect_dma source(%dma_start3A_534 : memref<8192x768xf32, #tpu.memory_space<hbm>>) target(%arg6 : memref<32x768xf32, #tpu.memory_space<vmem>>) offsets(%dma_start3A_531 : memref<32xi32, #tpu.memory_space<vmem>>) semaphore(%arg10 : memref<!tpu.dma_semaphore, #tpu.memory_space<semaphore_mem>>)
    %dma_wait3A_535 = arith.constant 21 : i32
    %dma_wait3A_536 = arith.constant 0 : i32
    %dma_wait3A_537 = tpu.memref_slice %arg5[%dma_wait3A_535, %dma_wait3A_536] : memref<32x32xi32, #tpu.memory_space<vmem>> -> memref<1x32xi32, #tpu.memory_space<vmem>>
    %dma_wait3A_538 = tpu.memref_squeeze %dma_wait3A_537 : memref<1x32xi32, #tpu.memory_space<vmem>> -> memref<32xi32, #tpu.memory_space<vmem>>
    %dma_wait3A_539 = arith.constant 0 : i32
    %dma_wait3A_540 = arith.constant 0 : i32
    %dma_wait3A_541 = tpu.memref_slice %arg3[%dma_wait3A_539, %dma_wait3A_540] : memref<8192x768xf32, #tpu.memory_space<hbm>> -> memref<8192x768xf32, #tpu.memory_space<hbm>>
    tpu.wait_indirect_dma semaphore(%arg11 : memref<!tpu.dma_semaphore, #tpu.memory_space<semaphore_mem>>) src(%dma_wait3A_541 : memref<8192x768xf32, #tpu.memory_space<hbm>>) dst(%arg7 : memref<32x768xf32, #tpu.memory_space<vmem>>)
    %add3A_542 = arith.constant 672 : i32
    %add3A_543 = arith.addi %mul3A_2, %add3A_542 : i32
    %dma_start3A_544 = arith.constant 0 : i32
    %dma_start3A_545 = tpu.memref_slice %arg4[%add3A_543, %dma_start3A_544] : memref<32768x768xf32, #tpu.memory_space<hbm>> -> memref<32x768xf32, #tpu.memory_space<hbm>>
    %dma_start3A_546 = arith.constant 0 : i32
    %dma_start3A_547 = tpu.memref_slice %arg4[%add3A_543, %dma_start3A_546] : memref<32768x768xf32, #tpu.memory_space<hbm>> -> memref<32x768xf32, #tpu.memory_space<hbm>>
    tpu.enqueue_dma source(%arg7 : memref<32x768xf32, #tpu.memory_space<vmem>>) target(%dma_start3A_547 : memref<32x768xf32, #tpu.memory_space<hbm>>) target_semaphore(%arg15 : memref<!tpu.dma_semaphore, #tpu.memory_space<semaphore_mem>>)
    %dma_wait3A_548 = arith.constant 0 : i32
    %dma_wait3A_549 = tpu.memref_slice %arg4[%add3A_543, %dma_wait3A_548] : memref<32768x768xf32, #tpu.memory_space<hbm>> -> memref<32x768xf32, #tpu.memory_space<hbm>>
    %dma_wait3A_550 = arith.constant 0 : i32
    %dma_wait3A_551 = tpu.memref_slice %arg4[%add3A_543, %dma_wait3A_550] : memref<32768x768xf32, #tpu.memory_space<hbm>> -> memref<32x768xf32, #tpu.memory_space<hbm>>
    tpu.wait_dma2 semaphore(%arg15 : memref<!tpu.dma_semaphore, #tpu.memory_space<semaphore_mem>>) src(%arg7 : memref<32x768xf32, #tpu.memory_space<vmem>>) dst(%dma_wait3A_551 : memref<32x768xf32, #tpu.memory_space<hbm>>)
    %dma_start3A_552 = arith.constant 25 : i32
    %dma_start3A_553 = arith.constant 0 : i32
    %dma_start3A_554 = tpu.memref_slice %arg5[%dma_start3A_552, %dma_start3A_553] : memref<32x32xi32, #tpu.memory_space<vmem>> -> memref<1x32xi32, #tpu.memory_space<vmem>>
    %dma_start3A_555 = tpu.memref_squeeze %dma_start3A_554 : memref<1x32xi32, #tpu.memory_space<vmem>> -> memref<32xi32, #tpu.memory_space<vmem>>
    %dma_start3A_556 = arith.constant 0 : i32
    %dma_start3A_557 = arith.constant 0 : i32
    %dma_start3A_558 = tpu.memref_slice %arg3[%dma_start3A_556, %dma_start3A_557] : memref<8192x768xf32, #tpu.memory_space<hbm>> -> memref<8192x768xf32, #tpu.memory_space<hbm>>
    tpu.enqueue_indirect_dma source(%dma_start3A_558 : memref<8192x768xf32, #tpu.memory_space<hbm>>) target(%arg7 : memref<32x768xf32, #tpu.memory_space<vmem>>) offsets(%dma_start3A_555 : memref<32xi32, #tpu.memory_space<vmem>>) semaphore(%arg11 : memref<!tpu.dma_semaphore, #tpu.memory_space<semaphore_mem>>)
    %dma_wait3A_559 = arith.constant 22 : i32
    %dma_wait3A_560 = arith.constant 0 : i32
    %dma_wait3A_561 = tpu.memref_slice %arg5[%dma_wait3A_559, %dma_wait3A_560] : memref<32x32xi32, #tpu.memory_space<vmem>> -> memref<1x32xi32, #tpu.memory_space<vmem>>
    %dma_wait3A_562 = tpu.memref_squeeze %dma_wait3A_561 : memref<1x32xi32, #tpu.memory_space<vmem>> -> memref<32xi32, #tpu.memory_space<vmem>>
    %dma_wait3A_563 = arith.constant 0 : i32
    %dma_wait3A_564 = arith.constant 0 : i32
    %dma_wait3A_565 = tpu.memref_slice %arg3[%dma_wait3A_563, %dma_wait3A_564] : memref<8192x768xf32, #tpu.memory_space<hbm>> -> memref<8192x768xf32, #tpu.memory_space<hbm>>
    tpu.wait_indirect_dma semaphore(%arg12 : memref<!tpu.dma_semaphore, #tpu.memory_space<semaphore_mem>>) src(%dma_wait3A_565 : memref<8192x768xf32, #tpu.memory_space<hbm>>) dst(%arg8 : memref<32x768xf32, #tpu.memory_space<vmem>>)
    %add3A_566 = arith.constant 704 : i32
    %add3A_567 = arith.addi %mul3A_2, %add3A_566 : i32
    %dma_start3A_568 = arith.constant 0 : i32
    %dma_start3A_569 = tpu.memref_slice %arg4[%add3A_567, %dma_start3A_568] : memref<32768x768xf32, #tpu.memory_space<hbm>> -> memref<32x768xf32, #tpu.memory_space<hbm>>
    %dma_start3A_570 = arith.constant 0 : i32
    %dma_start3A_571 = tpu.memref_slice %arg4[%add3A_567, %dma_start3A_570] : memref<32768x768xf32, #tpu.memory_space<hbm>> -> memref<32x768xf32, #tpu.memory_space<hbm>>
    tpu.enqueue_dma source(%arg8 : memref<32x768xf32, #tpu.memory_space<vmem>>) target(%dma_start3A_571 : memref<32x768xf32, #tpu.memory_space<hbm>>) target_semaphore(%arg16 : memref<!tpu.dma_semaphore, #tpu.memory_space<semaphore_mem>>)
    %dma_wait3A_572 = arith.constant 0 : i32
    %dma_wait3A_573 = tpu.memref_slice %arg4[%add3A_567, %dma_wait3A_572] : memref<32768x768xf32, #tpu.memory_space<hbm>> -> memref<32x768xf32, #tpu.memory_space<hbm>>
    %dma_wait3A_574 = arith.constant 0 : i32
    %dma_wait3A_575 = tpu.memref_slice %arg4[%add3A_567, %dma_wait3A_574] : memref<32768x768xf32, #tpu.memory_space<hbm>> -> memref<32x768xf32, #tpu.memory_space<hbm>>
    tpu.wait_dma2 semaphore(%arg16 : memref<!tpu.dma_semaphore, #tpu.memory_space<semaphore_mem>>) src(%arg8 : memref<32x768xf32, #tpu.memory_space<vmem>>) dst(%dma_wait3A_575 : memref<32x768xf32, #tpu.memory_space<hbm>>)
    %dma_start3A_576 = arith.constant 26 : i32
    %dma_start3A_577 = arith.constant 0 : i32
    %dma_start3A_578 = tpu.memref_slice %arg5[%dma_start3A_576, %dma_start3A_577] : memref<32x32xi32, #tpu.memory_space<vmem>> -> memref<1x32xi32, #tpu.memory_space<vmem>>
    %dma_start3A_579 = tpu.memref_squeeze %dma_start3A_578 : memref<1x32xi32, #tpu.memory_space<vmem>> -> memref<32xi32, #tpu.memory_space<vmem>>
    %dma_start3A_580 = arith.constant 0 : i32
    %dma_start3A_581 = arith.constant 0 : i32
    %dma_start3A_582 = tpu.memref_slice %arg3[%dma_start3A_580, %dma_start3A_581] : memref<8192x768xf32, #tpu.memory_space<hbm>> -> memref<8192x768xf32, #tpu.memory_space<hbm>>
    tpu.enqueue_indirect_dma source(%dma_start3A_582 : memref<8192x768xf32, #tpu.memory_space<hbm>>) target(%arg8 : memref<32x768xf32, #tpu.memory_space<vmem>>) offsets(%dma_start3A_579 : memref<32xi32, #tpu.memory_space<vmem>>) semaphore(%arg12 : memref<!tpu.dma_semaphore, #tpu.memory_space<semaphore_mem>>)
    %dma_wait3A_583 = arith.constant 23 : i32
    %dma_wait3A_584 = arith.constant 0 : i32
    %dma_wait3A_585 = tpu.memref_slice %arg5[%dma_wait3A_583, %dma_wait3A_584] : memref<32x32xi32, #tpu.memory_space<vmem>> -> memref<1x32xi32, #tpu.memory_space<vmem>>
    %dma_wait3A_586 = tpu.memref_squeeze %dma_wait3A_585 : memref<1x32xi32, #tpu.memory_space<vmem>> -> memref<32xi32, #tpu.memory_space<vmem>>
    %dma_wait3A_587 = arith.constant 0 : i32
    %dma_wait3A_588 = arith.constant 0 : i32
    %dma_wait3A_589 = tpu.memref_slice %arg3[%dma_wait3A_587, %dma_wait3A_588] : memref<8192x768xf32, #tpu.memory_space<hbm>> -> memref<8192x768xf32, #tpu.memory_space<hbm>>
    tpu.wait_indirect_dma semaphore(%arg13 : memref<!tpu.dma_semaphore, #tpu.memory_space<semaphore_mem>>) src(%dma_wait3A_589 : memref<8192x768xf32, #tpu.memory_space<hbm>>) dst(%arg9 : memref<32x768xf32, #tpu.memory_space<vmem>>)
    %add3A_590 = arith.constant 736 : i32
    %add3A_591 = arith.addi %mul3A_2, %add3A_590 : i32
    %dma_start3A_592 = arith.constant 0 : i32
    %dma_start3A_593 = tpu.memref_slice %arg4[%add3A_591, %dma_start3A_592] : memref<32768x768xf32, #tpu.memory_space<hbm>> -> memref<32x768xf32, #tpu.memory_space<hbm>>
    %dma_start3A_594 = arith.constant 0 : i32
    %dma_start3A_595 = tpu.memref_slice %arg4[%add3A_591, %dma_start3A_594] : memref<32768x768xf32, #tpu.memory_space<hbm>> -> memref<32x768xf32, #tpu.memory_space<hbm>>
    tpu.enqueue_dma source(%arg9 : memref<32x768xf32, #tpu.memory_space<vmem>>) target(%dma_start3A_595 : memref<32x768xf32, #tpu.memory_space<hbm>>) target_semaphore(%arg17 : memref<!tpu.dma_semaphore, #tpu.memory_space<semaphore_mem>>)
    %dma_wait3A_596 = arith.constant 0 : i32
    %dma_wait3A_597 = tpu.memref_slice %arg4[%add3A_591, %dma_wait3A_596] : memref<32768x768xf32, #tpu.memory_space<hbm>> -> memref<32x768xf32, #tpu.memory_space<hbm>>
    %dma_wait3A_598 = arith.constant 0 : i32
    %dma_wait3A_599 = tpu.memref_slice %arg4[%add3A_591, %dma_wait3A_598] : memref<32768x768xf32, #tpu.memory_space<hbm>> -> memref<32x768xf32, #tpu.memory_space<hbm>>
    tpu.wait_dma2 semaphore(%arg17 : memref<!tpu.dma_semaphore, #tpu.memory_space<semaphore_mem>>) src(%arg9 : memref<32x768xf32, #tpu.memory_space<vmem>>) dst(%dma_wait3A_599 : memref<32x768xf32, #tpu.memory_space<hbm>>)
    %dma_start3A_600 = arith.constant 27 : i32
    %dma_start3A_601 = arith.constant 0 : i32
    %dma_start3A_602 = tpu.memref_slice %arg5[%dma_start3A_600, %dma_start3A_601] : memref<32x32xi32, #tpu.memory_space<vmem>> -> memref<1x32xi32, #tpu.memory_space<vmem>>
    %dma_start3A_603 = tpu.memref_squeeze %dma_start3A_602 : memref<1x32xi32, #tpu.memory_space<vmem>> -> memref<32xi32, #tpu.memory_space<vmem>>
    %dma_start3A_604 = arith.constant 0 : i32
    %dma_start3A_605 = arith.constant 0 : i32
    %dma_start3A_606 = tpu.memref_slice %arg3[%dma_start3A_604, %dma_start3A_605] : memref<8192x768xf32, #tpu.memory_space<hbm>> -> memref<8192x768xf32, #tpu.memory_space<hbm>>
    tpu.enqueue_indirect_dma source(%dma_start3A_606 : memref<8192x768xf32, #tpu.memory_space<hbm>>) target(%arg9 : memref<32x768xf32, #tpu.memory_space<vmem>>) offsets(%dma_start3A_603 : memref<32xi32, #tpu.memory_space<vmem>>) semaphore(%arg13 : memref<!tpu.dma_semaphore, #tpu.memory_space<semaphore_mem>>)
    %dma_wait3A_607 = arith.constant 24 : i32
    %dma_wait3A_608 = arith.constant 0 : i32
    %dma_wait3A_609 = tpu.memref_slice %arg5[%dma_wait3A_607, %dma_wait3A_608] : memref<32x32xi32, #tpu.memory_space<vmem>> -> memref<1x32xi32, #tpu.memory_space<vmem>>
    %dma_wait3A_610 = tpu.memref_squeeze %dma_wait3A_609 : memref<1x32xi32, #tpu.memory_space<vmem>> -> memref<32xi32, #tpu.memory_space<vmem>>
    %dma_wait3A_611 = arith.constant 0 : i32
    %dma_wait3A_612 = arith.constant 0 : i32
    %dma_wait3A_613 = tpu.memref_slice %arg3[%dma_wait3A_611, %dma_wait3A_612] : memref<8192x768xf32, #tpu.memory_space<hbm>> -> memref<8192x768xf32, #tpu.memory_space<hbm>>
    tpu.wait_indirect_dma semaphore(%arg10 : memref<!tpu.dma_semaphore, #tpu.memory_space<semaphore_mem>>) src(%dma_wait3A_613 : memref<8192x768xf32, #tpu.memory_space<hbm>>) dst(%arg6 : memref<32x768xf32, #tpu.memory_space<vmem>>)
    %add3A_614 = arith.constant 768 : i32
    %add3A_615 = arith.addi %mul3A_2, %add3A_614 : i32
    %dma_start3A_616 = arith.constant 0 : i32
    %dma_start3A_617 = tpu.memref_slice %arg4[%add3A_615, %dma_start3A_616] : memref<32768x768xf32, #tpu.memory_space<hbm>> -> memref<32x768xf32, #tpu.memory_space<hbm>>
    %dma_start3A_618 = arith.constant 0 : i32
    %dma_start3A_619 = tpu.memref_slice %arg4[%add3A_615, %dma_start3A_618] : memref<32768x768xf32, #tpu.memory_space<hbm>> -> memref<32x768xf32, #tpu.memory_space<hbm>>
    tpu.enqueue_dma source(%arg6 : memref<32x768xf32, #tpu.memory_space<vmem>>) target(%dma_start3A_619 : memref<32x768xf32, #tpu.memory_space<hbm>>) target_semaphore(%arg14 : memref<!tpu.dma_semaphore, #tpu.memory_space<semaphore_mem>>)
    %dma_wait3A_620 = arith.constant 0 : i32
    %dma_wait3A_621 = tpu.memref_slice %arg4[%add3A_615, %dma_wait3A_620] : memref<32768x768xf32, #tpu.memory_space<hbm>> -> memref<32x768xf32, #tpu.memory_space<hbm>>
    %dma_wait3A_622 = arith.constant 0 : i32
    %dma_wait3A_623 = tpu.memref_slice %arg4[%add3A_615, %dma_wait3A_622] : memref<32768x768xf32, #tpu.memory_space<hbm>> -> memref<32x768xf32, #tpu.memory_space<hbm>>
    tpu.wait_dma2 semaphore(%arg14 : memref<!tpu.dma_semaphore, #tpu.memory_space<semaphore_mem>>) src(%arg6 : memref<32x768xf32, #tpu.memory_space<vmem>>) dst(%dma_wait3A_623 : memref<32x768xf32, #tpu.memory_space<hbm>>)
    %dma_start3A_624 = arith.constant 28 : i32
    %dma_start3A_625 = arith.constant 0 : i32
    %dma_start3A_626 = tpu.memref_slice %arg5[%dma_start3A_624, %dma_start3A_625] : memref<32x32xi32, #tpu.memory_space<vmem>> -> memref<1x32xi32, #tpu.memory_space<vmem>>
    %dma_start3A_627 = tpu.memref_squeeze %dma_start3A_626 : memref<1x32xi32, #tpu.memory_space<vmem>> -> memref<32xi32, #tpu.memory_space<vmem>>
    %dma_start3A_628 = arith.constant 0 : i32
    %dma_start3A_629 = arith.constant 0 : i32
    %dma_start3A_630 = tpu.memref_slice %arg3[%dma_start3A_628, %dma_start3A_629] : memref<8192x768xf32, #tpu.memory_space<hbm>> -> memref<8192x768xf32, #tpu.memory_space<hbm>>
    tpu.enqueue_indirect_dma source(%dma_start3A_630 : memref<8192x768xf32, #tpu.memory_space<hbm>>) target(%arg6 : memref<32x768xf32, #tpu.memory_space<vmem>>) offsets(%dma_start3A_627 : memref<32xi32, #tpu.memory_space<vmem>>) semaphore(%arg10 : memref<!tpu.dma_semaphore, #tpu.memory_space<semaphore_mem>>)
    %dma_wait3A_631 = arith.constant 25 : i32
    %dma_wait3A_632 = arith.constant 0 : i32
    %dma_wait3A_633 = tpu.memref_slice %arg5[%dma_wait3A_631, %dma_wait3A_632] : memref<32x32xi32, #tpu.memory_space<vmem>> -> memref<1x32xi32, #tpu.memory_space<vmem>>
    %dma_wait3A_634 = tpu.memref_squeeze %dma_wait3A_633 : memref<1x32xi32, #tpu.memory_space<vmem>> -> memref<32xi32, #tpu.memory_space<vmem>>
    %dma_wait3A_635 = arith.constant 0 : i32
    %dma_wait3A_636 = arith.constant 0 : i32
    %dma_wait3A_637 = tpu.memref_slice %arg3[%dma_wait3A_635, %dma_wait3A_636] : memref<8192x768xf32, #tpu.memory_space<hbm>> -> memref<8192x768xf32, #tpu.memory_space<hbm>>
    tpu.wait_indirect_dma semaphore(%arg11 : memref<!tpu.dma_semaphore, #tpu.memory_space<semaphore_mem>>) src(%dma_wait3A_637 : memref<8192x768xf32, #tpu.memory_space<hbm>>) dst(%arg7 : memref<32x768xf32, #tpu.memory_space<vmem>>)
    %add3A_638 = arith.constant 800 : i32
    %add3A_639 = arith.addi %mul3A_2, %add3A_638 : i32
    %dma_start3A_640 = arith.constant 0 : i32
    %dma_start3A_641 = tpu.memref_slice %arg4[%add3A_639, %dma_start3A_640] : memref<32768x768xf32, #tpu.memory_space<hbm>> -> memref<32x768xf32, #tpu.memory_space<hbm>>
    %dma_start3A_642 = arith.constant 0 : i32
    %dma_start3A_643 = tpu.memref_slice %arg4[%add3A_639, %dma_start3A_642] : memref<32768x768xf32, #tpu.memory_space<hbm>> -> memref<32x768xf32, #tpu.memory_space<hbm>>
    tpu.enqueue_dma source(%arg7 : memref<32x768xf32, #tpu.memory_space<vmem>>) target(%dma_start3A_643 : memref<32x768xf32, #tpu.memory_space<hbm>>) target_semaphore(%arg15 : memref<!tpu.dma_semaphore, #tpu.memory_space<semaphore_mem>>)
    %dma_wait3A_644 = arith.constant 0 : i32
    %dma_wait3A_645 = tpu.memref_slice %arg4[%add3A_639, %dma_wait3A_644] : memref<32768x768xf32, #tpu.memory_space<hbm>> -> memref<32x768xf32, #tpu.memory_space<hbm>>
    %dma_wait3A_646 = arith.constant 0 : i32
    %dma_wait3A_647 = tpu.memref_slice %arg4[%add3A_639, %dma_wait3A_646] : memref<32768x768xf32, #tpu.memory_space<hbm>> -> memref<32x768xf32, #tpu.memory_space<hbm>>
    tpu.wait_dma2 semaphore(%arg15 : memref<!tpu.dma_semaphore, #tpu.memory_space<semaphore_mem>>) src(%arg7 : memref<32x768xf32, #tpu.memory_space<vmem>>) dst(%dma_wait3A_647 : memref<32x768xf32, #tpu.memory_space<hbm>>)
    %dma_start3A_648 = arith.constant 29 : i32
    %dma_start3A_649 = arith.constant 0 : i32
    %dma_start3A_650 = tpu.memref_slice %arg5[%dma_start3A_648, %dma_start3A_649] : memref<32x32xi32, #tpu.memory_space<vmem>> -> memref<1x32xi32, #tpu.memory_space<vmem>>
    %dma_start3A_651 = tpu.memref_squeeze %dma_start3A_650 : memref<1x32xi32, #tpu.memory_space<vmem>> -> memref<32xi32, #tpu.memory_space<vmem>>
    %dma_start3A_652 = arith.constant 0 : i32
    %dma_start3A_653 = arith.constant 0 : i32
    %dma_start3A_654 = tpu.memref_slice %arg3[%dma_start3A_652, %dma_start3A_653] : memref<8192x768xf32, #tpu.memory_space<hbm>> -> memref<8192x768xf32, #tpu.memory_space<hbm>>
    tpu.enqueue_indirect_dma source(%dma_start3A_654 : memref<8192x768xf32, #tpu.memory_space<hbm>>) target(%arg7 : memref<32x768xf32, #tpu.memory_space<vmem>>) offsets(%dma_start3A_651 : memref<32xi32, #tpu.memory_space<vmem>>) semaphore(%arg11 : memref<!tpu.dma_semaphore, #tpu.memory_space<semaphore_mem>>)
    %dma_wait3A_655 = arith.constant 26 : i32
    %dma_wait3A_656 = arith.constant 0 : i32
    %dma_wait3A_657 = tpu.memref_slice %arg5[%dma_wait3A_655, %dma_wait3A_656] : memref<32x32xi32, #tpu.memory_space<vmem>> -> memref<1x32xi32, #tpu.memory_space<vmem>>
    %dma_wait3A_658 = tpu.memref_squeeze %dma_wait3A_657 : memref<1x32xi32, #tpu.memory_space<vmem>> -> memref<32xi32, #tpu.memory_space<vmem>>
    %dma_wait3A_659 = arith.constant 0 : i32
    %dma_wait3A_660 = arith.constant 0 : i32
    %dma_wait3A_661 = tpu.memref_slice %arg3[%dma_wait3A_659, %dma_wait3A_660] : memref<8192x768xf32, #tpu.memory_space<hbm>> -> memref<8192x768xf32, #tpu.memory_space<hbm>>
    tpu.wait_indirect_dma semaphore(%arg12 : memref<!tpu.dma_semaphore, #tpu.memory_space<semaphore_mem>>) src(%dma_wait3A_661 : memref<8192x768xf32, #tpu.memory_space<hbm>>) dst(%arg8 : memref<32x768xf32, #tpu.memory_space<vmem>>)
    %add3A_662 = arith.constant 832 : i32
    %add3A_663 = arith.addi %mul3A_2, %add3A_662 : i32
    %dma_start3A_664 = arith.constant 0 : i32
    %dma_start3A_665 = tpu.memref_slice %arg4[%add3A_663, %dma_start3A_664] : memref<32768x768xf32, #tpu.memory_space<hbm>> -> memref<32x768xf32, #tpu.memory_space<hbm>>
    %dma_start3A_666 = arith.constant 0 : i32
    %dma_start3A_667 = tpu.memref_slice %arg4[%add3A_663, %dma_start3A_666] : memref<32768x768xf32, #tpu.memory_space<hbm>> -> memref<32x768xf32, #tpu.memory_space<hbm>>
    tpu.enqueue_dma source(%arg8 : memref<32x768xf32, #tpu.memory_space<vmem>>) target(%dma_start3A_667 : memref<32x768xf32, #tpu.memory_space<hbm>>) target_semaphore(%arg16 : memref<!tpu.dma_semaphore, #tpu.memory_space<semaphore_mem>>)
    %dma_wait3A_668 = arith.constant 0 : i32
    %dma_wait3A_669 = tpu.memref_slice %arg4[%add3A_663, %dma_wait3A_668] : memref<32768x768xf32, #tpu.memory_space<hbm>> -> memref<32x768xf32, #tpu.memory_space<hbm>>
    %dma_wait3A_670 = arith.constant 0 : i32
    %dma_wait3A_671 = tpu.memref_slice %arg4[%add3A_663, %dma_wait3A_670] : memref<32768x768xf32, #tpu.memory_space<hbm>> -> memref<32x768xf32, #tpu.memory_space<hbm>>
    tpu.wait_dma2 semaphore(%arg16 : memref<!tpu.dma_semaphore, #tpu.memory_space<semaphore_mem>>) src(%arg8 : memref<32x768xf32, #tpu.memory_space<vmem>>) dst(%dma_wait3A_671 : memref<32x768xf32, #tpu.memory_space<hbm>>)
    %dma_start3A_672 = arith.constant 30 : i32
    %dma_start3A_673 = arith.constant 0 : i32
    %dma_start3A_674 = tpu.memref_slice %arg5[%dma_start3A_672, %dma_start3A_673] : memref<32x32xi32, #tpu.memory_space<vmem>> -> memref<1x32xi32, #tpu.memory_space<vmem>>
    %dma_start3A_675 = tpu.memref_squeeze %dma_start3A_674 : memref<1x32xi32, #tpu.memory_space<vmem>> -> memref<32xi32, #tpu.memory_space<vmem>>
    %dma_start3A_676 = arith.constant 0 : i32
    %dma_start3A_677 = arith.constant 0 : i32
    %dma_start3A_678 = tpu.memref_slice %arg3[%dma_start3A_676, %dma_start3A_677] : memref<8192x768xf32, #tpu.memory_space<hbm>> -> memref<8192x768xf32, #tpu.memory_space<hbm>>
    tpu.enqueue_indirect_dma source(%dma_start3A_678 : memref<8192x768xf32, #tpu.memory_space<hbm>>) target(%arg8 : memref<32x768xf32, #tpu.memory_space<vmem>>) offsets(%dma_start3A_675 : memref<32xi32, #tpu.memory_space<vmem>>) semaphore(%arg12 : memref<!tpu.dma_semaphore, #tpu.memory_space<semaphore_mem>>)
    %dma_wait3A_679 = arith.constant 27 : i32
    %dma_wait3A_680 = arith.constant 0 : i32
    %dma_wait3A_681 = tpu.memref_slice %arg5[%dma_wait3A_679, %dma_wait3A_680] : memref<32x32xi32, #tpu.memory_space<vmem>> -> memref<1x32xi32, #tpu.memory_space<vmem>>
    %dma_wait3A_682 = tpu.memref_squeeze %dma_wait3A_681 : memref<1x32xi32, #tpu.memory_space<vmem>> -> memref<32xi32, #tpu.memory_space<vmem>>
    %dma_wait3A_683 = arith.constant 0 : i32
    %dma_wait3A_684 = arith.constant 0 : i32
    %dma_wait3A_685 = tpu.memref_slice %arg3[%dma_wait3A_683, %dma_wait3A_684] : memref<8192x768xf32, #tpu.memory_space<hbm>> -> memref<8192x768xf32, #tpu.memory_space<hbm>>
    tpu.wait_indirect_dma semaphore(%arg13 : memref<!tpu.dma_semaphore, #tpu.memory_space<semaphore_mem>>) src(%dma_wait3A_685 : memref<8192x768xf32, #tpu.memory_space<hbm>>) dst(%arg9 : memref<32x768xf32, #tpu.memory_space<vmem>>)
    %add3A_686 = arith.constant 864 : i32
    %add3A_687 = arith.addi %mul3A_2, %add3A_686 : i32
    %dma_start3A_688 = arith.constant 0 : i32
    %dma_start3A_689 = tpu.memref_slice %arg4[%add3A_687, %dma_start3A_688] : memref<32768x768xf32, #tpu.memory_space<hbm>> -> memref<32x768xf32, #tpu.memory_space<hbm>>
    %dma_start3A_690 = arith.constant 0 : i32
    %dma_start3A_691 = tpu.memref_slice %arg4[%add3A_687, %dma_start3A_690] : memref<32768x768xf32, #tpu.memory_space<hbm>> -> memref<32x768xf32, #tpu.memory_space<hbm>>
    tpu.enqueue_dma source(%arg9 : memref<32x768xf32, #tpu.memory_space<vmem>>) target(%dma_start3A_691 : memref<32x768xf32, #tpu.memory_space<hbm>>) target_semaphore(%arg17 : memref<!tpu.dma_semaphore, #tpu.memory_space<semaphore_mem>>)
    %dma_wait3A_692 = arith.constant 0 : i32
    %dma_wait3A_693 = tpu.memref_slice %arg4[%add3A_687, %dma_wait3A_692] : memref<32768x768xf32, #tpu.memory_space<hbm>> -> memref<32x768xf32, #tpu.memory_space<hbm>>
    %dma_wait3A_694 = arith.constant 0 : i32
    %dma_wait3A_695 = tpu.memref_slice %arg4[%add3A_687, %dma_wait3A_694] : memref<32768x768xf32, #tpu.memory_space<hbm>> -> memref<32x768xf32, #tpu.memory_space<hbm>>
    tpu.wait_dma2 semaphore(%arg17 : memref<!tpu.dma_semaphore, #tpu.memory_space<semaphore_mem>>) src(%arg9 : memref<32x768xf32, #tpu.memory_space<vmem>>) dst(%dma_wait3A_695 : memref<32x768xf32, #tpu.memory_space<hbm>>)
    %dma_start3A_696 = arith.constant 31 : i32
    %dma_start3A_697 = arith.constant 0 : i32
    %dma_start3A_698 = tpu.memref_slice %arg5[%dma_start3A_696, %dma_start3A_697] : memref<32x32xi32, #tpu.memory_space<vmem>> -> memref<1x32xi32, #tpu.memory_space<vmem>>
    %dma_start3A_699 = tpu.memref_squeeze %dma_start3A_698 : memref<1x32xi32, #tpu.memory_space<vmem>> -> memref<32xi32, #tpu.memory_space<vmem>>
    %dma_start3A_700 = arith.constant 0 : i32
    %dma_start3A_701 = arith.constant 0 : i32
    %dma_start3A_702 = tpu.memref_slice %arg3[%dma_start3A_700, %dma_start3A_701] : memref<8192x768xf32, #tpu.memory_space<hbm>> -> memref<8192x768xf32, #tpu.memory_space<hbm>>
    tpu.enqueue_indirect_dma source(%dma_start3A_702 : memref<8192x768xf32, #tpu.memory_space<hbm>>) target(%arg9 : memref<32x768xf32, #tpu.memory_space<vmem>>) offsets(%dma_start3A_699 : memref<32xi32, #tpu.memory_space<vmem>>) semaphore(%arg13 : memref<!tpu.dma_semaphore, #tpu.memory_space<semaphore_mem>>)
    %dma_wait3A_703 = arith.constant 28 : i32
    %dma_wait3A_704 = arith.constant 0 : i32
    %dma_wait3A_705 = tpu.memref_slice %arg5[%dma_wait3A_703, %dma_wait3A_704] : memref<32x32xi32, #tpu.memory_space<vmem>> -> memref<1x32xi32, #tpu.memory_space<vmem>>
    %dma_wait3A_706 = tpu.memref_squeeze %dma_wait3A_705 : memref<1x32xi32, #tpu.memory_space<vmem>> -> memref<32xi32, #tpu.memory_space<vmem>>
    %dma_wait3A_707 = arith.constant 0 : i32
    %dma_wait3A_708 = arith.constant 0 : i32
    %dma_wait3A_709 = tpu.memref_slice %arg3[%dma_wait3A_707, %dma_wait3A_708] : memref<8192x768xf32, #tpu.memory_space<hbm>> -> memref<8192x768xf32, #tpu.memory_space<hbm>>
    tpu.wait_indirect_dma semaphore(%arg10 : memref<!tpu.dma_semaphore, #tpu.memory_space<semaphore_mem>>) src(%dma_wait3A_709 : memref<8192x768xf32, #tpu.memory_space<hbm>>) dst(%arg6 : memref<32x768xf32, #tpu.memory_space<vmem>>)
    %add3A_710 = arith.constant 896 : i32
    %add3A_711 = arith.addi %mul3A_2, %add3A_710 : i32
    %dma_start3A_712 = arith.constant 0 : i32
    %dma_start3A_713 = tpu.memref_slice %arg4[%add3A_711, %dma_start3A_712] : memref<32768x768xf32, #tpu.memory_space<hbm>> -> memref<32x768xf32, #tpu.memory_space<hbm>>
    %dma_start3A_714 = arith.constant 0 : i32
    %dma_start3A_715 = tpu.memref_slice %arg4[%add3A_711, %dma_start3A_714] : memref<32768x768xf32, #tpu.memory_space<hbm>> -> memref<32x768xf32, #tpu.memory_space<hbm>>
    tpu.enqueue_dma source(%arg6 : memref<32x768xf32, #tpu.memory_space<vmem>>) target(%dma_start3A_715 : memref<32x768xf32, #tpu.memory_space<hbm>>) target_semaphore(%arg14 : memref<!tpu.dma_semaphore, #tpu.memory_space<semaphore_mem>>)
    %dma_wait3A_716 = arith.constant 29 : i32
    %dma_wait3A_717 = arith.constant 0 : i32
    %dma_wait3A_718 = tpu.memref_slice %arg5[%dma_wait3A_716, %dma_wait3A_717] : memref<32x32xi32, #tpu.memory_space<vmem>> -> memref<1x32xi32, #tpu.memory_space<vmem>>
    %dma_wait3A_719 = tpu.memref_squeeze %dma_wait3A_718 : memref<1x32xi32, #tpu.memory_space<vmem>> -> memref<32xi32, #tpu.memory_space<vmem>>
    %dma_wait3A_720 = arith.constant 0 : i32
    %dma_wait3A_721 = arith.constant 0 : i32
    %dma_wait3A_722 = tpu.memref_slice %arg3[%dma_wait3A_720, %dma_wait3A_721] : memref<8192x768xf32, #tpu.memory_space<hbm>> -> memref<8192x768xf32, #tpu.memory_space<hbm>>
    tpu.wait_indirect_dma semaphore(%arg11 : memref<!tpu.dma_semaphore, #tpu.memory_space<semaphore_mem>>) src(%dma_wait3A_722 : memref<8192x768xf32, #tpu.memory_space<hbm>>) dst(%arg7 : memref<32x768xf32, #tpu.memory_space<vmem>>)
    %add3A_723 = arith.constant 928 : i32
    %add3A_724 = arith.addi %mul3A_2, %add3A_723 : i32
    %dma_start3A_725 = arith.constant 0 : i32
    %dma_start3A_726 = tpu.memref_slice %arg4[%add3A_724, %dma_start3A_725] : memref<32768x768xf32, #tpu.memory_space<hbm>> -> memref<32x768xf32, #tpu.memory_space<hbm>>
    %dma_start3A_727 = arith.constant 0 : i32
    %dma_start3A_728 = tpu.memref_slice %arg4[%add3A_724, %dma_start3A_727] : memref<32768x768xf32, #tpu.memory_space<hbm>> -> memref<32x768xf32, #tpu.memory_space<hbm>>
    tpu.enqueue_dma source(%arg7 : memref<32x768xf32, #tpu.memory_space<vmem>>) target(%dma_start3A_728 : memref<32x768xf32, #tpu.memory_space<hbm>>) target_semaphore(%arg15 : memref<!tpu.dma_semaphore, #tpu.memory_space<semaphore_mem>>)
    %dma_wait3A_729 = arith.constant 30 : i32
    %dma_wait3A_730 = arith.constant 0 : i32
    %dma_wait3A_731 = tpu.memref_slice %arg5[%dma_wait3A_729, %dma_wait3A_730] : memref<32x32xi32, #tpu.memory_space<vmem>> -> memref<1x32xi32, #tpu.memory_space<vmem>>
    %dma_wait3A_732 = tpu.memref_squeeze %dma_wait3A_731 : memref<1x32xi32, #tpu.memory_space<vmem>> -> memref<32xi32, #tpu.memory_space<vmem>>
    %dma_wait3A_733 = arith.constant 0 : i32
    %dma_wait3A_734 = arith.constant 0 : i32
    %dma_wait3A_735 = tpu.memref_slice %arg3[%dma_wait3A_733, %dma_wait3A_734] : memref<8192x768xf32, #tpu.memory_space<hbm>> -> memref<8192x768xf32, #tpu.memory_space<hbm>>
    tpu.wait_indirect_dma semaphore(%arg12 : memref<!tpu.dma_semaphore, #tpu.memory_space<semaphore_mem>>) src(%dma_wait3A_735 : memref<8192x768xf32, #tpu.memory_space<hbm>>) dst(%arg8 : memref<32x768xf32, #tpu.memory_space<vmem>>)
    %add3A_736 = arith.constant 960 : i32
    %add3A_737 = arith.addi %mul3A_2, %add3A_736 : i32
    %dma_start3A_738 = arith.constant 0 : i32
    %dma_start3A_739 = tpu.memref_slice %arg4[%add3A_737, %dma_start3A_738] : memref<32768x768xf32, #tpu.memory_space<hbm>> -> memref<32x768xf32, #tpu.memory_space<hbm>>
    %dma_start3A_740 = arith.constant 0 : i32
    %dma_start3A_741 = tpu.memref_slice %arg4[%add3A_737, %dma_start3A_740] : memref<32768x768xf32, #tpu.memory_space<hbm>> -> memref<32x768xf32, #tpu.memory_space<hbm>>
    tpu.enqueue_dma source(%arg8 : memref<32x768xf32, #tpu.memory_space<vmem>>) target(%dma_start3A_741 : memref<32x768xf32, #tpu.memory_space<hbm>>) target_semaphore(%arg16 : memref<!tpu.dma_semaphore, #tpu.memory_space<semaphore_mem>>)
    %dma_wait3A_742 = arith.constant 31 : i32
    %dma_wait3A_743 = arith.constant 0 : i32
    %dma_wait3A_744 = tpu.memref_slice %arg5[%dma_wait3A_742, %dma_wait3A_743] : memref<32x32xi32, #tpu.memory_space<vmem>> -> memref<1x32xi32, #tpu.memory_space<vmem>>
    %dma_wait3A_745 = tpu.memref_squeeze %dma_wait3A_744 : memref<1x32xi32, #tpu.memory_space<vmem>> -> memref<32xi32, #tpu.memory_space<vmem>>
    %dma_wait3A_746 = arith.constant 0 : i32
    %dma_wait3A_747 = arith.constant 0 : i32
    %dma_wait3A_748 = tpu.memref_slice %arg3[%dma_wait3A_746, %dma_wait3A_747] : memref<8192x768xf32, #tpu.memory_space<hbm>> -> memref<8192x768xf32, #tpu.memory_space<hbm>>
    tpu.wait_indirect_dma semaphore(%arg13 : memref<!tpu.dma_semaphore, #tpu.memory_space<semaphore_mem>>) src(%dma_wait3A_748 : memref<8192x768xf32, #tpu.memory_space<hbm>>) dst(%arg9 : memref<32x768xf32, #tpu.memory_space<vmem>>)
    %add3A_749 = arith.constant 992 : i32
    %add3A_750 = arith.addi %mul3A_2, %add3A_749 : i32
    %dma_start3A_751 = arith.constant 0 : i32
    %dma_start3A_752 = tpu.memref_slice %arg4[%add3A_750, %dma_start3A_751] : memref<32768x768xf32, #tpu.memory_space<hbm>> -> memref<32x768xf32, #tpu.memory_space<hbm>>
    %dma_start3A_753 = arith.constant 0 : i32
    %dma_start3A_754 = tpu.memref_slice %arg4[%add3A_750, %dma_start3A_753] : memref<32768x768xf32, #tpu.memory_space<hbm>> -> memref<32x768xf32, #tpu.memory_space<hbm>>
    tpu.enqueue_dma source(%arg9 : memref<32x768xf32, #tpu.memory_space<vmem>>) target(%dma_start3A_754 : memref<32x768xf32, #tpu.memory_space<hbm>>) target_semaphore(%arg17 : memref<!tpu.dma_semaphore, #tpu.memory_space<semaphore_mem>>)
    %dma_wait3A_755 = arith.constant 0 : i32
    %dma_wait3A_756 = tpu.memref_slice %arg4[%add3A_711, %dma_wait3A_755] : memref<32768x768xf32, #tpu.memory_space<hbm>> -> memref<32x768xf32, #tpu.memory_space<hbm>>
    %dma_wait3A_757 = arith.constant 0 : i32
    %dma_wait3A_758 = tpu.memref_slice %arg4[%add3A_711, %dma_wait3A_757] : memref<32768x768xf32, #tpu.memory_space<hbm>> -> memref<32x768xf32, #tpu.memory_space<hbm>>
    tpu.wait_dma2 semaphore(%arg14 : memref<!tpu.dma_semaphore, #tpu.memory_space<semaphore_mem>>) src(%arg6 : memref<32x768xf32, #tpu.memory_space<vmem>>) dst(%dma_wait3A_758 : memref<32x768xf32, #tpu.memory_space<hbm>>)
    %dma_wait3A_759 = arith.constant 0 : i32
    %dma_wait3A_760 = tpu.memref_slice %arg4[%add3A_724, %dma_wait3A_759] : memref<32768x768xf32, #tpu.memory_space<hbm>> -> memref<32x768xf32, #tpu.memory_space<hbm>>
    %dma_wait3A_761 = arith.constant 0 : i32
    %dma_wait3A_762 = tpu.memref_slice %arg4[%add3A_724, %dma_wait3A_761] : memref<32768x768xf32, #tpu.memory_space<hbm>> -> memref<32x768xf32, #tpu.memory_space<hbm>>
    tpu.wait_dma2 semaphore(%arg15 : memref<!tpu.dma_semaphore, #tpu.memory_space<semaphore_mem>>) src(%arg7 : memref<32x768xf32, #tpu.memory_space<vmem>>) dst(%dma_wait3A_762 : memref<32x768xf32, #tpu.memory_space<hbm>>)
    %dma_wait3A_763 = arith.constant 0 : i32
    %dma_wait3A_764 = tpu.memref_slice %arg4[%add3A_737, %dma_wait3A_763] : memref<32768x768xf32, #tpu.memory_space<hbm>> -> memref<32x768xf32, #tpu.memory_space<hbm>>
    %dma_wait3A_765 = arith.constant 0 : i32
    %dma_wait3A_766 = tpu.memref_slice %arg4[%add3A_737, %dma_wait3A_765] : memref<32768x768xf32, #tpu.memory_space<hbm>> -> memref<32x768xf32, #tpu.memory_space<hbm>>
    tpu.wait_dma2 semaphore(%arg16 : memref<!tpu.dma_semaphore, #tpu.memory_space<semaphore_mem>>) src(%arg8 : memref<32x768xf32, #tpu.memory_space<vmem>>) dst(%dma_wait3A_766 : memref<32x768xf32, #tpu.memory_space<hbm>>)
    %dma_wait3A_767 = arith.constant 0 : i32
    %dma_wait3A_768 = tpu.memref_slice %arg4[%add3A_750, %dma_wait3A_767] : memref<32768x768xf32, #tpu.memory_space<hbm>> -> memref<32x768xf32, #tpu.memory_space<hbm>>
    %dma_wait3A_769 = arith.constant 0 : i32
    %dma_wait3A_770 = tpu.memref_slice %arg4[%add3A_750, %dma_wait3A_769] : memref<32768x768xf32, #tpu.memory_space<hbm>> -> memref<32x768xf32, #tpu.memory_space<hbm>>
    tpu.wait_dma2 semaphore(%arg17 : memref<!tpu.dma_semaphore, #tpu.memory_space<semaphore_mem>>) src(%arg9 : memref<32x768xf32, #tpu.memory_space<vmem>>) dst(%dma_wait3A_770 : memref<32x768xf32, #tpu.memory_space<hbm>>)
    return
  }
}

</mosaic_0001>

<sc_bundles>
// kernel: kernel.3.cloned.1.call-start
scs
__scs_entry_jumppad:
0x0: {  	(pc) =	sbr.rel $0x88, $3  }
0x1: {  	(tag) =	ssettag $0x0;
	lr =	simm.s32 $0x1  }
0x2: {  	[smem:$0x3F9F] =	sst lr;
	_ =	strace $0xD0000000  }
0x3: {  	_ = 	snop  }
0x4: {  	_ = 	snop  }
0x5: {  	_ = 	snop  }
0x6: {  	_ = 	snop  }
0x7: {  	_ = 	snop  }
__scs_overlays_trampoline_lowered:
0x8: {  	[smem:$0x3FAE] =	sst s0  }
0x9: {  	[smem:$0x3FAF] =	sst s1  }
0xa: {  	[smem:$0x3FB0] =	sst s2  }
0xb: {  	[smem:$0x3FB1] =	sst s3  }
0xc: {  	[smem:$0x3FB2] =	sst s4  }
0xd: {  	[smem:$0x3FB3] =	sst s5  }
0xe: {  	[smem:$0x3FB4] =	sst s6  }
0xf: {  	[smem:$0x3FB5] =	sst s7  }
0x10: {  	[smem:$0x3FB6] =	sst s8  }
0x11: {  	[smem:$0x3FB7] =	sst s9;
	s0 =	simm.s32 @!p0 $0x0  }
0x12: {  	s1 =	sld [smem:$0x3F9D];
	s0 =	simm.s32 @p0 $0x1  }
0x13: {  	[smem:$0x3FB8] =	sst s0;
	s0 =	simm.s32 @!p1 $0x0  }
0x14: {  	s2 =	sld [smem:$0x3F9C];
	s0 =	simm.s32 @p1 $0x1  }
0x15: {  	[smem:$0x3FB9] =	sst s0;
	s0 =	simm.s32 @!p2 $0x0  }
0x16: {  	s3 =	sld [smem:$0x3FDB];
	s0 =	simm.s32 @p2 $0x1  }
0x17: {  	s4 =	simm.s32 $0x1BF5;
	[smem:$0x3FBB] =	sst s0  }
0x18: {  	s0 =	sld [smem:$0x3F9E];
	_ =	swait.ge [sflag:s4], $0x0  }
0x19: {  	s7 =	sld [smem:$0x3F9F]  }
0x1a: {  	s8 =	sadd.s32 $0xFFFFE003, lr  }
0x1b: {  	s9 =	sadd.s32 $0xFFFFFEF7, lr;
	s5 =	simm.s32 $0xFFFFFFFF;
	p2 =	slt.u32 s8, $0xFFFFF086  }
0x1c: {  	p1 =	slt.u32 s9, $0xF7A;
	s5 =	simm.s32 @!p2 $0x0  }
0x1d: {  	s5 =	simm.s32 @p1 $0x1;
	p0 =	seq.s32 s7, s2  }
0x1e: {  	s7 =	smul.u32 @!p0 $0xF7A, s2;
	p2 =	seq.s32 @!p0 s5, $0x0  }
0x1f: {  	s9 =	smul.u32 $0xF7A, s1;
	s8 =	simm.s32 @!p0 $0x1BF5;
	p2 =	por !p2, p0  }
0x20: {  	[sflag:s8] =	ssyncset.s32 @!p0 $0xFFFFF086;
	s6 =	sadd.s32 @!p0 s3, s7;
	s7 =	simm.s32 @!p0 $0x108  }
0x21: {  	s3 =	sadd.s32 s3, s9;
	s6 =	sadd.s32 @!p0 $0x88, s6;
	s7 =	simm.s32 @p2 $0x1082  }
0x22: {  	[simem:s7], [sflag:s8] =	dma.local @!p0 [hbm:s6], $0xF7A  }
0x23: {  	s9 =	sor.u32 $0xD0000000, s2;
	s6 =	simm.s32 $0x108;
	_ =	swait.ge @!p0 [sflag:s8], $0x0  }
0x24: {  	s3 =	sadd.s32 $0x88, s3;
	s6 =	simm.s32 @!p1 $0x1082;
	[sflag:s4] =	ssyncset.s32 $0xFFFFF086  }
0x25: {  	[simem:s6], [sflag:s4] =	dma.local [hbm:s3], $0xF7A  }
0x26: {  	[smem:$0x3F9F] =	sst s1;
	(tag) =	ssettag s2;
	_ =	strace s9  }
0x27: {  	s1 =	sld [smem:$0x3FAF]  }
0x28: {  	s2 =	sld [smem:$0x3FB0]  }
0x29: {  	s4 =	sld [smem:$0x3FB2]  }
0x2a: {  	p0 =	seq.s32 s5, $0x0;
	s5 =	sld [smem:$0x3FB3]  }
0x2b: {  	s6 =	sld [smem:$0x3FB4]  }
0x2c: {  	s7 =	sld [smem:$0x3FB5]  }
0x2d: {  	s3 =	simm.s32 $0x108;
	s8 =	sld [smem:$0x3FB6]  }
0x2e: {  	s3 =	simm.s32 @!p0 $0x1082;
	s9 =	sld [smem:$0x3FB7]  }
0x2f: {  	lr =	sadd.s32 s0, s3;
	s0 =	sld [smem:$0x3FAE]  }
0x30: {  	s3 =	sld [smem:$0x3FB1]  }
0x31: {  	[smem:$0x3FBA] =	sst s10  }
0x32: {  	s10 =	sld [smem:$0x3FB8];
	_ =	sdelay $0x3  }
0x33: {  	p0 =	seq.s32 s10, $0x1;
	s10 =	sld [smem:$0x3FBA];
	_ =	sdelay $0x3  }
0x34: {  	[smem:$0x3FBA] =	sst s10  }
0x35: {  	s10 =	sld [smem:$0x3FB9];
	_ =	sdelay $0x3  }
0x36: {  	p1 =	seq.s32 s10, $0x1;
	s10 =	sld [smem:$0x3FBA];
	_ =	sdelay $0x3  }
0x37: {  	[smem:$0x3FBA] =	sst s10  }
0x38: {  	s10 =	sld [smem:$0x3FBB]  }
0x39: {  	_ = 	snop;
	(pc) =	sbr.ind lr, $3  }
0x3a: {  	_ = 	snop  }
0x3b: {  	_ = 	snop  }
0x3c: {  	p2 =	seq.s32 s10, $0x1;
	s10 =	sld [smem:$0x3FBA]  }
0x3d: {  	_ =	shalt  }
0x3e: {  	_ =	shalt  }
0x3f: {  	_ =	shalt  }
0x40: {  	_ =	shalt  }
0x41: {  	_ =	shalt  }
0x42: {  	_ =	shalt  }
0x43: {  	_ =	shalt  }
0x44: {  	_ =	shalt  }
0x45: {  	_ =	shalt  }
0x46: {  	_ =	shalt  }
0x47: {  	_ =	shalt  }
0x48: {  	_ =	shalt  }
0x49: {  	_ =	shalt  }
0x4a: {  	_ =	shalt  }
0x4b: {  	_ =	shalt  }
0x4c: {  	_ =	shalt  }
0x4d: {  	_ =	shalt  }
0x4e: {  	_ =	shalt  }
0x4f: {  	_ =	shalt  }
0x50: {  	_ =	shalt  }
0x51: {  	_ =	shalt  }
0x52: {  	_ =	shalt  }
0x53: {  	_ =	shalt  }
0x54: {  	_ =	shalt  }
0x55: {  	_ =	shalt  }
0x56: {  	_ =	shalt  }
0x57: {  	_ =	shalt  }
0x58: {  	_ =	shalt  }
0x59: {  	_ =	shalt  }
0x5a: {  	_ =	shalt  }
0x5b: {  	_ =	shalt  }
0x5c: {  	_ =	shalt  }
0x5d: {  	_ =	shalt  }
0x5e: {  	_ =	shalt  }
0x5f: {  	_ =	shalt  }
0x60: {  	_ =	shalt  }
0x61: {  	_ =	shalt  }
0x62: {  	_ =	shalt  }
0x63: {  	_ =	shalt  }
0x64: {  	_ =	shalt  }
0x65: {  	_ =	shalt  }
0x66: {  	_ =	shalt  }
0x67: {  	_ =	shalt  }
0x68: {  	_ =	shalt  }
0x69: {  	_ =	shalt  }
0x6a: {  	_ =	shalt  }
0x6b: {  	_ =	shalt  }
0x6c: {  	_ =	shalt  }
0x6d: {  	_ =	shalt  }
0x6e: {  	_ =	shalt  }
0x6f: {  	_ =	shalt  }
0x70: {  	_ =	shalt  }
0x71: {  	_ =	shalt  }
0x72: {  	_ =	shalt  }
0x73: {  	_ =	shalt  }
0x74: {  	_ =	shalt  }
0x75: {  	_ =	shalt  }
0x76: {  	_ =	shalt  }
0x77: {  	_ =	shalt  }
0x78: {  	_ =	shalt  }
0x79: {  	_ =	shalt  }
0x7a: {  	_ =	shalt  }
0x7b: {  	_ =	shalt  }
0x7c: {  	_ =	shalt  }
0x7d: {  	_ =	shalt  }
0x7e: {  	_ =	shalt  }
0x7f: {  	_ =	shalt  }
0x80: {  	_ =	shalt  }
0x81: {  	_ =	shalt  }
0x82: {  	_ =	shalt  }
0x83: {  	_ =	shalt  }
0x84: {  	_ =	shalt  }
0x85: {  	_ =	shalt  }
0x86: {  	_ =	shalt  }
0x87: {  	_ =	shalt  }
.Lfunc_end0:
.L_simem_size_0:
called_computation_lowered:
.L_overlay_start_0:
0x88: {  	s2 =	sld [smem:$0x3FD9]  }
0x89: {  	s3 =	sld [smem:$0x3FFE];
	_ =	sdelay $0x1  }
0x8a: {  	s1 =	srdreg.scid  }
0x8b: {  	s0 =	sand.u32 $0x1, s1  }
0x8c: {  	s17 =	sshll.u32 s0, $0xA;
	s2 =	sadd.s32 s3, s2  }
0x8d: {  	s2 =	sadd.s32 s2, s17  }
0x8e: {  	[smem:$0x3FC6] =	sst s2  }
0x8f: {  	_ = 	snop  }
0x90: {  	s2 =	sld [smem:$0x3FC8]  }
0x91: {  	s18 =	sld [smem:$0x3FD0];
	(tm) =	ssettm $0x1  }
0x92: {  	s4 =	sld [smem:$0x3FFB];
	_ =	sdelay $0x3  }
0x93: {  	_ =	strace s4  }
0x94: {  	s4 =	sld [smem:$0x3FFC];
	_ =	sdelay $0x3  }
0x95: {  	_ =	strace s4  }
0x96: {  	s4 =	sld [smem:$0x3FFD];
	_ =	sdelay $0x3  }
0x97: {  	_ =	strace s4  }
0x98: {  	_ =	strace $0x8FFFFFFF  }
0x99: {  	s19 =	sld [smem:$0x3FDB];
	_ =	sdelay $0x1  }
0x9a: {  	s5 =	simm.s32 $_scs_section_size  }
0x9b: {  	s6 =	simm.s32 $_size__tile_overlayer_lowered;
	s7 =	simm.s32 $_tile_overlayer_lowered  }
0x9c: {  	s22 =	simm.s32 $0x1BFF;
	s21 =	sshll.u32 s7, $0x1;
	s4 =	sadd.s32 s5, s19  }
0x9d: {  	s8 =	simm.s32 $0x0;
	s20 =	sshll.u32 s6, $0x1;
	s6 =	sadd.s32 s21, s4  }
0x9e: {  	[timem:s8], [sflag:s22] =	dma.local [hbm:s6], s20  }
0x9f: {  	_ =	swait.ge [sflag:s22], s20  }
0xa0: {  	s5 =	ssub.s32 $0x0, s20;
	[sflag:s22] =	ssyncset.done $0x0  }
0xa1: {  	[sflag:s22] =	ssyncadd.s32 s5;
	_ =	sdelay $0x1  }
0xa2: {  	s23 =	simm.s32 $0x1B8B  }
0xa3: {  	_ =	swait.ge [sflag:s23], $0x1  }
0xa4: {  	[sflag:s23] =	ssyncset.done $0x0  }
0xa5: {  	s25 =	simm.s32 $0x1B8E;
	s24 =	sld [smem:$0x3FFE];
	[sflag:s23] =	ssyncadd.s32 $0xFFFFFFFF  }
0xa6: {  	s26 =	simm.s32 $execute0_lowered;
	[smem:$0x3FD2] =	sst s25  }
0xa7: {  	s6 =	sshll.u32 s26, $0x1;
	_ =	strace $0x80000046;
	[dreg:$0x1] =	wrdreg $0xFFFFFFFF  }
0xa8: {  	s28 =	simm.s32 $_size_execute0_lowered;
	s4 =	sadd.s32 s4, s6;
	[dreg:$0x0] =	wrdreg $0x0  }
0xa9: {  	s6 =	sshll.u32 s28, $0x1;
	[dreg:$0x2] =	wrdreg s4  }
0xaa: {  	[dreg:$0x3] =	wrdreg s6  }
0xab: {  	[dreg:$0x4] =	wrdreg $0xC0  }
0xac: {  	_ =	task [dreg:s8], $0x5FFFF  }
0xad: {  	[dreg:$0x1] =	wrdreg $0xFFFFFFFF  }
0xae: {  	[dreg:$0x0] =	wrdreg $0x60  }
0xaf: {  	[dreg:$0x2] =	wrdreg s24  }
0xb0: {  	[dreg:$0x3] =	wrdreg s2  }
0xb1: {  	[dreg:$0x4] =	wrdreg s18  }
0xb2: {  	[dreg:$0x5] =	wrdreg $0x9  }
0xb3: {  	_ =	task.clear_ibuf [dreg:s8], $0x6FFFF;
	_ =	strace $0x90000046  }
0xb4: {  	s29 =	simm.s32 $0x9;
	_ =	strace $0x80000048  }
0xb5: {  	_ =	swait.ge [sflag:s29], $0x1  }
0xb6: {  	[sflag:s29] =	ssyncadd.s32 $0xFFFFFFFF  }
0xb7: {  	_ =	strace $0x90000048  }
0xb8: {  	_ =	sfence  }
0xb9: {  	s30 =	sld [smem:$0x0];
	_ =	sdelay $0x2  }
0xba: {  	s31 =	sshll.u32 s1, $0xD;
	s1 =	sshrl.u32 s1, $0x2  }
0xbb: {  	s3 =	sand.u32 $0x4000, s31;
	s1 =	sadd.s32 s1, s30  }
0xbc: {  	s0 =	sor.u32 s3, s0;
	s1 =	sshll.u32 s1, $0x11  }
0xbd: {  	s0 =	sor.u32 s1, s0  }
0xbe: {  	s0 =	sadd.s32 $0x8F2B, s0  }
0xbf: {  	[sflag:s0] =	ssyncadd.remote.s32 $0x1  }
0xc0: {  	_ =	sfence.sel $0xFFFF  }
0xc1: {  	[dreg:$0x0] =	wrdreg $0xFFFFFFFF;
	(pc) =	sbr.abs _section_cstart, $3  }
0xc2: {  	[dreg:$0x1] =	wrdreg $0xFFFFFFFF  }
0xc3: {  	_ =	task.clear_ibuf [dreg:s8], $0x2FFFF;
	_ =	strace $0x9FFFFFFF  }
0xc4: {  	(tm) =	ssettm $0x7FFFFFFF  }
0xc5: {  	_ =	shalt  }
tec
execute0_lowered:
.L_overlay_start_1:
0x0: {  	(tag) =	ssettag $0x1  }
0x1: {  	s0 =	srdreg.scid;
	s3 =	stileid.u32  }
0x2: {  	s1 =	rddreg [dreg:$0x0];
	s0 =	sand.u32 $0x1, s0;
	s3 =	sshll.u32 s3, $0x1  }
0x3: {  	s2 =	rddreg [dreg:$0x1];
	s5 =	sor.u32 s0, s3  }
0x4: {  	s4 =	rddreg [dreg:$0x2];
	s6 =	sshll.u32 s5, $0x9  }
0x5: {  	s3 =	simm.s32 $0x0;
	s7 =	smul.u32 $0x18000, s5;
	s1 =	sadd.s32 s6, s1  }
0x6: {  	[smem:$0x7FF] =	sst s3;
	s1 =	sadd.s32 $0x400, s1  }
0x7: {  	_ =	strace $0x80000047;
	s22 =	sadd.s32 s4, s7;
	[dreg:$0x4] =	wrdreg s1  }
0x8: {  	s23 =	sadd.s32 $0xC00, s22;
	[smem:$0x7F9] =	sst s22  }
0x9: {  	s24 =	sadd.s32 $0x1800, s22;
	[dreg:$0x5] =	wrdreg s23  }
0xa: {  	s25 =	sadd.s32 $0x2400, s22;
	[dreg:$0x6] =	wrdreg s24  }
0xb: {  	s26 =	sadd.s32 $0x3000, s22;
	[dreg:$0x7] =	wrdreg s25  }
0xc: {  	s28 =	sadd.s32 $0x3C00, s22;
	[dreg:$0x8] =	wrdreg s26  }
0xd: {  	s29 =	sadd.s32 $0x4800, s22;
	[dreg:$0x9] =	wrdreg s28  }
0xe: {  	s5 =	smul.u32 $0xC0000, s5;
	s30 =	sadd.s32 $0x5400, s22;
	[dreg:$0xa] =	wrdreg s29  }
0xf: {  	s31 =	sadd.s32 $0x6000, s22;
	[dreg:$0xb] =	wrdreg s30  }
0x10: {  	s5 =	sshrl.u32 s5, $0x3;
	s7 =	sadd.s32 $0x6C00, s22;
	[dreg:$0xc] =	wrdreg s31  }
0x11: {  	s8 =	sadd.s32 $0x7800, s22;
	s4 =	sadd.s32 s4, s5;
	[dreg:$0xd] =	wrdreg s7  }
0x12: {  	[dreg:$0xe] =	wrdreg s8;
	s9 =	sadd.s32 $0x8400, s4  }
0x13: {  	s10 =	sadd.s32 $0x9000, s4;
	[dreg:$0xf] =	wrdreg s9  }
0x14: {  	s11 =	sadd.s32 $0x9C00, s4;
	[dreg:$0x10] =	wrdreg s10  }
0x15: {  	s12 =	sadd.s32 $0xA800, s4;
	[dreg:$0x11] =	wrdreg s11  }
0x16: {  	s13 =	sadd.s32 $0xB400, s4;
	[dreg:$0x12] =	wrdreg s12  }
0x17: {  	s14 =	sadd.s32 $0xC000, s4;
	[dreg:$0x13] =	wrdreg s13  }
0x18: {  	s15 =	sadd.s32 $0xCC00, s4;
	[dreg:$0x14] =	wrdreg s14  }
0x19: {  	s16 =	sadd.s32 $0xD800, s4;
	[dreg:$0x15] =	wrdreg s15  }
0x1a: {  	s17 =	sadd.s32 $0xE400, s4;
	[dreg:$0x16] =	wrdreg s16  }
0x1b: {  	s18 =	sadd.s32 $0xF000, s4;
	[dreg:$0x17] =	wrdreg s17  }
0x1c: {  	s19 =	sadd.s32 $0xFC00, s4;
	[dreg:$0x18] =	wrdreg s18  }
0x1d: {  	s20 =	sadd.s32 $0x10800, s4;
	[dreg:$0x19] =	wrdreg s19  }
0x1e: {  	s21 =	sadd.s32 $0x11400, s4;
	[dreg:$0x1a] =	wrdreg s20  }
0x1f: {  	s22 =	sadd.s32 $0x12000, s4;
	[dreg:$0x1b] =	wrdreg s21  }
0x20: {  	s23 =	sadd.s32 $0x12C00, s4;
	[dreg:$0x1c] =	wrdreg s22  }
0x21: {  	s24 =	sadd.s32 $0x13800, s4;
	[dreg:$0x1d] =	wrdreg s23  }
0x22: {  	s25 =	sadd.s32 $0x14400, s4;
	[dreg:$0x1e] =	wrdreg s24  }
0x23: {  	s0 =	ssub.s32 $0x2, s0;
	s26 =	sadd.s32 $0x15000, s4;
	[dreg:$0x1f] =	wrdreg s25  }
0x24: {  	s6 =	sadd.s32 $0x200, s2;
	s29 =	sadd.s32 $0x15C00, s4;
	[smem:$0x7FA] =	sst s26  }
0x25: {  	s5 =	sadd.s32 $0x100, s2;
	s30 =	sadd.s32 $0x16800, s4;
	[smem:$0x7FB] =	sst s29  }
0x26: {  	s28 =	sshrl.u32 s0, $0x1;
	s31 =	sadd.s32 $0x17400, s4;
	[smem:$0x7FC] =	sst s30  }
0x27: {  	s8 =	simm.s32 $0x1;
	s0 =	ssub.s32 s0, s28;
	[smem:$0x7FD] =	sst s31  }
0x28: {  	v2 =	vlaneseq.u32;
	s10 =	simm.s32 $0x5;
	s11 =	simm.s32 $0x2;
	s12 =	simm.s32 $0x6  }
0x29: {  	vm0 =	vmmov $0xffff;
	v1 =	vshrl.u32 v2, $0x3;
	s13 =	simm.s32 $0x3;
	s14 =	simm.s32 $0x7;
	s15 =	simm.s32 $0x4  }
0x2a: {  	v0 =	vand.u32 $0x7, v2;
	v2 =	vor.u32 $0x8, v2;
	v1 =	vmul.u32 $0x8, v1;
	s16 =	simm.s32 $0x8;
	s22 =	simm.s32 $0x13000;
	s0 =	smax.u32 s0, $0x1  }
.LBB2_1:
0x2b: {  	[smem:$0x7F8] =	sst s0  }
0x2c: {  	s17 =	rddreg [dreg:$0x4];
	s7 =	simm.s32 $0x9  }
0x2d: {  	[tilespmem:s3], [sflag:$0x9] =	stream.linear.gather [hbm4b:s17+s3], $0x1000, $0x38;
	[tilespmem:$0x19000] =	vst v63  }
0x2e: {  	_ =	swait.ge [sflag:s7], $0x1000  }
0x2f: {  	[sflag:s7] =	ssyncset.done $0x0  }
0x30: {  	[sflag:s7] =	ssyncadd.s32 $0xFFFFF000  }
0x31: {  	v3 =	vld [tilespmem:$0x0];
	_ =	sdelay $0x4  }
0x32: {  	v4 =	vshrl.u32 v3, $0x3  }
0x33: {  	v4 =	vmul.u32 $0x30, v4  }
0x34: {  	v3 =	vand.u32 $0x7, v3  }
0x35: {  	v3 =	vor.u32 v3, v4  }
0x36: {  	v4 =	vperm.xlane v3, v0;
	_ =	sdelay $0x1  }
0x37: {  	v4 =	vadd.s32 v1, v4;
	_ =	sdelay $0x3  }
0x38: {  	s9 =	simm.s32 $0x1000;
	v3 =	vperm.xlane v3, v2  }
0x39: {  	[tilespmem:s9], [sflag:$0x1] =	stream.indirect_vreg.gather [hbm4b:s2+s3], $0x80, v4, vm0, $0xb8;
	[tilespmem:$0x19000] =	vst v63  }
0x3a: {  	s17 =	simm.s32 $0x1800;
	v3 =	vadd.s32 v1, v3  }
0x3b: {  	[tilespmem:s17], [sflag:$0x1] =	stream.indirect_vreg.gather [hbm4b:s5+s3], $0x80, v4, vm0, $0xb8;
	[tilespmem:$0x19000] =	vst v63  }
0x3c: {  	s18 =	simm.s32 $0x2000  }
0x3d: {  	[tilespmem:s18], [sflag:$0x1] =	stream.indirect_vreg.gather [hbm4b:s6+s3], $0x80, v4, vm0, $0xb8;
	[tilespmem:$0x19000] =	vst v63  }
0x3e: {  	s19 =	simm.s32 $0x2800  }
0x3f: {  	[tilespmem:s19], [sflag:$0x1] =	stream.indirect_vreg.gather [hbm4b:s2+s3], $0x80, v3, vm0, $0xb8;
	[tilespmem:$0x19000] =	vst v63  }
0x40: {  	s20 =	simm.s32 $0x3000  }
0x41: {  	[tilespmem:s20], [sflag:$0x1] =	stream.indirect_vreg.gather [hbm4b:s5+s3], $0x80, v3, vm0, $0xb8;
	[tilespmem:$0x19000] =	vst v63  }
0x42: {  	s21 =	simm.s32 $0x3800  }
0x43: {  	[tilespmem:s21], [sflag:$0x1] =	stream.indirect_vreg.gather [hbm4b:s6+s3], $0x80, v3, vm0, $0xb8;
	[tilespmem:$0x19000] =	vst v63  }
0x44: {  	v3 =	vld [tilespmem:$0x10];
	_ =	sdelay $0x4  }
0x45: {  	v57 =	vshrl.u32 v3, $0x3  }
0x46: {  	v4 =	vmul.u32 $0x30, v57  }
0x47: {  	v3 =	vand.u32 $0x7, v3  }
0x48: {  	v3 =	vor.u32 v3, v4  }
0x49: {  	v4 =	vperm.xlane v3, v0;
	_ =	sdelay $0x1  }
0x4a: {  	v4 =	vadd.s32 v1, v4;
	_ =	sdelay $0x3  }
0x4b: {  	s23 =	simm.s32 $0x4000;
	v3 =	vperm.xlane v3, v2  }
0x4c: {  	[tilespmem:s23], [sflag:$0x1] =	stream.indirect_vreg.gather [hbm4b:s2+s3], $0x80, v4, vm0, $0xb8;
	[tilespmem:$0x19000] =	vst v63  }
0x4d: {  	s28 =	simm.s32 $0x4800;
	v3 =	vadd.s32 v1, v3  }
0x4e: {  	[tilespmem:s28], [sflag:$0x1] =	stream.indirect_vreg.gather [hbm4b:s5+s3], $0x80, v4, vm0, $0xb8;
	[tilespmem:$0x19000] =	vst v63  }
0x4f: {  	s29 =	simm.s32 $0x5000  }
0x50: {  	[tilespmem:s29], [sflag:$0x1] =	stream.indirect_vreg.gather [hbm4b:s6+s3], $0x80, v4, vm0, $0xb8;
	[tilespmem:$0x19000] =	vst v63  }
0x51: {  	s30 =	simm.s32 $0x5800  }
0x52: {  	[tilespmem:s30], [sflag:$0x1] =	stream.indirect_vreg.gather [hbm4b:s2+s3], $0x80, v3, vm0, $0xb8;
	[tilespmem:$0x19000] =	vst v63  }
0x53: {  	s31 =	simm.s32 $0x6000  }
0x54: {  	[tilespmem:s31], [sflag:$0x1] =	stream.indirect_vreg.gather [hbm4b:s5+s3], $0x80, v3, vm0, $0xb8;
	[tilespmem:$0x19000] =	vst v63  }
0x55: {  	s4 =	simm.s32 $0x6800  }
0x56: {  	[tilespmem:s4], [sflag:$0x1] =	stream.indirect_vreg.gather [hbm4b:s6+s3], $0x80, v3, vm0, $0xb8;
	[tilespmem:$0x19000] =	vst v63  }
0x57: {  	v3 =	vld [tilespmem:$0x80];
	_ =	sdelay $0x4  }
0x58: {  	v58 =	vshrl.u32 v3, $0x3  }
0x59: {  	v4 =	vmul.u32 $0x30, v58  }
0x5a: {  	v3 =	vand.u32 $0x7, v3  }
0x5b: {  	v3 =	vor.u32 v3, v4  }
0x5c: {  	v4 =	vperm.xlane v3, v0;
	_ =	sdelay $0x1  }
0x5d: {  	v4 =	vadd.s32 v1, v4;
	_ =	sdelay $0x3  }
0x5e: {  	s9 =	simm.s32 $0x7000;
	v3 =	vperm.xlane v3, v2  }
0x5f: {  	[tilespmem:s9], [sflag:$0x2] =	stream.indirect_vreg.gather [hbm4b:s2+s3], $0x80, v4, vm0, $0xb8;
	[tilespmem:$0x19000] =	vst v63  }
0x60: {  	s17 =	simm.s32 $0x7800;
	v3 =	vadd.s32 v1, v3  }
0x61: {  	[tilespmem:s17], [sflag:$0x2] =	stream.indirect_vreg.gather [hbm4b:s5+s3], $0x80, v4, vm0, $0xb8;
	[tilespmem:$0x19000] =	vst v63  }
0x62: {  	s18 =	simm.s32 $0x8000  }
0x63: {  	[tilespmem:s18], [sflag:$0x2] =	stream.indirect_vreg.gather [hbm4b:s6+s3], $0x80, v4, vm0, $0xb8;
	[tilespmem:$0x19000] =	vst v63  }
0x64: {  	s19 =	simm.s32 $0x8800  }
0x65: {  	[tilespmem:s19], [sflag:$0x2] =	stream.indirect_vreg.gather [hbm4b:s2+s3], $0x80, v3, vm0, $0xb8;
	[tilespmem:$0x19000] =	vst v63  }
0x66: {  	s21 =	simm.s32 $0x9000  }
0x67: {  	[tilespmem:s21], [sflag:$0x2] =	stream.indirect_vreg.gather [hbm4b:s5+s3], $0x80, v3, vm0, $0xb8;
	[tilespmem:$0x19000] =	vst v63  }
0x68: {  	s23 =	simm.s32 $0x9800  }
0x69: {  	[tilespmem:s23], [sflag:$0x2] =	stream.indirect_vreg.gather [hbm4b:s6+s3], $0x80, v3, vm0, $0xb8;
	[tilespmem:$0x19000] =	vst v63  }
0x6a: {  	v3 =	vld [tilespmem:$0x90];
	_ =	sdelay $0x4  }
0x6b: {  	v59 =	vshrl.u32 v3, $0x3  }
0x6c: {  	v4 =	vmul.u32 $0x30, v59  }
0x6d: {  	v3 =	vand.u32 $0x7, v3  }
0x6e: {  	v3 =	vor.u32 v3, v4  }
0x6f: {  	v4 =	vperm.xlane v3, v0;
	_ =	sdelay $0x1  }
0x70: {  	v4 =	vadd.s32 v1, v4;
	_ =	sdelay $0x3  }
0x71: {  	s31 =	simm.s32 $0xA000;
	v3 =	vperm.xlane v3, v2  }
0x72: {  	[tilespmem:s31], [sflag:$0x2] =	stream.indirect_vreg.gather [hbm4b:s2+s3], $0x80, v4, vm0, $0xb8;
	[tilespmem:$0x19000] =	vst v63  }
0x73: {  	s4 =	simm.s32 $0xA800;
	v3 =	vadd.s32 v1, v3  }
0x74: {  	[tilespmem:s4], [sflag:$0x2] =	stream.indirect_vreg.gather [hbm4b:s5+s3], $0x80, v4, vm0, $0xb8;
	[tilespmem:$0x19000] =	vst v63  }
0x75: {  	s17 =	simm.s32 $0xB000  }
0x76: {  	[tilespmem:s17], [sflag:$0x2] =	stream.indirect_vreg.gather [hbm4b:s6+s3], $0x80, v4, vm0, $0xb8;
	[tilespmem:$0x19000] =	vst v63  }
0x77: {  	s21 =	simm.s32 $0xB800  }
0x78: {  	[tilespmem:s21], [sflag:$0x2] =	stream.indirect_vreg.gather [hbm4b:s2+s3], $0x80, v3, vm0, $0xb8;
	[tilespmem:$0x19000] =	vst v63  }
0x79: {  	s4 =	simm.s32 $0xC000  }
0x7a: {  	[tilespmem:s4], [sflag:$0x2] =	stream.indirect_vreg.gather [hbm4b:s5+s3], $0x80, v3, vm0, $0xb8;
	[tilespmem:$0x19000] =	vst v63  }
0x7b: {  	s17 =	simm.s32 $0xC800  }
0x7c: {  	[tilespmem:s17], [sflag:$0x2] =	stream.indirect_vreg.gather [hbm4b:s6+s3], $0x80, v3, vm0, $0xb8;
	[tilespmem:$0x19000] =	vst v63  }
0x7d: {  	v3 =	vld [tilespmem:$0x100];
	_ =	sdelay $0x4  }
0x7e: {  	v60 =	vshrl.u32 v3, $0x3  }
0x7f: {  	v4 =	vmul.u32 $0x30, v60  }
0x80: {  	v3 =	vand.u32 $0x7, v3  }
0x81: {  	v3 =	vor.u32 v3, v4  }
0x82: {  	v4 =	vperm.xlane v3, v0;
	_ =	sdelay $0x1  }
0x83: {  	v4 =	vadd.s32 v1, v4;
	_ =	sdelay $0x3  }
0x84: {  	s21 =	simm.s32 $0xD000;
	v3 =	vperm.xlane v3, v2  }
0x85: {  	[tilespmem:s21], [sflag:$0x3] =	stream.indirect_vreg.gather [hbm4b:s2+s3], $0x80, v4, vm0, $0xb8;
	[tilespmem:$0x19000] =	vst v63  }
0x86: {  	s4 =	simm.s32 $0xD800;
	v3 =	vadd.s32 v1, v3  }
0x87: {  	[tilespmem:s4], [sflag:$0x3] =	stream.indirect_vreg.gather [hbm4b:s5+s3], $0x80, v4, vm0, $0xb8;
	[tilespmem:$0x19000] =	vst v63  }
0x88: {  	s17 =	simm.s32 $0xE000  }
0x89: {  	[tilespmem:s17], [sflag:$0x3] =	stream.indirect_vreg.gather [hbm4b:s6+s3], $0x80, v4, vm0, $0xb8;
	[tilespmem:$0x19000] =	vst v63  }
0x8a: {  	s21 =	simm.s32 $0xE800  }
0x8b: {  	[tilespmem:s21], [sflag:$0x3] =	stream.indirect_vreg.gather [hbm4b:s2+s3], $0x80, v3, vm0, $0xb8;
	[tilespmem:$0x19000] =	vst v63  }
0x8c: {  	s4 =	simm.s32 $0xF000  }
0x8d: {  	[tilespmem:s4], [sflag:$0x3] =	stream.indirect_vreg.gather [hbm4b:s5+s3], $0x80, v3, vm0, $0xb8;
	[tilespmem:$0x19000] =	vst v63  }
0x8e: {  	s17 =	simm.s32 $0xF800  }
0x8f: {  	[tilespmem:s17], [sflag:$0x3] =	stream.indirect_vreg.gather [hbm4b:s6+s3], $0x80, v3, vm0, $0xb8;
	[tilespmem:$0x19000] =	vst v63  }
0x90: {  	v3 =	vld [tilespmem:$0x110];
	_ =	sdelay $0x4  }
0x91: {  	v61 =	vshrl.u32 v3, $0x3  }
0x92: {  	v4 =	vmul.u32 $0x30, v61  }
0x93: {  	v3 =	vand.u32 $0x7, v3  }
0x94: {  	v3 =	vor.u32 v3, v4  }
0x95: {  	v4 =	vperm.xlane v3, v0;
	_ =	sdelay $0x1  }
0x96: {  	v4 =	vadd.s32 v1, v4;
	_ =	sdelay $0x3  }
0x97: {  	s21 =	simm.s32 $0x10000;
	v3 =	vperm.xlane v3, v2  }
0x98: {  	[tilespmem:s21], [sflag:$0x3] =	stream.indirect_vreg.gather [hbm4b:s2+s3], $0x80, v4, vm0, $0xb8;
	[tilespmem:$0x19000] =	vst v63  }
0x99: {  	s4 =	simm.s32 $0x10800;
	v3 =	vadd.s32 v1, v3  }
0x9a: {  	[tilespmem:s4], [sflag:$0x3] =	stream.indirect_vreg.gather [hbm4b:s5+s3], $0x80, v4, vm0, $0xb8;
	[tilespmem:$0x19000] =	vst v63  }
0x9b: {  	s17 =	simm.s32 $0x11000  }
0x9c: {  	[tilespmem:s17], [sflag:$0x3] =	stream.indirect_vreg.gather [hbm4b:s6+s3], $0x80, v4, vm0, $0xb8;
	[tilespmem:$0x19000] =	vst v63  }
0x9d: {  	s21 =	simm.s32 $0x11800  }
0x9e: {  	[tilespmem:s21], [sflag:$0x3] =	stream.indirect_vreg.gather [hbm4b:s2+s3], $0x80, v3, vm0, $0xb8;
	[tilespmem:$0x19000] =	vst v63  }
0x9f: {  	s4 =	simm.s32 $0x12000  }
0xa0: {  	[tilespmem:s4], [sflag:$0x3] =	stream.indirect_vreg.gather [hbm4b:s5+s3], $0x80, v3, vm0, $0xb8;
	[tilespmem:$0x19000] =	vst v63  }
0xa1: {  	s17 =	simm.s32 $0x12800  }
0xa2: {  	[tilespmem:s17], [sflag:$0x3] =	stream.indirect_vreg.gather [hbm4b:s6+s3], $0x80, v3, vm0, $0xb8;
	[tilespmem:$0x19000] =	vst v63  }
0xa3: {  	v3 =	vld [tilespmem:$0x180];
	_ =	sdelay $0x4  }
0xa4: {  	v62 =	vshrl.u32 v3, $0x3  }
0xa5: {  	v4 =	vmul.u32 $0x30, v62  }
0xa6: {  	v3 =	vand.u32 $0x7, v3  }
0xa7: {  	v3 =	vor.u32 v3, v4  }
0xa8: {  	v4 =	vperm.xlane v3, v0;
	_ =	sdelay $0x1  }
0xa9: {  	v4 =	vadd.s32 v1, v4;
	_ =	sdelay $0x3  }
0xaa: {  	v3 =	vperm.xlane v3, v2  }
0xab: {  	[tilespmem:s22], [sflag:$0x4] =	stream.indirect_vreg.gather [hbm4b:s2+s3], $0x80, v4, vm0, $0xb8;
	[tilespmem:$0x19000] =	vst v63  }
0xac: {  	s21 =	simm.s32 $0x13800;
	v3 =	vadd.s32 v1, v3  }
0xad: {  	[tilespmem:s21], [sflag:$0x4] =	stream.indirect_vreg.gather [hbm4b:s5+s3], $0x80, v4, vm0, $0xb8;
	[tilespmem:$0x19000] =	vst v63  }
0xae: {  	s0 =	simm.s32 $0x14000  }
0xaf: {  	[tilespmem:s0], [sflag:$0x4] =	stream.indirect_vreg.gather [hbm4b:s6+s3], $0x80, v4, vm0, $0xb8;
	[tilespmem:$0x19000] =	vst v63  }
0xb0: {  	s4 =	simm.s32 $0x14800  }
0xb1: {  	[tilespmem:s4], [sflag:$0x4] =	stream.indirect_vreg.gather [hbm4b:s2+s3], $0x80, v3, vm0, $0xb8;
	[tilespmem:$0x19000] =	vst v63  }
0xb2: {  	s21 =	simm.s32 $0x15000  }
0xb3: {  	[tilespmem:s21], [sflag:$0x4] =	stream.indirect_vreg.gather [hbm4b:s5+s3], $0x80, v3, vm0, $0xb8;
	[tilespmem:$0x19000] =	vst v63  }
0xb4: {  	s0 =	simm.s32 $0x15800  }
0xb5: {  	[tilespmem:s0], [sflag:$0x4] =	stream.indirect_vreg.gather [hbm4b:s6+s3], $0x80, v3, vm0, $0xb8;
	[tilespmem:$0x19000] =	vst v63  }
0xb6: {  	v3 =	vld [tilespmem:$0x190];
	_ =	sdelay $0x4  }
0xb7: {  	v63 =	vshrl.u32 v3, $0x3  }
0xb8: {  	v4 =	vmul.u32 $0x30, v63  }
0xb9: {  	v3 =	vand.u32 $0x7, v3  }
0xba: {  	v3 =	vor.u32 v3, v4  }
0xbb: {  	v4 =	vperm.xlane v3, v0;
	_ =	sdelay $0x1  }
0xbc: {  	v4 =	vadd.s32 v1, v4;
	_ =	sdelay $0x3  }
0xbd: {  	s4 =	simm.s32 $0x16000;
	v3 =	vperm.xlane v3, v2  }
0xbe: {  	[tilespmem:s4], [sflag:$0x4] =	stream.indirect_vreg.gather [hbm4b:s2+s3], $0x80, v4, vm0, $0xb8;
	[tilespmem:$0x19000] =	vst v63  }
0xbf: {  	s21 =	simm.s32 $0x16800;
	v3 =	vadd.s32 v1, v3  }
0xc0: {  	[tilespmem:s21], [sflag:$0x4] =	stream.indirect_vreg.gather [hbm4b:s5+s3], $0x80, v4, vm0, $0xb8;
	[tilespmem:$0x19000] =	vst v63  }
0xc1: {  	s0 =	simm.s32 $0x17000  }
0xc2: {  	[tilespmem:s0], [sflag:$0x4] =	stream.indirect_vreg.gather [hbm4b:s6+s3], $0x80, v4, vm0, $0xb8;
	[tilespmem:$0x19000] =	vst v63  }
0xc3: {  	s4 =	simm.s32 $0x17800  }
0xc4: {  	[tilespmem:s4], [sflag:$0x4] =	stream.indirect_vreg.gather [hbm4b:s2+s3], $0x80, v3, vm0, $0xb8;
	[tilespmem:$0x19000] =	vst v63  }
0xc5: {  	s21 =	simm.s32 $0x18000  }
0xc6: {  	[tilespmem:s21], [sflag:$0x4] =	stream.indirect_vreg.gather [hbm4b:s5+s3], $0x80, v3, vm0, $0xb8;
	[tilespmem:$0x19000] =	vst v63  }
0xc7: {  	s0 =	simm.s32 $0x18800  }
0xc8: {  	[tilespmem:s0], [sflag:$0x4] =	stream.indirect_vreg.gather [hbm4b:s6+s3], $0x80, v3, vm0, $0xb8;
	[tilespmem:$0x19000] =	vst v63  }
0xc9: {  	_ =	swait.ge [sflag:s8], $0x6000  }
0xca: {  	s4 =	sld [smem:$0x7F9]  }
0xcb: {  	[sflag:s8] =	ssyncset.done $0x0  }
0xcc: {  	s21 =	simm.s32 $0x1000;
	[sflag:s8] =	ssyncadd.s32 $0xFFFFA000  }
0xcd: {  	[hbm4b:s4+s3] =	stream.linear.scatter [tilespmem:s21], [sflag:$0x5], $0x6000, $0x38;
	[tilespmem:$0x19000] =	vst v63  }
0xce: {  	_ =	swait.ge [sflag:s10], $0x6000  }
0xcf: {  	[sflag:s10] =	ssyncset.done $0x0  }
0xd0: {  	[sflag:s10] =	ssyncadd.s32 $0xFFFFA000  }
0xd1: {  	v3 =	vld [tilespmem:$0x200];
	_ =	sdelay $0x4  }
0xd2: {  	v8 =	vshrl.u32 v3, $0x3  }
0xd3: {  	v4 =	vmul.u32 $0x30, v8  }
0xd4: {  	v3 =	vand.u32 $0x7, v3  }
0xd5: {  	v3 =	vor.u32 v3, v4  }
0xd6: {  	v4 =	vperm.xlane v3, v0;
	_ =	sdelay $0x1  }
0xd7: {  	v4 =	vadd.s32 v1, v4;
	_ =	sdelay $0x3  }
0xd8: {  	v3 =	vperm.xlane v3, v2  }
0xd9: {  	[tilespmem:s21], [sflag:$0x1] =	stream.indirect_vreg.gather [hbm4b:s2+s3], $0x80, v4, vm0, $0xb8;
	[tilespmem:$0x19000] =	vst v63  }
0xda: {  	s24 =	simm.s32 $0x1800;
	v3 =	vadd.s32 v1, v3  }
0xdb: {  	[tilespmem:s24], [sflag:$0x1] =	stream.indirect_vreg.gather [hbm4b:s5+s3], $0x80, v4, vm0, $0xb8;
	[tilespmem:$0x19000] =	vst v63  }
0xdc: {  	s25 =	simm.s32 $0x2000  }
0xdd: {  	[tilespmem:s25], [sflag:$0x1] =	stream.indirect_vreg.gather [hbm4b:s6+s3], $0x80, v4, vm0, $0xb8;
	[tilespmem:$0x19000] =	vst v63  }
0xde: {  	s1 =	simm.s32 $0x2800  }
0xdf: {  	[tilespmem:s1], [sflag:$0x1] =	stream.indirect_vreg.gather [hbm4b:s2+s3], $0x80, v3, vm0, $0xb8;
	[tilespmem:$0x19000] =	vst v63  }
0xe0: {  	s26 =	simm.s32 $0x3000  }
0xe1: {  	[tilespmem:s26], [sflag:$0x1] =	stream.indirect_vreg.gather [hbm4b:s5+s3], $0x80, v3, vm0, $0xb8;
	[tilespmem:$0x19000] =	vst v63  }
0xe2: {  	s4 =	simm.s32 $0x3800  }
0xe3: {  	[tilespmem:s4], [sflag:$0x1] =	stream.indirect_vreg.gather [hbm4b:s6+s3], $0x80, v3, vm0, $0xb8;
	[tilespmem:$0x19000] =	vst v63  }
0xe4: {  	v3 =	vld [tilespmem:$0x210];
	_ =	sdelay $0x4  }
0xe5: {  	v9 =	vshrl.u32 v3, $0x3  }
0xe6: {  	v4 =	vmul.u32 $0x30, v9  }
0xe7: {  	v3 =	vand.u32 $0x7, v3  }
0xe8: {  	v3 =	vor.u32 v3, v4  }
0xe9: {  	v4 =	vperm.xlane v3, v0;
	_ =	sdelay $0x1  }
0xea: {  	v4 =	vadd.s32 v1, v4;
	_ =	sdelay $0x3  }
0xeb: {  	s20 =	simm.s32 $0x4000;
	v3 =	vperm.xlane v3, v2  }
0xec: {  	[tilespmem:s20], [sflag:$0x1] =	stream.indirect_vreg.gather [hbm4b:s2+s3], $0x80, v4, vm0, $0xb8;
	[tilespmem:$0x19000] =	vst v63  }
0xed: {  	s7 =	simm.s32 $0x4800;
	v3 =	vadd.s32 v1, v3  }
0xee: {  	[tilespmem:s7], [sflag:$0x1] =	stream.indirect_vreg.gather [hbm4b:s5+s3], $0x80, v4, vm0, $0xb8;
	[tilespmem:$0x19000] =	vst v63  }
0xef: {  	s28 =	simm.s32 $0x5000  }
0xf0: {  	[tilespmem:s28], [sflag:$0x1] =	stream.indirect_vreg.gather [hbm4b:s6+s3], $0x80, v4, vm0, $0xb8;
	[tilespmem:$0x19000] =	vst v63  }
0xf1: {  	s26 =	simm.s32 $0x5800  }
0xf2: {  	[tilespmem:s26], [sflag:$0x1] =	stream.indirect_vreg.gather [hbm4b:s2+s3], $0x80, v3, vm0, $0xb8;
	[tilespmem:$0x19000] =	vst v63  }
0xf3: {  	s28 =	simm.s32 $0x6000  }
0xf4: {  	[tilespmem:s28], [sflag:$0x1] =	stream.indirect_vreg.gather [hbm4b:s5+s3], $0x80, v3, vm0, $0xb8;
	[tilespmem:$0x19000] =	vst v63  }
0xf5: {  	s20 =	simm.s32 $0x6800  }
0xf6: {  	[tilespmem:s20], [sflag:$0x1] =	stream.indirect_vreg.gather [hbm4b:s6+s3], $0x80, v3, vm0, $0xb8;
	[tilespmem:$0x19000] =	vst v63  }
0xf7: {  	_ =	swait.ge [sflag:s11], $0x6000  }
0xf8: {  	[sflag:s11] =	ssyncset.done $0x0  }
0xf9: {  	s25 =	simm.s32 $0x7000;
	s24 =	rddreg [dreg:$0x5];
	[sflag:s11] =	ssyncadd.s32 $0xFFFFA000  }
0xfa: {  	[hbm4b:s24+s3] =	stream.linear.scatter [tilespmem:s25], [sflag:$0x6], $0x6000, $0x38;
	[tilespmem:$0x19000] =	vst v63  }
0xfb: {  	_ =	swait.ge [sflag:s12], $0x6000  }
0xfc: {  	[sflag:s12] =	ssyncset.done $0x0  }
0xfd: {  	[sflag:s12] =	ssyncadd.s32 $0xFFFFA000  }
0xfe: {  	v3 =	vld [tilespmem:$0x280];
	_ =	sdelay $0x4  }
0xff: {  	v10 =	vshrl.u32 v3, $0x3  }
0x100: {  	v4 =	vmul.u32 $0x30, v10  }
0x101: {  	v3 =	vand.u32 $0x7, v3  }
0x102: {  	v3 =	vor.u32 v3, v4  }
0x103: {  	v4 =	vperm.xlane v3, v0;
	_ =	sdelay $0x1  }
0x104: {  	v4 =	vadd.s32 v1, v4;
	_ =	sdelay $0x3  }
0x105: {  	v3 =	vperm.xlane v3, v2  }
0x106: {  	[tilespmem:s25], [sflag:$0x2] =	stream.indirect_vreg.gather [hbm4b:s2+s3], $0x80, v4, vm0, $0xb8;
	[tilespmem:$0x19000] =	vst v63  }
0x107: {  	s9 =	simm.s32 $0x7800;
	v3 =	vadd.s32 v1, v3  }
0x108: {  	[tilespmem:s9], [sflag:$0x2] =	stream.indirect_vreg.gather [hbm4b:s5+s3], $0x80, v4, vm0, $0xb8;
	[tilespmem:$0x19000] =	vst v63  }
0x109: {  	s18 =	simm.s32 $0x8000  }
0x10a: {  	[tilespmem:s18], [sflag:$0x2] =	stream.indirect_vreg.gather [hbm4b:s6+s3], $0x80, v4, vm0, $0xb8;
	[tilespmem:$0x19000] =	vst v63  }
0x10b: {  	s29 =	simm.s32 $0x8800  }
0x10c: {  	[tilespmem:s29], [sflag:$0x2] =	stream.indirect_vreg.gather [hbm4b:s2+s3], $0x80, v3, vm0, $0xb8;
	[tilespmem:$0x19000] =	vst v63  }
0x10d: {  	s30 =	simm.s32 $0x9000  }
0x10e: {  	[tilespmem:s30], [sflag:$0x2] =	stream.indirect_vreg.gather [hbm4b:s5+s3], $0x80, v3, vm0, $0xb8;
	[tilespmem:$0x19000] =	vst v63  }
0x10f: {  	s19 =	simm.s32 $0x9800  }
0x110: {  	[tilespmem:s19], [sflag:$0x2] =	stream.indirect_vreg.gather [hbm4b:s6+s3], $0x80, v3, vm0, $0xb8;
	[tilespmem:$0x19000] =	vst v63  }
0x111: {  	v3 =	vld [tilespmem:$0x290];
	_ =	sdelay $0x4  }
0x112: {  	v11 =	vshrl.u32 v3, $0x3  }
0x113: {  	v4 =	vmul.u32 $0x30, v11  }
0x114: {  	v3 =	vand.u32 $0x7, v3  }
0x115: {  	v3 =	vor.u32 v3, v4  }
0x116: {  	v4 =	vperm.xlane v3, v0;
	_ =	sdelay $0x1  }
0x117: {  	v4 =	vadd.s32 v1, v4;
	_ =	sdelay $0x3  }
0x118: {  	s23 =	simm.s32 $0xA000;
	v3 =	vperm.xlane v3, v2  }
0x119: {  	[tilespmem:s23], [sflag:$0x2] =	stream.indirect_vreg.gather [hbm4b:s2+s3], $0x80, v4, vm0, $0xb8;
	[tilespmem:$0x19000] =	vst v63  }
0x11a: {  	s31 =	simm.s32 $0xA800;
	v3 =	vadd.s32 v1, v3  }
0x11b: {  	[tilespmem:s31], [sflag:$0x2] =	stream.indirect_vreg.gather [hbm4b:s5+s3], $0x80, v4, vm0, $0xb8;
	[tilespmem:$0x19000] =	vst v63  }
0x11c: {  	s19 =	simm.s32 $0xB000  }
0x11d: {  	[tilespmem:s19], [sflag:$0x2] =	stream.indirect_vreg.gather [hbm4b:s6+s3], $0x80, v4, vm0, $0xb8;
	[tilespmem:$0x19000] =	vst v63  }
0x11e: {  	s23 =	simm.s32 $0xB800  }
0x11f: {  	[tilespmem:s23], [sflag:$0x2] =	stream.indirect_vreg.gather [hbm4b:s2+s3], $0x80, v3, vm0, $0xb8;
	[tilespmem:$0x19000] =	vst v63  }
0x120: {  	s24 =	simm.s32 $0xC000  }
0x121: {  	[tilespmem:s24], [sflag:$0x2] =	stream.indirect_vreg.gather [hbm4b:s5+s3], $0x80, v3, vm0, $0xb8;
	[tilespmem:$0x19000] =	vst v63  }
0x122: {  	s25 =	simm.s32 $0xC800  }
0x123: {  	[tilespmem:s25], [sflag:$0x2] =	stream.indirect_vreg.gather [hbm4b:s6+s3], $0x80, v3, vm0, $0xb8;
	[tilespmem:$0x19000] =	vst v63  }
0x124: {  	_ =	swait.ge [sflag:s13], $0x6000  }
0x125: {  	[sflag:s13] =	ssyncset.done $0x0  }
0x126: {  	s1 =	simm.s32 $0xD000;
	s0 =	rddreg [dreg:$0x6];
	[sflag:s13] =	ssyncadd.s32 $0xFFFFA000  }
0x127: {  	[hbm4b:s0+s3] =	stream.linear.scatter [tilespmem:s1], [sflag:$0x7], $0x6000, $0x38;
	[tilespmem:$0x19000] =	vst v63  }
0x128: {  	_ =	swait.ge [sflag:s14], $0x6000  }
0x129: {  	[sflag:s14] =	ssyncset.done $0x0  }
0x12a: {  	[sflag:s14] =	ssyncadd.s32 $0xFFFFA000  }
0x12b: {  	v3 =	vld [tilespmem:$0x300];
	_ =	sdelay $0x4  }
0x12c: {  	v12 =	vshrl.u32 v3, $0x3  }
0x12d: {  	v4 =	vmul.u32 $0x30, v12  }
0x12e: {  	v3 =	vand.u32 $0x7, v3  }
0x12f: {  	v3 =	vor.u32 v3, v4  }
0x130: {  	v4 =	vperm.xlane v3, v0;
	_ =	sdelay $0x1  }
0x131: {  	v4 =	vadd.s32 v1, v4;
	_ =	sdelay $0x3  }
0x132: {  	v3 =	vperm.xlane v3, v2  }
0x133: {  	[tilespmem:s1], [sflag:$0x3] =	stream.indirect_vreg.gather [hbm4b:s2+s3], $0x80, v4, vm0, $0xb8;
	[tilespmem:$0x19000] =	vst v63  }
0x134: {  	s29 =	simm.s32 $0xD800;
	v3 =	vadd.s32 v1, v3  }
0x135: {  	[tilespmem:s29], [sflag:$0x3] =	stream.indirect_vreg.gather [hbm4b:s5+s3], $0x80, v4, vm0, $0xb8;
	[tilespmem:$0x19000] =	vst v63  }
0x136: {  	s30 =	simm.s32 $0xE000  }
0x137: {  	[tilespmem:s30], [sflag:$0x3] =	stream.indirect_vreg.gather [hbm4b:s6+s3], $0x80, v4, vm0, $0xb8;
	[tilespmem:$0x19000] =	vst v63  }
0x138: {  	s31 =	simm.s32 $0xE800  }
0x139: {  	[tilespmem:s31], [sflag:$0x3] =	stream.indirect_vreg.gather [hbm4b:s2+s3], $0x80, v3, vm0, $0xb8;
	[tilespmem:$0x19000] =	vst v63  }
0x13a: {  	s21 =	simm.s32 $0xF000  }
0x13b: {  	[tilespmem:s21], [sflag:$0x3] =	stream.indirect_vreg.gather [hbm4b:s5+s3], $0x80, v3, vm0, $0xb8;
	[tilespmem:$0x19000] =	vst v63  }
0x13c: {  	s7 =	simm.s32 $0xF800  }
0x13d: {  	[tilespmem:s7], [sflag:$0x3] =	stream.indirect_vreg.gather [hbm4b:s6+s3], $0x80, v3, vm0, $0xb8;
	[tilespmem:$0x19000] =	vst v63  }
0x13e: {  	v3 =	vld [tilespmem:$0x310];
	_ =	sdelay $0x4  }
0x13f: {  	v13 =	vshrl.u32 v3, $0x3  }
0x140: {  	v4 =	vmul.u32 $0x30, v13  }
0x141: {  	v3 =	vand.u32 $0x7, v3  }
0x142: {  	v3 =	vor.u32 v3, v4  }
0x143: {  	v4 =	vperm.xlane v3, v0;
	_ =	sdelay $0x1  }
0x144: {  	v4 =	vadd.s32 v1, v4;
	_ =	sdelay $0x3  }
0x145: {  	s9 =	simm.s32 $0x10000;
	v3 =	vperm.xlane v3, v2  }
0x146: {  	[tilespmem:s9], [sflag:$0x3] =	stream.indirect_vreg.gather [hbm4b:s2+s3], $0x80, v4, vm0, $0xb8;
	[tilespmem:$0x19000] =	vst v63  }
0x147: {  	s1 =	simm.s32 $0x10800;
	v3 =	vadd.s32 v1, v3  }
0x148: {  	[tilespmem:s1], [sflag:$0x3] =	stream.indirect_vreg.gather [hbm4b:s5+s3], $0x80, v4, vm0, $0xb8;
	[tilespmem:$0x19000] =	vst v63  }
0x149: {  	s9 =	simm.s32 $0x11000  }
0x14a: {  	[tilespmem:s9], [sflag:$0x3] =	stream.indirect_vreg.gather [hbm4b:s6+s3], $0x80, v4, vm0, $0xb8;
	[tilespmem:$0x19000] =	vst v63  }
0x14b: {  	s7 =	simm.s32 $0x11800  }
0x14c: {  	[tilespmem:s7], [sflag:$0x3] =	stream.indirect_vreg.gather [hbm4b:s2+s3], $0x80, v3, vm0, $0xb8;
	[tilespmem:$0x19000] =	vst v63  }
0x14d: {  	s18 =	simm.s32 $0x12000  }
0x14e: {  	[tilespmem:s18], [sflag:$0x3] =	stream.indirect_vreg.gather [hbm4b:s5+s3], $0x80, v3, vm0, $0xb8;
	[tilespmem:$0x19000] =	vst v63  }
0x14f: {  	s17 =	simm.s32 $0x12800  }
0x150: {  	[tilespmem:s17], [sflag:$0x3] =	stream.indirect_vreg.gather [hbm4b:s6+s3], $0x80, v3, vm0, $0xb8;
	[tilespmem:$0x19000] =	vst v63  }
0x151: {  	_ =	swait.ge [sflag:s15], $0x6000  }
0x152: {  	[sflag:s15] =	ssyncset.done $0x0  }
0x153: {  	s0 =	rddreg [dreg:$0x7];
	[sflag:s15] =	ssyncadd.s32 $0xFFFFA000  }
0x154: {  	[hbm4b:s0+s3] =	stream.linear.scatter [tilespmem:s22], [sflag:$0x8], $0x6000, $0x38;
	[tilespmem:$0x19000] =	vst v63  }
0x155: {  	_ =	swait.ge [sflag:s16], $0x6000  }
0x156: {  	[sflag:s16] =	ssyncset.done $0x0  }
0x157: {  	[sflag:s16] =	ssyncadd.s32 $0xFFFFA000  }
0x158: {  	v3 =	vld [tilespmem:$0x380];
	_ =	sdelay $0x4  }
0x159: {  	v14 =	vshrl.u32 v3, $0x3  }
0x15a: {  	v4 =	vmul.u32 $0x30, v14  }
0x15b: {  	v3 =	vand.u32 $0x7, v3  }
0x15c: {  	v3 =	vor.u32 v3, v4  }
0x15d: {  	v4 =	vperm.xlane v3, v0;
	_ =	sdelay $0x1  }
0x15e: {  	v4 =	vadd.s32 v1, v4;
	_ =	sdelay $0x3  }
0x15f: {  	v3 =	vperm.xlane v3, v2  }
0x160: {  	[tilespmem:s22], [sflag:$0x4] =	stream.indirect_vreg.gather [hbm4b:s2+s3], $0x80, v4, vm0, $0xb8;
	[tilespmem:$0x19000] =	vst v63  }
0x161: {  	s17 =	simm.s32 $0x13800;
	v3 =	vadd.s32 v1, v3  }
0x162: {  	[tilespmem:s17], [sflag:$0x4] =	stream.indirect_vreg.gather [hbm4b:s5+s3], $0x80, v4, vm0, $0xb8;
	[tilespmem:$0x19000] =	vst v63  }
0x163: {  	s17 =	simm.s32 $0x14000  }
0x164: {  	[tilespmem:s17], [sflag:$0x4] =	stream.indirect_vreg.gather [hbm4b:s6+s3], $0x80, v4, vm0, $0xb8;
	[tilespmem:$0x19000] =	vst v63  }
0x165: {  	s17 =	simm.s32 $0x14800  }
0x166: {  	[tilespmem:s17], [sflag:$0x4] =	stream.indirect_vreg.gather [hbm4b:s2+s3], $0x80, v3, vm0, $0xb8;
	[tilespmem:$0x19000] =	vst v63  }
0x167: {  	s17 =	simm.s32 $0x15000  }
0x168: {  	[tilespmem:s17], [sflag:$0x4] =	stream.indirect_vreg.gather [hbm4b:s5+s3], $0x80, v3, vm0, $0xb8;
	[tilespmem:$0x19000] =	vst v63  }
0x169: {  	s17 =	simm.s32 $0x15800  }
0x16a: {  	[tilespmem:s17], [sflag:$0x4] =	stream.indirect_vreg.gather [hbm4b:s6+s3], $0x80, v3, vm0, $0xb8;
	[tilespmem:$0x19000] =	vst v63  }
0x16b: {  	v3 =	vld [tilespmem:$0x390];
	_ =	sdelay $0x4  }
0x16c: {  	v15 =	vshrl.u32 v3, $0x3  }
0x16d: {  	v4 =	vmul.u32 $0x30, v15  }
0x16e: {  	v3 =	vand.u32 $0x7, v3  }
0x16f: {  	v3 =	vor.u32 v3, v4  }
0x170: {  	v4 =	vperm.xlane v3, v0;
	_ =	sdelay $0x1  }
0x171: {  	v4 =	vadd.s32 v1, v4;
	_ =	sdelay $0x3  }
0x172: {  	s17 =	simm.s32 $0x16000;
	v3 =	vperm.xlane v3, v2  }
0x173: {  	[tilespmem:s17], [sflag:$0x4] =	stream.indirect_vreg.gather [hbm4b:s2+s3], $0x80, v4, vm0, $0xb8;
	[tilespmem:$0x19000] =	vst v63  }
0x174: {  	v3 =	vadd.s32 v1, v3;
	s17 =	simm.s32 $0x16800  }
0x175: {  	[tilespmem:s17], [sflag:$0x4] =	stream.indirect_vreg.gather [hbm4b:s5+s3], $0x80, v4, vm0, $0xb8;
	[tilespmem:$0x19000] =	vst v63  }
0x176: {  	s17 =	simm.s32 $0x17000  }
0x177: {  	[tilespmem:s17], [sflag:$0x4] =	stream.indirect_vreg.gather [hbm4b:s6+s3], $0x80, v4, vm0, $0xb8;
	[tilespmem:$0x19000] =	vst v63  }
0x178: {  	s17 =	simm.s32 $0x17800  }
0x179: {  	[tilespmem:s17], [sflag:$0x4] =	stream.indirect_vreg.gather [hbm4b:s2+s3], $0x80, v3, vm0, $0xb8;
	[tilespmem:$0x19000] =	vst v63  }
0x17a: {  	s17 =	simm.s32 $0x18000  }
0x17b: {  	[tilespmem:s17], [sflag:$0x4] =	stream.indirect_vreg.gather [hbm4b:s5+s3], $0x80, v3, vm0, $0xb8;
	[tilespmem:$0x19000] =	vst v63  }
0x17c: {  	s17 =	simm.s32 $0x18800  }
0x17d: {  	[tilespmem:s17], [sflag:$0x4] =	stream.indirect_vreg.gather [hbm4b:s6+s3], $0x80, v3, vm0, $0xb8;
	[tilespmem:$0x19000] =	vst v63  }
0x17e: {  	_ =	swait.ge [sflag:s8], $0x6000  }
0x17f: {  	[sflag:s8] =	ssyncset.done $0x0  }
0x180: {  	s0 =	simm.s32 $0x1000;
	s17 =	rddreg [dreg:$0x8];
	[sflag:s8] =	ssyncadd.s32 $0xFFFFA000  }
0x181: {  	[hbm4b:s17+s3] =	stream.linear.scatter [tilespmem:s0], [sflag:$0x5], $0x6000, $0x38;
	[tilespmem:$0x19000] =	vst v63  }
0x182: {  	_ =	swait.ge [sflag:s10], $0x6000  }
0x183: {  	[sflag:s10] =	ssyncset.done $0x0  }
0x184: {  	[sflag:s10] =	ssyncadd.s32 $0xFFFFA000  }
0x185: {  	v3 =	vld [tilespmem:$0x400];
	_ =	sdelay $0x4  }
0x186: {  	v16 =	vshrl.u32 v3, $0x3  }
0x187: {  	v4 =	vmul.u32 $0x30, v16  }
0x188: {  	v3 =	vand.u32 $0x7, v3  }
0x189: {  	v3 =	vor.u32 v3, v4  }
0x18a: {  	v4 =	vperm.xlane v3, v0;
	_ =	sdelay $0x1  }
0x18b: {  	v4 =	vadd.s32 v1, v4;
	_ =	sdelay $0x3  }
0x18c: {  	v3 =	vperm.xlane v3, v2  }
0x18d: {  	[tilespmem:s0], [sflag:$0x1] =	stream.indirect_vreg.gather [hbm4b:s2+s3], $0x80, v4, vm0, $0xb8;
	[tilespmem:$0x19000] =	vst v63  }
0x18e: {  	s17 =	simm.s32 $0x1800;
	v3 =	vadd.s32 v1, v3  }
0x18f: {  	[tilespmem:s17], [sflag:$0x1] =	stream.indirect_vreg.gather [hbm4b:s5+s3], $0x80, v4, vm0, $0xb8;
	[tilespmem:$0x19000] =	vst v63  }
0x190: {  	s17 =	simm.s32 $0x2000  }
0x191: {  	[tilespmem:s17], [sflag:$0x1] =	stream.indirect_vreg.gather [hbm4b:s6+s3], $0x80, v4, vm0, $0xb8;
	[tilespmem:$0x19000] =	vst v63  }
0x192: {  	s17 =	simm.s32 $0x2800  }
0x193: {  	[tilespmem:s17], [sflag:$0x1] =	stream.indirect_vreg.gather [hbm4b:s2+s3], $0x80, v3, vm0, $0xb8;
	[tilespmem:$0x19000] =	vst v63  }
0x194: {  	s17 =	simm.s32 $0x3000  }
0x195: {  	[tilespmem:s17], [sflag:$0x1] =	stream.indirect_vreg.gather [hbm4b:s5+s3], $0x80, v3, vm0, $0xb8;
	[tilespmem:$0x19000] =	vst v63  }
0x196: {  	_ = 	snop  }
0x197: {  	[tilespmem:s4], [sflag:$0x1] =	stream.indirect_vreg.gather [hbm4b:s6+s3], $0x80, v3, vm0, $0xb8;
	[tilespmem:$0x19000] =	vst v63  }
0x198: {  	v3 =	vld [tilespmem:$0x410];
	_ =	sdelay $0x4  }
0x199: {  	v17 =	vshrl.u32 v3, $0x3  }
0x19a: {  	v4 =	vmul.u32 $0x30, v17  }
0x19b: {  	v3 =	vand.u32 $0x7, v3  }
0x19c: {  	v3 =	vor.u32 v3, v4  }
0x19d: {  	v4 =	vperm.xlane v3, v0;
	_ =	sdelay $0x1  }
0x19e: {  	v4 =	vadd.s32 v1, v4;
	_ =	sdelay $0x3  }
0x19f: {  	s17 =	simm.s32 $0x4000;
	v3 =	vperm.xlane v3, v2  }
0x1a0: {  	[tilespmem:s17], [sflag:$0x1] =	stream.indirect_vreg.gather [hbm4b:s2+s3], $0x80, v4, vm0, $0xb8;
	[tilespmem:$0x19000] =	vst v63  }
0x1a1: {  	s4 =	simm.s32 $0x4800;
	v3 =	vadd.s32 v1, v3  }
0x1a2: {  	[tilespmem:s4], [sflag:$0x1] =	stream.indirect_vreg.gather [hbm4b:s5+s3], $0x80, v4, vm0, $0xb8;
	[tilespmem:$0x19000] =	vst v63  }
0x1a3: {  	s17 =	simm.s32 $0x5000  }
0x1a4: {  	[tilespmem:s17], [sflag:$0x1] =	stream.indirect_vreg.gather [hbm4b:s6+s3], $0x80, v4, vm0, $0xb8;
	[tilespmem:$0x19000] =	vst v63  }
0x1a5: {  	_ = 	snop  }
0x1a6: {  	[tilespmem:s26], [sflag:$0x1] =	stream.indirect_vreg.gather [hbm4b:s2+s3], $0x80, v3, vm0, $0xb8;
	[tilespmem:$0x19000] =	vst v63  }
0x1a7: {  	_ = 	snop  }
0x1a8: {  	[tilespmem:s28], [sflag:$0x1] =	stream.indirect_vreg.gather [hbm4b:s5+s3], $0x80, v3, vm0, $0xb8;
	[tilespmem:$0x19000] =	vst v63  }
0x1a9: {  	_ = 	snop  }
0x1aa: {  	[tilespmem:s20], [sflag:$0x1] =	stream.indirect_vreg.gather [hbm4b:s6+s3], $0x80, v3, vm0, $0xb8;
	[tilespmem:$0x19000] =	vst v63  }
0x1ab: {  	_ =	swait.ge [sflag:s11], $0x6000  }
0x1ac: {  	[sflag:s11] =	ssyncset.done $0x0  }
0x1ad: {  	s4 =	simm.s32 $0x7000;
	s0 =	rddreg [dreg:$0x9];
	[sflag:s11] =	ssyncadd.s32 $0xFFFFA000  }
0x1ae: {  	[hbm4b:s0+s3] =	stream.linear.scatter [tilespmem:s4], [sflag:$0x6], $0x6000, $0x38;
	[tilespmem:$0x19000] =	vst v63  }
0x1af: {  	_ =	swait.ge [sflag:s12], $0x6000  }
0x1b0: {  	[sflag:s12] =	ssyncset.done $0x0  }
0x1b1: {  	[sflag:s12] =	ssyncadd.s32 $0xFFFFA000  }
0x1b2: {  	v3 =	vld [tilespmem:$0x480];
	_ =	sdelay $0x4  }
0x1b3: {  	v18 =	vshrl.u32 v3, $0x3  }
0x1b4: {  	v4 =	vmul.u32 $0x30, v18  }
0x1b5: {  	v3 =	vand.u32 $0x7, v3  }
0x1b6: {  	v3 =	vor.u32 v3, v4  }
0x1b7: {  	v4 =	vperm.xlane v3, v0;
	_ =	sdelay $0x1  }
0x1b8: {  	v4 =	vadd.s32 v1, v4;
	_ =	sdelay $0x3  }
0x1b9: {  	v3 =	vperm.xlane v3, v2  }
0x1ba: {  	[tilespmem:s4], [sflag:$0x2] =	stream.indirect_vreg.gather [hbm4b:s2+s3], $0x80, v4, vm0, $0xb8;
	[tilespmem:$0x19000] =	vst v63  }
0x1bb: {  	s17 =	simm.s32 $0x7800;
	v3 =	vadd.s32 v1, v3  }
0x1bc: {  	[tilespmem:s17], [sflag:$0x2] =	stream.indirect_vreg.gather [hbm4b:s5+s3], $0x80, v4, vm0, $0xb8;
	[tilespmem:$0x19000] =	vst v63  }
0x1bd: {  	s28 =	simm.s32 $0x8000  }
0x1be: {  	[tilespmem:s28], [sflag:$0x2] =	stream.indirect_vreg.gather [hbm4b:s6+s3], $0x80, v4, vm0, $0xb8;
	[tilespmem:$0x19000] =	vst v63  }
0x1bf: {  	s4 =	simm.s32 $0x8800  }
0x1c0: {  	[tilespmem:s4], [sflag:$0x2] =	stream.indirect_vreg.gather [hbm4b:s2+s3], $0x80, v3, vm0, $0xb8;
	[tilespmem:$0x19000] =	vst v63  }
0x1c1: {  	s17 =	simm.s32 $0x9000  }
0x1c2: {  	[tilespmem:s17], [sflag:$0x2] =	stream.indirect_vreg.gather [hbm4b:s5+s3], $0x80, v3, vm0, $0xb8;
	[tilespmem:$0x19000] =	vst v63  }
0x1c3: {  	s28 =	simm.s32 $0x9800  }
0x1c4: {  	[tilespmem:s28], [sflag:$0x2] =	stream.indirect_vreg.gather [hbm4b:s6+s3], $0x80, v3, vm0, $0xb8;
	[tilespmem:$0x19000] =	vst v63  }
0x1c5: {  	v3 =	vld [tilespmem:$0x490];
	_ =	sdelay $0x4  }
0x1c6: {  	v19 =	vshrl.u32 v3, $0x3  }
0x1c7: {  	v4 =	vmul.u32 $0x30, v19  }
0x1c8: {  	v3 =	vand.u32 $0x7, v3  }
0x1c9: {  	v3 =	vor.u32 v3, v4  }
0x1ca: {  	v4 =	vperm.xlane v3, v0;
	_ =	sdelay $0x1  }
0x1cb: {  	v4 =	vadd.s32 v1, v4;
	_ =	sdelay $0x3  }
0x1cc: {  	s4 =	simm.s32 $0xA000;
	v3 =	vperm.xlane v3, v2  }
0x1cd: {  	[tilespmem:s4], [sflag:$0x2] =	stream.indirect_vreg.gather [hbm4b:s2+s3], $0x80, v4, vm0, $0xb8;
	[tilespmem:$0x19000] =	vst v63  }
0x1ce: {  	s17 =	simm.s32 $0xA800;
	v3 =	vadd.s32 v1, v3  }
0x1cf: {  	[tilespmem:s17], [sflag:$0x2] =	stream.indirect_vreg.gather [hbm4b:s5+s3], $0x80, v4, vm0, $0xb8;
	[tilespmem:$0x19000] =	vst v63  }
0x1d0: {  	_ = 	snop  }
0x1d1: {  	[tilespmem:s19], [sflag:$0x2] =	stream.indirect_vreg.gather [hbm4b:s6+s3], $0x80, v4, vm0, $0xb8;
	[tilespmem:$0x19000] =	vst v63  }
0x1d2: {  	_ = 	snop  }
0x1d3: {  	[tilespmem:s23], [sflag:$0x2] =	stream.indirect_vreg.gather [hbm4b:s2+s3], $0x80, v3, vm0, $0xb8;
	[tilespmem:$0x19000] =	vst v63  }
0x1d4: {  	_ = 	snop  }
0x1d5: {  	[tilespmem:s24], [sflag:$0x2] =	stream.indirect_vreg.gather [hbm4b:s5+s3], $0x80, v3, vm0, $0xb8;
	[tilespmem:$0x19000] =	vst v63  }
0x1d6: {  	_ = 	snop  }
0x1d7: {  	[tilespmem:s25], [sflag:$0x2] =	stream.indirect_vreg.gather [hbm4b:s6+s3], $0x80, v3, vm0, $0xb8;
	[tilespmem:$0x19000] =	vst v63  }
0x1d8: {  	_ =	swait.ge [sflag:s13], $0x6000  }
0x1d9: {  	[sflag:s13] =	ssyncset.done $0x0  }
0x1da: {  	s0 =	simm.s32 $0xD000;
	s28 =	rddreg [dreg:$0xa];
	[sflag:s13] =	ssyncadd.s32 $0xFFFFA000  }
0x1db: {  	[hbm4b:s28+s3] =	stream.linear.scatter [tilespmem:s0], [sflag:$0x7], $0x6000, $0x38;
	[tilespmem:$0x19000] =	vst v63  }
0x1dc: {  	_ =	swait.ge [sflag:s14], $0x6000  }
0x1dd: {  	[sflag:s14] =	ssyncset.done $0x0  }
0x1de: {  	[sflag:s14] =	ssyncadd.s32 $0xFFFFA000  }
0x1df: {  	v3 =	vld [tilespmem:$0x500];
	_ =	sdelay $0x4  }
0x1e0: {  	v20 =	vshrl.u32 v3, $0x3  }
0x1e1: {  	v4 =	vmul.u32 $0x30, v20  }
0x1e2: {  	v3 =	vand.u32 $0x7, v3  }
0x1e3: {  	v3 =	vor.u32 v3, v4  }
0x1e4: {  	v4 =	vperm.xlane v3, v0;
	_ =	sdelay $0x1  }
0x1e5: {  	v4 =	vadd.s32 v1, v4;
	_ =	sdelay $0x3  }
0x1e6: {  	v3 =	vperm.xlane v3, v2  }
0x1e7: {  	[tilespmem:s0], [sflag:$0x3] =	stream.indirect_vreg.gather [hbm4b:s2+s3], $0x80, v4, vm0, $0xb8;
	[tilespmem:$0x19000] =	vst v63  }
0x1e8: {  	v3 =	vadd.s32 v1, v3  }
0x1e9: {  	[tilespmem:s29], [sflag:$0x3] =	stream.indirect_vreg.gather [hbm4b:s5+s3], $0x80, v4, vm0, $0xb8;
	[tilespmem:$0x19000] =	vst v63  }
0x1ea: {  	_ = 	snop  }
0x1eb: {  	[tilespmem:s30], [sflag:$0x3] =	stream.indirect_vreg.gather [hbm4b:s6+s3], $0x80, v4, vm0, $0xb8;
	[tilespmem:$0x19000] =	vst v63  }
0x1ec: {  	_ = 	snop  }
0x1ed: {  	[tilespmem:s31], [sflag:$0x3] =	stream.indirect_vreg.gather [hbm4b:s2+s3], $0x80, v3, vm0, $0xb8;
	[tilespmem:$0x19000] =	vst v63  }
0x1ee: {  	_ = 	snop  }
0x1ef: {  	[tilespmem:s21], [sflag:$0x3] =	stream.indirect_vreg.gather [hbm4b:s5+s3], $0x80, v3, vm0, $0xb8;
	[tilespmem:$0x19000] =	vst v63  }
0x1f0: {  	s17 =	simm.s32 $0xF800  }
0x1f1: {  	[tilespmem:s17], [sflag:$0x3] =	stream.indirect_vreg.gather [hbm4b:s6+s3], $0x80, v3, vm0, $0xb8;
	[tilespmem:$0x19000] =	vst v63  }
0x1f2: {  	v3 =	vld [tilespmem:$0x510];
	_ =	sdelay $0x4  }
0x1f3: {  	v21 =	vshrl.u32 v3, $0x3  }
0x1f4: {  	v4 =	vmul.u32 $0x30, v21  }
0x1f5: {  	v3 =	vand.u32 $0x7, v3  }
0x1f6: {  	v3 =	vor.u32 v3, v4  }
0x1f7: {  	v4 =	vperm.xlane v3, v0;
	_ =	sdelay $0x1  }
0x1f8: {  	v4 =	vadd.s32 v1, v4;
	_ =	sdelay $0x3  }
0x1f9: {  	s19 =	simm.s32 $0x10000;
	v3 =	vperm.xlane v3, v2  }
0x1fa: {  	[tilespmem:s19], [sflag:$0x3] =	stream.indirect_vreg.gather [hbm4b:s2+s3], $0x80, v4, vm0, $0xb8;
	[tilespmem:$0x19000] =	vst v63  }
0x1fb: {  	v3 =	vadd.s32 v1, v3  }
0x1fc: {  	[tilespmem:s1], [sflag:$0x3] =	stream.indirect_vreg.gather [hbm4b:s5+s3], $0x80, v4, vm0, $0xb8;
	[tilespmem:$0x19000] =	vst v63  }
0x1fd: {  	_ = 	snop  }
0x1fe: {  	[tilespmem:s9], [sflag:$0x3] =	stream.indirect_vreg.gather [hbm4b:s6+s3], $0x80, v4, vm0, $0xb8;
	[tilespmem:$0x19000] =	vst v63  }
0x1ff: {  	_ = 	snop  }
0x200: {  	[tilespmem:s7], [sflag:$0x3] =	stream.indirect_vreg.gather [hbm4b:s2+s3], $0x80, v3, vm0, $0xb8;
	[tilespmem:$0x19000] =	vst v63  }
0x201: {  	_ = 	snop  }
0x202: {  	[tilespmem:s18], [sflag:$0x3] =	stream.indirect_vreg.gather [hbm4b:s5+s3], $0x80, v3, vm0, $0xb8;
	[tilespmem:$0x19000] =	vst v63  }
0x203: {  	s21 =	simm.s32 $0x12800  }
0x204: {  	[tilespmem:s21], [sflag:$0x3] =	stream.indirect_vreg.gather [hbm4b:s6+s3], $0x80, v3, vm0, $0xb8;
	[tilespmem:$0x19000] =	vst v63  }
0x205: {  	_ =	swait.ge [sflag:s15], $0x6000  }
0x206: {  	[sflag:s15] =	ssyncset.done $0x0  }
0x207: {  	s9 =	rddreg [dreg:$0xb];
	[sflag:s15] =	ssyncadd.s32 $0xFFFFA000  }
0x208: {  	[hbm4b:s9+s3] =	stream.linear.scatter [tilespmem:s22], [sflag:$0x8], $0x6000, $0x38;
	[tilespmem:$0x19000] =	vst v63  }
0x209: {  	_ =	swait.ge [sflag:s16], $0x6000  }
0x20a: {  	[sflag:s16] =	ssyncset.done $0x0  }
0x20b: {  	[sflag:s16] =	ssyncadd.s32 $0xFFFFA000  }
0x20c: {  	v3 =	vld [tilespmem:$0x580];
	_ =	sdelay $0x4  }
0x20d: {  	v22 =	vshrl.u32 v3, $0x3  }
0x20e: {  	v4 =	vmul.u32 $0x30, v22  }
0x20f: {  	v3 =	vand.u32 $0x7, v3  }
0x210: {  	v3 =	vor.u32 v3, v4  }
0x211: {  	v4 =	vperm.xlane v3, v0;
	_ =	sdelay $0x1  }
0x212: {  	v4 =	vadd.s32 v1, v4;
	_ =	sdelay $0x3  }
0x213: {  	v3 =	vperm.xlane v3, v2  }
0x214: {  	[tilespmem:s22], [sflag:$0x4] =	stream.indirect_vreg.gather [hbm4b:s2+s3], $0x80, v4, vm0, $0xb8;
	[tilespmem:$0x19000] =	vst v63  }
0x215: {  	s17 =	simm.s32 $0x13800;
	v3 =	vadd.s32 v1, v3  }
0x216: {  	[tilespmem:s17], [sflag:$0x4] =	stream.indirect_vreg.gather [hbm4b:s5+s3], $0x80, v4, vm0, $0xb8;
	[tilespmem:$0x19000] =	vst v63  }
0x217: {  	s18 =	simm.s32 $0x14000  }
0x218: {  	[tilespmem:s18], [sflag:$0x4] =	stream.indirect_vreg.gather [hbm4b:s6+s3], $0x80, v4, vm0, $0xb8;
	[tilespmem:$0x19000] =	vst v63  }
0x219: {  	s21 =	simm.s32 $0x14800  }
0x21a: {  	[tilespmem:s21], [sflag:$0x4] =	stream.indirect_vreg.gather [hbm4b:s2+s3], $0x80, v3, vm0, $0xb8;
	[tilespmem:$0x19000] =	vst v63  }
0x21b: {  	s17 =	simm.s32 $0x15000  }
0x21c: {  	[tilespmem:s17], [sflag:$0x4] =	stream.indirect_vreg.gather [hbm4b:s5+s3], $0x80, v3, vm0, $0xb8;
	[tilespmem:$0x19000] =	vst v63  }
0x21d: {  	s17 =	simm.s32 $0x15800  }
0x21e: {  	[tilespmem:s17], [sflag:$0x4] =	stream.indirect_vreg.gather [hbm4b:s6+s3], $0x80, v3, vm0, $0xb8;
	[tilespmem:$0x19000] =	vst v63  }
0x21f: {  	v3 =	vld [tilespmem:$0x590];
	_ =	sdelay $0x4  }
0x220: {  	v23 =	vshrl.u32 v3, $0x3  }
0x221: {  	v4 =	vmul.u32 $0x30, v23  }
0x222: {  	v3 =	vand.u32 $0x7, v3  }
0x223: {  	v3 =	vor.u32 v3, v4  }
0x224: {  	v4 =	vperm.xlane v3, v0;
	_ =	sdelay $0x1  }
0x225: {  	v4 =	vadd.s32 v1, v4;
	_ =	sdelay $0x3  }
0x226: {  	s17 =	simm.s32 $0x16000;
	v3 =	vperm.xlane v3, v2  }
0x227: {  	[tilespmem:s17], [sflag:$0x4] =	stream.indirect_vreg.gather [hbm4b:s2+s3], $0x80, v4, vm0, $0xb8;
	[tilespmem:$0x19000] =	vst v63  }
0x228: {  	v3 =	vadd.s32 v1, v3;
	s17 =	simm.s32 $0x16800  }
0x229: {  	[tilespmem:s17], [sflag:$0x4] =	stream.indirect_vreg.gather [hbm4b:s5+s3], $0x80, v4, vm0, $0xb8;
	[tilespmem:$0x19000] =	vst v63  }
0x22a: {  	s17 =	simm.s32 $0x17000  }
0x22b: {  	[tilespmem:s17], [sflag:$0x4] =	stream.indirect_vreg.gather [hbm4b:s6+s3], $0x80, v4, vm0, $0xb8;
	[tilespmem:$0x19000] =	vst v63  }
0x22c: {  	s17 =	simm.s32 $0x17800  }
0x22d: {  	[tilespmem:s17], [sflag:$0x4] =	stream.indirect_vreg.gather [hbm4b:s2+s3], $0x80, v3, vm0, $0xb8;
	[tilespmem:$0x19000] =	vst v63  }
0x22e: {  	s17 =	simm.s32 $0x18000  }
0x22f: {  	[tilespmem:s17], [sflag:$0x4] =	stream.indirect_vreg.gather [hbm4b:s5+s3], $0x80, v3, vm0, $0xb8;
	[tilespmem:$0x19000] =	vst v63  }
0x230: {  	s17 =	simm.s32 $0x18800  }
0x231: {  	[tilespmem:s17], [sflag:$0x4] =	stream.indirect_vreg.gather [hbm4b:s6+s3], $0x80, v3, vm0, $0xb8;
	[tilespmem:$0x19000] =	vst v63  }
0x232: {  	_ =	swait.ge [sflag:s8], $0x6000  }
0x233: {  	[sflag:s8] =	ssyncset.done $0x0  }
0x234: {  	s0 =	simm.s32 $0x1000;
	s17 =	rddreg [dreg:$0xc];
	[sflag:s8] =	ssyncadd.s32 $0xFFFFA000  }
0x235: {  	[hbm4b:s17+s3] =	stream.linear.scatter [tilespmem:s0], [sflag:$0x5], $0x6000, $0x38;
	[tilespmem:$0x19000] =	vst v63  }
0x236: {  	_ =	swait.ge [sflag:s10], $0x6000  }
0x237: {  	[sflag:s10] =	ssyncset.done $0x0  }
0x238: {  	[sflag:s10] =	ssyncadd.s32 $0xFFFFA000  }
0x239: {  	v3 =	vld [tilespmem:$0x600];
	_ =	sdelay $0x4  }
0x23a: {  	v24 =	vshrl.u32 v3, $0x3  }
0x23b: {  	v4 =	vmul.u32 $0x30, v24  }
0x23c: {  	v3 =	vand.u32 $0x7, v3  }
0x23d: {  	v3 =	vor.u32 v3, v4  }
0x23e: {  	v4 =	vperm.xlane v3, v0;
	_ =	sdelay $0x1  }
0x23f: {  	v4 =	vadd.s32 v1, v4;
	_ =	sdelay $0x3  }
0x240: {  	v3 =	vperm.xlane v3, v2  }
0x241: {  	[tilespmem:s0], [sflag:$0x1] =	stream.indirect_vreg.gather [hbm4b:s2+s3], $0x80, v4, vm0, $0xb8;
	[tilespmem:$0x19000] =	vst v63  }
0x242: {  	s17 =	simm.s32 $0x1800;
	v3 =	vadd.s32 v1, v3  }
0x243: {  	[tilespmem:s17], [sflag:$0x1] =	stream.indirect_vreg.gather [hbm4b:s5+s3], $0x80, v4, vm0, $0xb8;
	[tilespmem:$0x19000] =	vst v63  }
0x244: {  	s17 =	simm.s32 $0x2000  }
0x245: {  	[tilespmem:s17], [sflag:$0x1] =	stream.indirect_vreg.gather [hbm4b:s6+s3], $0x80, v4, vm0, $0xb8;
	[tilespmem:$0x19000] =	vst v63  }
0x246: {  	s17 =	simm.s32 $0x2800  }
0x247: {  	[tilespmem:s17], [sflag:$0x1] =	stream.indirect_vreg.gather [hbm4b:s2+s3], $0x80, v3, vm0, $0xb8;
	[tilespmem:$0x19000] =	vst v63  }
0x248: {  	s17 =	simm.s32 $0x3000  }
0x249: {  	[tilespmem:s17], [sflag:$0x1] =	stream.indirect_vreg.gather [hbm4b:s5+s3], $0x80, v3, vm0, $0xb8;
	[tilespmem:$0x19000] =	vst v63  }
0x24a: {  	s17 =	simm.s32 $0x3800  }
0x24b: {  	[tilespmem:s17], [sflag:$0x1] =	stream.indirect_vreg.gather [hbm4b:s6+s3], $0x80, v3, vm0, $0xb8;
	[tilespmem:$0x19000] =	vst v63  }
0x24c: {  	v3 =	vld [tilespmem:$0x610];
	_ =	sdelay $0x4  }
0x24d: {  	v25 =	vshrl.u32 v3, $0x3  }
0x24e: {  	v4 =	vmul.u32 $0x30, v25  }
0x24f: {  	v3 =	vand.u32 $0x7, v3  }
0x250: {  	v3 =	vor.u32 v3, v4  }
0x251: {  	v4 =	vperm.xlane v3, v0;
	_ =	sdelay $0x1  }
0x252: {  	v4 =	vadd.s32 v1, v4;
	_ =	sdelay $0x3  }
0x253: {  	s17 =	simm.s32 $0x4000;
	v3 =	vperm.xlane v3, v2  }
0x254: {  	[tilespmem:s17], [sflag:$0x1] =	stream.indirect_vreg.gather [hbm4b:s2+s3], $0x80, v4, vm0, $0xb8;
	[tilespmem:$0x19000] =	vst v63  }
0x255: {  	v3 =	vadd.s32 v1, v3;
	s17 =	simm.s32 $0x4800  }
0x256: {  	[tilespmem:s17], [sflag:$0x1] =	stream.indirect_vreg.gather [hbm4b:s5+s3], $0x80, v4, vm0, $0xb8;
	[tilespmem:$0x19000] =	vst v63  }
0x257: {  	s17 =	simm.s32 $0x5000  }
0x258: {  	[tilespmem:s17], [sflag:$0x1] =	stream.indirect_vreg.gather [hbm4b:s6+s3], $0x80, v4, vm0, $0xb8;
	[tilespmem:$0x19000] =	vst v63  }
0x259: {  	s17 =	simm.s32 $0x5800  }
0x25a: {  	[tilespmem:s17], [sflag:$0x1] =	stream.indirect_vreg.gather [hbm4b:s2+s3], $0x80, v3, vm0, $0xb8;
	[tilespmem:$0x19000] =	vst v63  }
0x25b: {  	s26 =	simm.s32 $0x6000  }
0x25c: {  	[tilespmem:s26], [sflag:$0x1] =	stream.indirect_vreg.gather [hbm4b:s5+s3], $0x80, v3, vm0, $0xb8;
	[tilespmem:$0x19000] =	vst v63  }
0x25d: {  	s17 =	simm.s32 $0x6800  }
0x25e: {  	[tilespmem:s17], [sflag:$0x1] =	stream.indirect_vreg.gather [hbm4b:s6+s3], $0x80, v3, vm0, $0xb8;
	[tilespmem:$0x19000] =	vst v63  }
0x25f: {  	_ =	swait.ge [sflag:s11], $0x6000  }
0x260: {  	[sflag:s11] =	ssyncset.done $0x0  }
0x261: {  	s20 =	simm.s32 $0x7000;
	s17 =	rddreg [dreg:$0xd];
	[sflag:s11] =	ssyncadd.s32 $0xFFFFA000  }
0x262: {  	[hbm4b:s17+s3] =	stream.linear.scatter [tilespmem:s20], [sflag:$0x6], $0x6000, $0x38;
	[tilespmem:$0x19000] =	vst v63  }
0x263: {  	_ =	swait.ge [sflag:s12], $0x6000  }
0x264: {  	[sflag:s12] =	ssyncset.done $0x0  }
0x265: {  	[sflag:s12] =	ssyncadd.s32 $0xFFFFA000  }
0x266: {  	v3 =	vld [tilespmem:$0x680];
	_ =	sdelay $0x4  }
0x267: {  	v26 =	vshrl.u32 v3, $0x3  }
0x268: {  	v4 =	vmul.u32 $0x30, v26  }
0x269: {  	v3 =	vand.u32 $0x7, v3  }
0x26a: {  	v3 =	vor.u32 v3, v4  }
0x26b: {  	v4 =	vperm.xlane v3, v0;
	_ =	sdelay $0x1  }
0x26c: {  	v4 =	vadd.s32 v1, v4;
	_ =	sdelay $0x3  }
0x26d: {  	v3 =	vperm.xlane v3, v2  }
0x26e: {  	[tilespmem:s20], [sflag:$0x2] =	stream.indirect_vreg.gather [hbm4b:s2+s3], $0x80, v4, vm0, $0xb8;
	[tilespmem:$0x19000] =	vst v63  }
0x26f: {  	s17 =	simm.s32 $0x7800;
	v3 =	vadd.s32 v1, v3  }
0x270: {  	[tilespmem:s17], [sflag:$0x2] =	stream.indirect_vreg.gather [hbm4b:s5+s3], $0x80, v4, vm0, $0xb8;
	[tilespmem:$0x19000] =	vst v63  }
0x271: {  	s17 =	simm.s32 $0x8000  }
0x272: {  	[tilespmem:s17], [sflag:$0x2] =	stream.indirect_vreg.gather [hbm4b:s6+s3], $0x80, v4, vm0, $0xb8;
	[tilespmem:$0x19000] =	vst v63  }
0x273: {  	s17 =	simm.s32 $0x8800  }
0x274: {  	[tilespmem:s17], [sflag:$0x2] =	stream.indirect_vreg.gather [hbm4b:s2+s3], $0x80, v3, vm0, $0xb8;
	[tilespmem:$0x19000] =	vst v63  }
0x275: {  	s17 =	simm.s32 $0x9000  }
0x276: {  	[tilespmem:s17], [sflag:$0x2] =	stream.indirect_vreg.gather [hbm4b:s5+s3], $0x80, v3, vm0, $0xb8;
	[tilespmem:$0x19000] =	vst v63  }
0x277: {  	s17 =	simm.s32 $0x9800  }
0x278: {  	[tilespmem:s17], [sflag:$0x2] =	stream.indirect_vreg.gather [hbm4b:s6+s3], $0x80, v3, vm0, $0xb8;
	[tilespmem:$0x19000] =	vst v63  }
0x279: {  	v3 =	vld [tilespmem:$0x690];
	_ =	sdelay $0x4  }
0x27a: {  	v27 =	vshrl.u32 v3, $0x3  }
0x27b: {  	v4 =	vmul.u32 $0x30, v27  }
0x27c: {  	v3 =	vand.u32 $0x7, v3  }
0x27d: {  	v3 =	vor.u32 v3, v4  }
0x27e: {  	v4 =	vperm.xlane v3, v0;
	_ =	sdelay $0x1  }
0x27f: {  	v4 =	vadd.s32 v1, v4;
	_ =	sdelay $0x3  }
0x280: {  	s17 =	simm.s32 $0xA000;
	v3 =	vperm.xlane v3, v2  }
0x281: {  	[tilespmem:s17], [sflag:$0x2] =	stream.indirect_vreg.gather [hbm4b:s2+s3], $0x80, v4, vm0, $0xb8;
	[tilespmem:$0x19000] =	vst v63  }
0x282: {  	v3 =	vadd.s32 v1, v3;
	s17 =	simm.s32 $0xA800  }
0x283: {  	[tilespmem:s17], [sflag:$0x2] =	stream.indirect_vreg.gather [hbm4b:s5+s3], $0x80, v4, vm0, $0xb8;
	[tilespmem:$0x19000] =	vst v63  }
0x284: {  	s17 =	simm.s32 $0xB000  }
0x285: {  	[tilespmem:s17], [sflag:$0x2] =	stream.indirect_vreg.gather [hbm4b:s6+s3], $0x80, v4, vm0, $0xb8;
	[tilespmem:$0x19000] =	vst v63  }
0x286: {  	s23 =	simm.s32 $0xB800  }
0x287: {  	[tilespmem:s23], [sflag:$0x2] =	stream.indirect_vreg.gather [hbm4b:s2+s3], $0x80, v3, vm0, $0xb8;
	[tilespmem:$0x19000] =	vst v63  }
0x288: {  	s24 =	simm.s32 $0xC000  }
0x289: {  	[tilespmem:s24], [sflag:$0x2] =	stream.indirect_vreg.gather [hbm4b:s5+s3], $0x80, v3, vm0, $0xb8;
	[tilespmem:$0x19000] =	vst v63  }
0x28a: {  	s25 =	simm.s32 $0xC800  }
0x28b: {  	[tilespmem:s25], [sflag:$0x2] =	stream.indirect_vreg.gather [hbm4b:s6+s3], $0x80, v3, vm0, $0xb8;
	[tilespmem:$0x19000] =	vst v63  }
0x28c: {  	_ =	swait.ge [sflag:s13], $0x6000  }
0x28d: {  	[sflag:s13] =	ssyncset.done $0x0  }
0x28e: {  	s4 =	simm.s32 $0xD000;
	s17 =	rddreg [dreg:$0xe];
	[sflag:s13] =	ssyncadd.s32 $0xFFFFA000  }
0x28f: {  	[hbm4b:s17+s3] =	stream.linear.scatter [tilespmem:s4], [sflag:$0x7], $0x6000, $0x38;
	[tilespmem:$0x19000] =	vst v63  }
0x290: {  	_ =	swait.ge [sflag:s14], $0x6000  }
0x291: {  	[sflag:s14] =	ssyncset.done $0x0  }
0x292: {  	[sflag:s14] =	ssyncadd.s32 $0xFFFFA000  }
0x293: {  	v3 =	vld [tilespmem:$0x700];
	_ =	sdelay $0x4  }
0x294: {  	v28 =	vshrl.u32 v3, $0x3  }
0x295: {  	v4 =	vmul.u32 $0x30, v28  }
0x296: {  	v3 =	vand.u32 $0x7, v3  }
0x297: {  	v3 =	vor.u32 v3, v4  }
0x298: {  	v4 =	vperm.xlane v3, v0;
	_ =	sdelay $0x1  }
0x299: {  	v4 =	vadd.s32 v1, v4;
	_ =	sdelay $0x3  }
0x29a: {  	v3 =	vperm.xlane v3, v2  }
0x29b: {  	[tilespmem:s4], [sflag:$0x3] =	stream.indirect_vreg.gather [hbm4b:s2+s3], $0x80, v4, vm0, $0xb8;
	[tilespmem:$0x19000] =	vst v63  }
0x29c: {  	s28 =	simm.s32 $0xD800;
	v3 =	vadd.s32 v1, v3  }
0x29d: {  	[tilespmem:s28], [sflag:$0x3] =	stream.indirect_vreg.gather [hbm4b:s5+s3], $0x80, v4, vm0, $0xb8;
	[tilespmem:$0x19000] =	vst v63  }
0x29e: {  	s29 =	simm.s32 $0xE000  }
0x29f: {  	[tilespmem:s29], [sflag:$0x3] =	stream.indirect_vreg.gather [hbm4b:s6+s3], $0x80, v4, vm0, $0xb8;
	[tilespmem:$0x19000] =	vst v63  }
0x2a0: {  	s30 =	simm.s32 $0xE800  }
0x2a1: {  	[tilespmem:s30], [sflag:$0x3] =	stream.indirect_vreg.gather [hbm4b:s2+s3], $0x80, v3, vm0, $0xb8;
	[tilespmem:$0x19000] =	vst v63  }
0x2a2: {  	s31 =	simm.s32 $0xF000  }
0x2a3: {  	[tilespmem:s31], [sflag:$0x3] =	stream.indirect_vreg.gather [hbm4b:s5+s3], $0x80, v3, vm0, $0xb8;
	[tilespmem:$0x19000] =	vst v63  }
0x2a4: {  	s17 =	simm.s32 $0xF800  }
0x2a5: {  	[tilespmem:s17], [sflag:$0x3] =	stream.indirect_vreg.gather [hbm4b:s6+s3], $0x80, v3, vm0, $0xb8;
	[tilespmem:$0x19000] =	vst v63  }
0x2a6: {  	v3 =	vld [tilespmem:$0x710];
	_ =	sdelay $0x4  }
0x2a7: {  	v29 =	vshrl.u32 v3, $0x3  }
0x2a8: {  	v4 =	vmul.u32 $0x30, v29  }
0x2a9: {  	v3 =	vand.u32 $0x7, v3  }
0x2aa: {  	v3 =	vor.u32 v3, v4  }
0x2ab: {  	v4 =	vperm.xlane v3, v0;
	_ =	sdelay $0x1  }
0x2ac: {  	v4 =	vadd.s32 v1, v4;
	_ =	sdelay $0x3  }
0x2ad: {  	s17 =	simm.s32 $0x10000;
	v3 =	vperm.xlane v3, v2  }
0x2ae: {  	[tilespmem:s17], [sflag:$0x3] =	stream.indirect_vreg.gather [hbm4b:s2+s3], $0x80, v4, vm0, $0xb8;
	[tilespmem:$0x19000] =	vst v63  }
0x2af: {  	v3 =	vadd.s32 v1, v3;
	s17 =	simm.s32 $0x10800  }
0x2b0: {  	[tilespmem:s17], [sflag:$0x3] =	stream.indirect_vreg.gather [hbm4b:s5+s3], $0x80, v4, vm0, $0xb8;
	[tilespmem:$0x19000] =	vst v63  }
0x2b1: {  	s1 =	simm.s32 $0x11000  }
0x2b2: {  	[tilespmem:s1], [sflag:$0x3] =	stream.indirect_vreg.gather [hbm4b:s6+s3], $0x80, v4, vm0, $0xb8;
	[tilespmem:$0x19000] =	vst v63  }
0x2b3: {  	s19 =	simm.s32 $0x11800  }
0x2b4: {  	[tilespmem:s19], [sflag:$0x3] =	stream.indirect_vreg.gather [hbm4b:s2+s3], $0x80, v3, vm0, $0xb8;
	[tilespmem:$0x19000] =	vst v63  }
0x2b5: {  	s7 =	simm.s32 $0x12000  }
0x2b6: {  	[tilespmem:s7], [sflag:$0x3] =	stream.indirect_vreg.gather [hbm4b:s5+s3], $0x80, v3, vm0, $0xb8;
	[tilespmem:$0x19000] =	vst v63  }
0x2b7: {  	s17 =	simm.s32 $0x12800  }
0x2b8: {  	[tilespmem:s17], [sflag:$0x3] =	stream.indirect_vreg.gather [hbm4b:s6+s3], $0x80, v3, vm0, $0xb8;
	[tilespmem:$0x19000] =	vst v63  }
0x2b9: {  	_ =	swait.ge [sflag:s15], $0x6000  }
0x2ba: {  	[sflag:s15] =	ssyncset.done $0x0  }
0x2bb: {  	s17 =	rddreg [dreg:$0xf];
	[sflag:s15] =	ssyncadd.s32 $0xFFFFA000  }
0x2bc: {  	[hbm4b:s17+s3] =	stream.linear.scatter [tilespmem:s22], [sflag:$0x8], $0x6000, $0x38;
	[tilespmem:$0x19000] =	vst v63  }
0x2bd: {  	_ =	swait.ge [sflag:s16], $0x6000  }
0x2be: {  	[sflag:s16] =	ssyncset.done $0x0  }
0x2bf: {  	[sflag:s16] =	ssyncadd.s32 $0xFFFFA000  }
0x2c0: {  	v3 =	vld [tilespmem:$0x780];
	_ =	sdelay $0x4  }
0x2c1: {  	v30 =	vshrl.u32 v3, $0x3  }
0x2c2: {  	v4 =	vmul.u32 $0x30, v30  }
0x2c3: {  	v3 =	vand.u32 $0x7, v3  }
0x2c4: {  	v3 =	vor.u32 v3, v4  }
0x2c5: {  	v4 =	vperm.xlane v3, v0;
	_ =	sdelay $0x1  }
0x2c6: {  	v4 =	vadd.s32 v1, v4;
	_ =	sdelay $0x3  }
0x2c7: {  	v3 =	vperm.xlane v3, v2  }
0x2c8: {  	[tilespmem:s22], [sflag:$0x4] =	stream.indirect_vreg.gather [hbm4b:s2+s3], $0x80, v4, vm0, $0xb8;
	[tilespmem:$0x19000] =	vst v63  }
0x2c9: {  	s9 =	simm.s32 $0x13800;
	v3 =	vadd.s32 v1, v3  }
0x2ca: {  	[tilespmem:s9], [sflag:$0x4] =	stream.indirect_vreg.gather [hbm4b:s5+s3], $0x80, v4, vm0, $0xb8;
	[tilespmem:$0x19000] =	vst v63  }
0x2cb: {  	s18 =	simm.s32 $0x14000  }
0x2cc: {  	[tilespmem:s18], [sflag:$0x4] =	stream.indirect_vreg.gather [hbm4b:s6+s3], $0x80, v4, vm0, $0xb8;
	[tilespmem:$0x19000] =	vst v63  }
0x2cd: {  	s21 =	simm.s32 $0x14800  }
0x2ce: {  	[tilespmem:s21], [sflag:$0x4] =	stream.indirect_vreg.gather [hbm4b:s2+s3], $0x80, v3, vm0, $0xb8;
	[tilespmem:$0x19000] =	vst v63  }
0x2cf: {  	s17 =	simm.s32 $0x15000  }
0x2d0: {  	[tilespmem:s17], [sflag:$0x4] =	stream.indirect_vreg.gather [hbm4b:s5+s3], $0x80, v3, vm0, $0xb8;
	[tilespmem:$0x19000] =	vst v63  }
0x2d1: {  	s17 =	simm.s32 $0x15800  }
0x2d2: {  	[tilespmem:s17], [sflag:$0x4] =	stream.indirect_vreg.gather [hbm4b:s6+s3], $0x80, v3, vm0, $0xb8;
	[tilespmem:$0x19000] =	vst v63  }
0x2d3: {  	v3 =	vld [tilespmem:$0x790];
	_ =	sdelay $0x4  }
0x2d4: {  	v31 =	vshrl.u32 v3, $0x3  }
0x2d5: {  	v4 =	vmul.u32 $0x30, v31  }
0x2d6: {  	v3 =	vand.u32 $0x7, v3  }
0x2d7: {  	v3 =	vor.u32 v3, v4  }
0x2d8: {  	v4 =	vperm.xlane v3, v0;
	_ =	sdelay $0x1  }
0x2d9: {  	v4 =	vadd.s32 v1, v4;
	_ =	sdelay $0x3  }
0x2da: {  	s17 =	simm.s32 $0x16000;
	v3 =	vperm.xlane v3, v2  }
0x2db: {  	[tilespmem:s17], [sflag:$0x4] =	stream.indirect_vreg.gather [hbm4b:s2+s3], $0x80, v4, vm0, $0xb8;
	[tilespmem:$0x19000] =	vst v63  }
0x2dc: {  	v3 =	vadd.s32 v1, v3;
	s17 =	simm.s32 $0x16800  }
0x2dd: {  	[tilespmem:s17], [sflag:$0x4] =	stream.indirect_vreg.gather [hbm4b:s5+s3], $0x80, v4, vm0, $0xb8;
	[tilespmem:$0x19000] =	vst v63  }
0x2de: {  	s17 =	simm.s32 $0x17000  }
0x2df: {  	[tilespmem:s17], [sflag:$0x4] =	stream.indirect_vreg.gather [hbm4b:s6+s3], $0x80, v4, vm0, $0xb8;
	[tilespmem:$0x19000] =	vst v63  }
0x2e0: {  	s17 =	simm.s32 $0x17800  }
0x2e1: {  	[tilespmem:s17], [sflag:$0x4] =	stream.indirect_vreg.gather [hbm4b:s2+s3], $0x80, v3, vm0, $0xb8;
	[tilespmem:$0x19000] =	vst v63  }
0x2e2: {  	s17 =	simm.s32 $0x18000  }
0x2e3: {  	[tilespmem:s17], [sflag:$0x4] =	stream.indirect_vreg.gather [hbm4b:s5+s3], $0x80, v3, vm0, $0xb8;
	[tilespmem:$0x19000] =	vst v63  }
0x2e4: {  	s17 =	simm.s32 $0x18800  }
0x2e5: {  	[tilespmem:s17], [sflag:$0x4] =	stream.indirect_vreg.gather [hbm4b:s6+s3], $0x80, v3, vm0, $0xb8;
	[tilespmem:$0x19000] =	vst v63  }
0x2e6: {  	_ =	swait.ge [sflag:s8], $0x6000  }
0x2e7: {  	[sflag:s8] =	ssyncset.done $0x0  }
0x2e8: {  	s0 =	simm.s32 $0x1000;
	s17 =	rddreg [dreg:$0x10];
	[sflag:s8] =	ssyncadd.s32 $0xFFFFA000  }
0x2e9: {  	[hbm4b:s17+s3] =	stream.linear.scatter [tilespmem:s0], [sflag:$0x5], $0x6000, $0x38;
	[tilespmem:$0x19000] =	vst v63  }
0x2ea: {  	_ =	swait.ge [sflag:s10], $0x6000  }
0x2eb: {  	[sflag:s10] =	ssyncset.done $0x0  }
0x2ec: {  	[sflag:s10] =	ssyncadd.s32 $0xFFFFA000  }
0x2ed: {  	v3 =	vld [tilespmem:$0x800];
	_ =	sdelay $0x4  }
0x2ee: {  	v32 =	vshrl.u32 v3, $0x3  }
0x2ef: {  	v4 =	vmul.u32 $0x30, v32  }
0x2f0: {  	v3 =	vand.u32 $0x7, v3  }
0x2f1: {  	v3 =	vor.u32 v3, v4  }
0x2f2: {  	v4 =	vperm.xlane v3, v0;
	_ =	sdelay $0x1  }
0x2f3: {  	v4 =	vadd.s32 v1, v4;
	_ =	sdelay $0x3  }
0x2f4: {  	v3 =	vperm.xlane v3, v2  }
0x2f5: {  	[tilespmem:s0], [sflag:$0x1] =	stream.indirect_vreg.gather [hbm4b:s2+s3], $0x80, v4, vm0, $0xb8;
	[tilespmem:$0x19000] =	vst v63  }
0x2f6: {  	s17 =	simm.s32 $0x1800;
	v3 =	vadd.s32 v1, v3  }
0x2f7: {  	[tilespmem:s17], [sflag:$0x1] =	stream.indirect_vreg.gather [hbm4b:s5+s3], $0x80, v4, vm0, $0xb8;
	[tilespmem:$0x19000] =	vst v63  }
0x2f8: {  	s17 =	simm.s32 $0x2000  }
0x2f9: {  	[tilespmem:s17], [sflag:$0x1] =	stream.indirect_vreg.gather [hbm4b:s6+s3], $0x80, v4, vm0, $0xb8;
	[tilespmem:$0x19000] =	vst v63  }
0x2fa: {  	s17 =	simm.s32 $0x2800  }
0x2fb: {  	[tilespmem:s17], [sflag:$0x1] =	stream.indirect_vreg.gather [hbm4b:s2+s3], $0x80, v3, vm0, $0xb8;
	[tilespmem:$0x19000] =	vst v63  }
0x2fc: {  	s17 =	simm.s32 $0x3000  }
0x2fd: {  	[tilespmem:s17], [sflag:$0x1] =	stream.indirect_vreg.gather [hbm4b:s5+s3], $0x80, v3, vm0, $0xb8;
	[tilespmem:$0x19000] =	vst v63  }
0x2fe: {  	s17 =	simm.s32 $0x3800  }
0x2ff: {  	[tilespmem:s17], [sflag:$0x1] =	stream.indirect_vreg.gather [hbm4b:s6+s3], $0x80, v3, vm0, $0xb8;
	[tilespmem:$0x19000] =	vst v63  }
0x300: {  	v3 =	vld [tilespmem:$0x810];
	_ =	sdelay $0x4  }
0x301: {  	v33 =	vshrl.u32 v3, $0x3  }
0x302: {  	v4 =	vmul.u32 $0x30, v33  }
0x303: {  	v3 =	vand.u32 $0x7, v3  }
0x304: {  	v3 =	vor.u32 v3, v4  }
0x305: {  	v4 =	vperm.xlane v3, v0;
	_ =	sdelay $0x1  }
0x306: {  	v4 =	vadd.s32 v1, v4;
	_ =	sdelay $0x3  }
0x307: {  	s17 =	simm.s32 $0x4000;
	v3 =	vperm.xlane v3, v2  }
0x308: {  	[tilespmem:s17], [sflag:$0x1] =	stream.indirect_vreg.gather [hbm4b:s2+s3], $0x80, v4, vm0, $0xb8;
	[tilespmem:$0x19000] =	vst v63  }
0x309: {  	v3 =	vadd.s32 v1, v3;
	s17 =	simm.s32 $0x4800  }
0x30a: {  	[tilespmem:s17], [sflag:$0x1] =	stream.indirect_vreg.gather [hbm4b:s5+s3], $0x80, v4, vm0, $0xb8;
	[tilespmem:$0x19000] =	vst v63  }
0x30b: {  	s17 =	simm.s32 $0x5000  }
0x30c: {  	[tilespmem:s17], [sflag:$0x1] =	stream.indirect_vreg.gather [hbm4b:s6+s3], $0x80, v4, vm0, $0xb8;
	[tilespmem:$0x19000] =	vst v63  }
0x30d: {  	s17 =	simm.s32 $0x5800  }
0x30e: {  	[tilespmem:s17], [sflag:$0x1] =	stream.indirect_vreg.gather [hbm4b:s2+s3], $0x80, v3, vm0, $0xb8;
	[tilespmem:$0x19000] =	vst v63  }
0x30f: {  	s26 =	simm.s32 $0x6000  }
0x310: {  	[tilespmem:s26], [sflag:$0x1] =	stream.indirect_vreg.gather [hbm4b:s5+s3], $0x80, v3, vm0, $0xb8;
	[tilespmem:$0x19000] =	vst v63  }
0x311: {  	s17 =	simm.s32 $0x6800  }
0x312: {  	[tilespmem:s17], [sflag:$0x1] =	stream.indirect_vreg.gather [hbm4b:s6+s3], $0x80, v3, vm0, $0xb8;
	[tilespmem:$0x19000] =	vst v63  }
0x313: {  	_ =	swait.ge [sflag:s11], $0x6000  }
0x314: {  	[sflag:s11] =	ssyncset.done $0x0  }
0x315: {  	s17 =	rddreg [dreg:$0x11];
	[sflag:s11] =	ssyncadd.s32 $0xFFFFA000  }
0x316: {  	[hbm4b:s17+s3] =	stream.linear.scatter [tilespmem:s20], [sflag:$0x6], $0x6000, $0x38;
	[tilespmem:$0x19000] =	vst v63  }
0x317: {  	_ =	swait.ge [sflag:s12], $0x6000  }
0x318: {  	[sflag:s12] =	ssyncset.done $0x0  }
0x319: {  	[sflag:s12] =	ssyncadd.s32 $0xFFFFA000  }
0x31a: {  	v3 =	vld [tilespmem:$0x880];
	_ =	sdelay $0x4  }
0x31b: {  	v34 =	vshrl.u32 v3, $0x3  }
0x31c: {  	v4 =	vmul.u32 $0x30, v34  }
0x31d: {  	v3 =	vand.u32 $0x7, v3  }
0x31e: {  	v3 =	vor.u32 v3, v4  }
0x31f: {  	v4 =	vperm.xlane v3, v0;
	_ =	sdelay $0x1  }
0x320: {  	v4 =	vadd.s32 v1, v4;
	_ =	sdelay $0x3  }
0x321: {  	v3 =	vperm.xlane v3, v2  }
0x322: {  	[tilespmem:s20], [sflag:$0x2] =	stream.indirect_vreg.gather [hbm4b:s2+s3], $0x80, v4, vm0, $0xb8;
	[tilespmem:$0x19000] =	vst v63  }
0x323: {  	s17 =	simm.s32 $0x7800;
	v3 =	vadd.s32 v1, v3  }
0x324: {  	[tilespmem:s17], [sflag:$0x2] =	stream.indirect_vreg.gather [hbm4b:s5+s3], $0x80, v4, vm0, $0xb8;
	[tilespmem:$0x19000] =	vst v63  }
0x325: {  	s17 =	simm.s32 $0x8000  }
0x326: {  	[tilespmem:s17], [sflag:$0x2] =	stream.indirect_vreg.gather [hbm4b:s6+s3], $0x80, v4, vm0, $0xb8;
	[tilespmem:$0x19000] =	vst v63  }
0x327: {  	s17 =	simm.s32 $0x8800  }
0x328: {  	[tilespmem:s17], [sflag:$0x2] =	stream.indirect_vreg.gather [hbm4b:s2+s3], $0x80, v3, vm0, $0xb8;
	[tilespmem:$0x19000] =	vst v63  }
0x329: {  	s17 =	simm.s32 $0x9000  }
0x32a: {  	[tilespmem:s17], [sflag:$0x2] =	stream.indirect_vreg.gather [hbm4b:s5+s3], $0x80, v3, vm0, $0xb8;
	[tilespmem:$0x19000] =	vst v63  }
0x32b: {  	s17 =	simm.s32 $0x9800  }
0x32c: {  	[tilespmem:s17], [sflag:$0x2] =	stream.indirect_vreg.gather [hbm4b:s6+s3], $0x80, v3, vm0, $0xb8;
	[tilespmem:$0x19000] =	vst v63  }
0x32d: {  	v3 =	vld [tilespmem:$0x890];
	_ =	sdelay $0x4  }
0x32e: {  	v35 =	vshrl.u32 v3, $0x3  }
0x32f: {  	v4 =	vmul.u32 $0x30, v35  }
0x330: {  	v3 =	vand.u32 $0x7, v3  }
0x331: {  	v3 =	vor.u32 v3, v4  }
0x332: {  	v4 =	vperm.xlane v3, v0;
	_ =	sdelay $0x1  }
0x333: {  	v4 =	vadd.s32 v1, v4;
	_ =	sdelay $0x3  }
0x334: {  	s17 =	simm.s32 $0xA000;
	v3 =	vperm.xlane v3, v2  }
0x335: {  	[tilespmem:s17], [sflag:$0x2] =	stream.indirect_vreg.gather [hbm4b:s2+s3], $0x80, v4, vm0, $0xb8;
	[tilespmem:$0x19000] =	vst v63  }
0x336: {  	v3 =	vadd.s32 v1, v3;
	s17 =	simm.s32 $0xA800  }
0x337: {  	[tilespmem:s17], [sflag:$0x2] =	stream.indirect_vreg.gather [hbm4b:s5+s3], $0x80, v4, vm0, $0xb8;
	[tilespmem:$0x19000] =	vst v63  }
0x338: {  	s17 =	simm.s32 $0xB000  }
0x339: {  	[tilespmem:s17], [sflag:$0x2] =	stream.indirect_vreg.gather [hbm4b:s6+s3], $0x80, v4, vm0, $0xb8;
	[tilespmem:$0x19000] =	vst v63  }
0x33a: {  	s23 =	simm.s32 $0xB800  }
0x33b: {  	[tilespmem:s23], [sflag:$0x2] =	stream.indirect_vreg.gather [hbm4b:s2+s3], $0x80, v3, vm0, $0xb8;
	[tilespmem:$0x19000] =	vst v63  }
0x33c: {  	s24 =	simm.s32 $0xC000  }
0x33d: {  	[tilespmem:s24], [sflag:$0x2] =	stream.indirect_vreg.gather [hbm4b:s5+s3], $0x80, v3, vm0, $0xb8;
	[tilespmem:$0x19000] =	vst v63  }
0x33e: {  	s25 =	simm.s32 $0xC800  }
0x33f: {  	[tilespmem:s25], [sflag:$0x2] =	stream.indirect_vreg.gather [hbm4b:s6+s3], $0x80, v3, vm0, $0xb8;
	[tilespmem:$0x19000] =	vst v63  }
0x340: {  	_ =	swait.ge [sflag:s13], $0x6000  }
0x341: {  	[sflag:s13] =	ssyncset.done $0x0  }
0x342: {  	s23 =	rddreg [dreg:$0x12];
	[sflag:s13] =	ssyncadd.s32 $0xFFFFA000  }
0x343: {  	[hbm4b:s23+s3] =	stream.linear.scatter [tilespmem:s4], [sflag:$0x7], $0x6000, $0x38;
	[tilespmem:$0x19000] =	vst v63  }
0x344: {  	_ =	swait.ge [sflag:s14], $0x6000  }
0x345: {  	[sflag:s14] =	ssyncset.done $0x0  }
0x346: {  	[sflag:s14] =	ssyncadd.s32 $0xFFFFA000  }
0x347: {  	v3 =	vld [tilespmem:$0x900];
	_ =	sdelay $0x4  }
0x348: {  	v36 =	vshrl.u32 v3, $0x3  }
0x349: {  	v4 =	vmul.u32 $0x30, v36  }
0x34a: {  	v3 =	vand.u32 $0x7, v3  }
0x34b: {  	v3 =	vor.u32 v3, v4  }
0x34c: {  	v4 =	vperm.xlane v3, v0;
	_ =	sdelay $0x1  }
0x34d: {  	v4 =	vadd.s32 v1, v4;
	_ =	sdelay $0x3  }
0x34e: {  	v3 =	vperm.xlane v3, v2  }
0x34f: {  	[tilespmem:s4], [sflag:$0x3] =	stream.indirect_vreg.gather [hbm4b:s2+s3], $0x80, v4, vm0, $0xb8;
	[tilespmem:$0x19000] =	vst v63  }
0x350: {  	s28 =	simm.s32 $0xD800;
	v3 =	vadd.s32 v1, v3  }
0x351: {  	[tilespmem:s28], [sflag:$0x3] =	stream.indirect_vreg.gather [hbm4b:s5+s3], $0x80, v4, vm0, $0xb8;
	[tilespmem:$0x19000] =	vst v63  }
0x352: {  	s29 =	simm.s32 $0xE000  }
0x353: {  	[tilespmem:s29], [sflag:$0x3] =	stream.indirect_vreg.gather [hbm4b:s6+s3], $0x80, v4, vm0, $0xb8;
	[tilespmem:$0x19000] =	vst v63  }
0x354: {  	s30 =	simm.s32 $0xE800  }
0x355: {  	[tilespmem:s30], [sflag:$0x3] =	stream.indirect_vreg.gather [hbm4b:s2+s3], $0x80, v3, vm0, $0xb8;
	[tilespmem:$0x19000] =	vst v63  }
0x356: {  	s31 =	simm.s32 $0xF000  }
0x357: {  	[tilespmem:s31], [sflag:$0x3] =	stream.indirect_vreg.gather [hbm4b:s5+s3], $0x80, v3, vm0, $0xb8;
	[tilespmem:$0x19000] =	vst v63  }
0x358: {  	s23 =	simm.s32 $0xF800  }
0x359: {  	[tilespmem:s23], [sflag:$0x3] =	stream.indirect_vreg.gather [hbm4b:s6+s3], $0x80, v3, vm0, $0xb8;
	[tilespmem:$0x19000] =	vst v63  }
0x35a: {  	v3 =	vld [tilespmem:$0x910];
	_ =	sdelay $0x4  }
0x35b: {  	v37 =	vshrl.u32 v3, $0x3  }
0x35c: {  	v4 =	vmul.u32 $0x30, v37  }
0x35d: {  	v3 =	vand.u32 $0x7, v3  }
0x35e: {  	v3 =	vor.u32 v3, v4  }
0x35f: {  	v4 =	vperm.xlane v3, v0;
	_ =	sdelay $0x1  }
0x360: {  	v4 =	vadd.s32 v1, v4;
	_ =	sdelay $0x3  }
0x361: {  	s23 =	simm.s32 $0x10000;
	v3 =	vperm.xlane v3, v2  }
0x362: {  	[tilespmem:s23], [sflag:$0x3] =	stream.indirect_vreg.gather [hbm4b:s2+s3], $0x80, v4, vm0, $0xb8;
	[tilespmem:$0x19000] =	vst v63  }
0x363: {  	v3 =	vadd.s32 v1, v3;
	s23 =	simm.s32 $0x10800  }
0x364: {  	[tilespmem:s23], [sflag:$0x3] =	stream.indirect_vreg.gather [hbm4b:s5+s3], $0x80, v4, vm0, $0xb8;
	[tilespmem:$0x19000] =	vst v63  }
0x365: {  	s1 =	simm.s32 $0x11000  }
0x366: {  	[tilespmem:s1], [sflag:$0x3] =	stream.indirect_vreg.gather [hbm4b:s6+s3], $0x80, v4, vm0, $0xb8;
	[tilespmem:$0x19000] =	vst v63  }
0x367: {  	s19 =	simm.s32 $0x11800  }
0x368: {  	[tilespmem:s19], [sflag:$0x3] =	stream.indirect_vreg.gather [hbm4b:s2+s3], $0x80, v3, vm0, $0xb8;
	[tilespmem:$0x19000] =	vst v63  }
0x369: {  	s7 =	simm.s32 $0x12000  }
0x36a: {  	[tilespmem:s7], [sflag:$0x3] =	stream.indirect_vreg.gather [hbm4b:s5+s3], $0x80, v3, vm0, $0xb8;
	[tilespmem:$0x19000] =	vst v63  }
0x36b: {  	s17 =	simm.s32 $0x12800  }
0x36c: {  	[tilespmem:s17], [sflag:$0x3] =	stream.indirect_vreg.gather [hbm4b:s6+s3], $0x80, v3, vm0, $0xb8;
	[tilespmem:$0x19000] =	vst v63  }
0x36d: {  	_ =	swait.ge [sflag:s15], $0x6000  }
0x36e: {  	[sflag:s15] =	ssyncset.done $0x0  }
0x36f: {  	s7 =	rddreg [dreg:$0x13];
	[sflag:s15] =	ssyncadd.s32 $0xFFFFA000  }
0x370: {  	[hbm4b:s7+s3] =	stream.linear.scatter [tilespmem:s22], [sflag:$0x8], $0x6000, $0x38;
	[tilespmem:$0x19000] =	vst v63  }
0x371: {  	_ =	swait.ge [sflag:s16], $0x6000  }
0x372: {  	[sflag:s16] =	ssyncset.done $0x0  }
0x373: {  	[sflag:s16] =	ssyncadd.s32 $0xFFFFA000  }
0x374: {  	v3 =	vld [tilespmem:$0x980];
	_ =	sdelay $0x4  }
0x375: {  	v38 =	vshrl.u32 v3, $0x3  }
0x376: {  	v4 =	vmul.u32 $0x30, v38  }
0x377: {  	v3 =	vand.u32 $0x7, v3  }
0x378: {  	v3 =	vor.u32 v3, v4  }
0x379: {  	v4 =	vperm.xlane v3, v0;
	_ =	sdelay $0x1  }
0x37a: {  	v4 =	vadd.s32 v1, v4;
	_ =	sdelay $0x3  }
0x37b: {  	v3 =	vperm.xlane v3, v2  }
0x37c: {  	[tilespmem:s22], [sflag:$0x4] =	stream.indirect_vreg.gather [hbm4b:s2+s3], $0x80, v4, vm0, $0xb8;
	[tilespmem:$0x19000] =	vst v63  }
0x37d: {  	s9 =	simm.s32 $0x13800;
	v3 =	vadd.s32 v1, v3  }
0x37e: {  	[tilespmem:s9], [sflag:$0x4] =	stream.indirect_vreg.gather [hbm4b:s5+s3], $0x80, v4, vm0, $0xb8;
	[tilespmem:$0x19000] =	vst v63  }
0x37f: {  	s18 =	simm.s32 $0x14000  }
0x380: {  	[tilespmem:s18], [sflag:$0x4] =	stream.indirect_vreg.gather [hbm4b:s6+s3], $0x80, v4, vm0, $0xb8;
	[tilespmem:$0x19000] =	vst v63  }
0x381: {  	s21 =	simm.s32 $0x14800  }
0x382: {  	[tilespmem:s21], [sflag:$0x4] =	stream.indirect_vreg.gather [hbm4b:s2+s3], $0x80, v3, vm0, $0xb8;
	[tilespmem:$0x19000] =	vst v63  }
0x383: {  	s21 =	simm.s32 $0x15000  }
0x384: {  	[tilespmem:s21], [sflag:$0x4] =	stream.indirect_vreg.gather [hbm4b:s5+s3], $0x80, v3, vm0, $0xb8;
	[tilespmem:$0x19000] =	vst v63  }
0x385: {  	s17 =	simm.s32 $0x15800  }
0x386: {  	[tilespmem:s17], [sflag:$0x4] =	stream.indirect_vreg.gather [hbm4b:s6+s3], $0x80, v3, vm0, $0xb8;
	[tilespmem:$0x19000] =	vst v63  }
0x387: {  	v3 =	vld [tilespmem:$0x990];
	_ =	sdelay $0x4  }
0x388: {  	v39 =	vshrl.u32 v3, $0x3  }
0x389: {  	v4 =	vmul.u32 $0x30, v39  }
0x38a: {  	v3 =	vand.u32 $0x7, v3  }
0x38b: {  	v3 =	vor.u32 v3, v4  }
0x38c: {  	v4 =	vperm.xlane v3, v0;
	_ =	sdelay $0x1  }
0x38d: {  	v4 =	vadd.s32 v1, v4;
	_ =	sdelay $0x3  }
0x38e: {  	s17 =	simm.s32 $0x16000;
	v3 =	vperm.xlane v3, v2  }
0x38f: {  	[tilespmem:s17], [sflag:$0x4] =	stream.indirect_vreg.gather [hbm4b:s2+s3], $0x80, v4, vm0, $0xb8;
	[tilespmem:$0x19000] =	vst v63  }
0x390: {  	v3 =	vadd.s32 v1, v3;
	s17 =	simm.s32 $0x16800  }
0x391: {  	[tilespmem:s17], [sflag:$0x4] =	stream.indirect_vreg.gather [hbm4b:s5+s3], $0x80, v4, vm0, $0xb8;
	[tilespmem:$0x19000] =	vst v63  }
0x392: {  	s17 =	simm.s32 $0x17000  }
0x393: {  	[tilespmem:s17], [sflag:$0x4] =	stream.indirect_vreg.gather [hbm4b:s6+s3], $0x80, v4, vm0, $0xb8;
	[tilespmem:$0x19000] =	vst v63  }
0x394: {  	s17 =	simm.s32 $0x17800  }
0x395: {  	[tilespmem:s17], [sflag:$0x4] =	stream.indirect_vreg.gather [hbm4b:s2+s3], $0x80, v3, vm0, $0xb8;
	[tilespmem:$0x19000] =	vst v63  }
0x396: {  	s17 =	simm.s32 $0x18000  }
0x397: {  	[tilespmem:s17], [sflag:$0x4] =	stream.indirect_vreg.gather [hbm4b:s5+s3], $0x80, v3, vm0, $0xb8;
	[tilespmem:$0x19000] =	vst v63  }
0x398: {  	s17 =	simm.s32 $0x18800  }
0x399: {  	[tilespmem:s17], [sflag:$0x4] =	stream.indirect_vreg.gather [hbm4b:s6+s3], $0x80, v3, vm0, $0xb8;
	[tilespmem:$0x19000] =	vst v63  }
0x39a: {  	_ =	swait.ge [sflag:s8], $0x6000  }
0x39b: {  	[sflag:s8] =	ssyncset.done $0x0  }
0x39c: {  	s17 =	rddreg [dreg:$0x14];
	[sflag:s8] =	ssyncadd.s32 $0xFFFFA000  }
0x39d: {  	[hbm4b:s17+s3] =	stream.linear.scatter [tilespmem:s0], [sflag:$0x5], $0x6000, $0x38;
	[tilespmem:$0x19000] =	vst v63  }
0x39e: {  	_ =	swait.ge [sflag:s10], $0x6000  }
0x39f: {  	[sflag:s10] =	ssyncset.done $0x0  }
0x3a0: {  	[sflag:s10] =	ssyncadd.s32 $0xFFFFA000  }
0x3a1: {  	v3 =	vld [tilespmem:$0xA00];
	_ =	sdelay $0x4  }
0x3a2: {  	v40 =	vshrl.u32 v3, $0x3  }
0x3a3: {  	v4 =	vmul.u32 $0x30, v40  }
0x3a4: {  	v3 =	vand.u32 $0x7, v3  }
0x3a5: {  	v3 =	vor.u32 v3, v4  }
0x3a6: {  	v4 =	vperm.xlane v3, v0;
	_ =	sdelay $0x1  }
0x3a7: {  	v4 =	vadd.s32 v1, v4;
	_ =	sdelay $0x3  }
0x3a8: {  	v3 =	vperm.xlane v3, v2  }
0x3a9: {  	[tilespmem:s0], [sflag:$0x1] =	stream.indirect_vreg.gather [hbm4b:s2+s3], $0x80, v4, vm0, $0xb8;
	[tilespmem:$0x19000] =	vst v63  }
0x3aa: {  	s17 =	simm.s32 $0x1800;
	v3 =	vadd.s32 v1, v3  }
0x3ab: {  	[tilespmem:s17], [sflag:$0x1] =	stream.indirect_vreg.gather [hbm4b:s5+s3], $0x80, v4, vm0, $0xb8;
	[tilespmem:$0x19000] =	vst v63  }
0x3ac: {  	s17 =	simm.s32 $0x2000  }
0x3ad: {  	[tilespmem:s17], [sflag:$0x1] =	stream.indirect_vreg.gather [hbm4b:s6+s3], $0x80, v4, vm0, $0xb8;
	[tilespmem:$0x19000] =	vst v63  }
0x3ae: {  	s17 =	simm.s32 $0x2800  }
0x3af: {  	[tilespmem:s17], [sflag:$0x1] =	stream.indirect_vreg.gather [hbm4b:s2+s3], $0x80, v3, vm0, $0xb8;
	[tilespmem:$0x19000] =	vst v63  }
0x3b0: {  	s17 =	simm.s32 $0x3000  }
0x3b1: {  	[tilespmem:s17], [sflag:$0x1] =	stream.indirect_vreg.gather [hbm4b:s5+s3], $0x80, v3, vm0, $0xb8;
	[tilespmem:$0x19000] =	vst v63  }
0x3b2: {  	s17 =	simm.s32 $0x3800  }
0x3b3: {  	[tilespmem:s17], [sflag:$0x1] =	stream.indirect_vreg.gather [hbm4b:s6+s3], $0x80, v3, vm0, $0xb8;
	[tilespmem:$0x19000] =	vst v63  }
0x3b4: {  	v3 =	vld [tilespmem:$0xA10];
	_ =	sdelay $0x4  }
0x3b5: {  	v41 =	vshrl.u32 v3, $0x3  }
0x3b6: {  	v4 =	vmul.u32 $0x30, v41  }
0x3b7: {  	v3 =	vand.u32 $0x7, v3  }
0x3b8: {  	v3 =	vor.u32 v3, v4  }
0x3b9: {  	v4 =	vperm.xlane v3, v0;
	_ =	sdelay $0x1  }
0x3ba: {  	v4 =	vadd.s32 v1, v4;
	_ =	sdelay $0x3  }
0x3bb: {  	s17 =	simm.s32 $0x4000;
	v3 =	vperm.xlane v3, v2  }
0x3bc: {  	[tilespmem:s17], [sflag:$0x1] =	stream.indirect_vreg.gather [hbm4b:s2+s3], $0x80, v4, vm0, $0xb8;
	[tilespmem:$0x19000] =	vst v63  }
0x3bd: {  	v3 =	vadd.s32 v1, v3;
	s17 =	simm.s32 $0x4800  }
0x3be: {  	[tilespmem:s17], [sflag:$0x1] =	stream.indirect_vreg.gather [hbm4b:s5+s3], $0x80, v4, vm0, $0xb8;
	[tilespmem:$0x19000] =	vst v63  }
0x3bf: {  	s17 =	simm.s32 $0x5000  }
0x3c0: {  	[tilespmem:s17], [sflag:$0x1] =	stream.indirect_vreg.gather [hbm4b:s6+s3], $0x80, v4, vm0, $0xb8;
	[tilespmem:$0x19000] =	vst v63  }
0x3c1: {  	s17 =	simm.s32 $0x5800  }
0x3c2: {  	[tilespmem:s17], [sflag:$0x1] =	stream.indirect_vreg.gather [hbm4b:s2+s3], $0x80, v3, vm0, $0xb8;
	[tilespmem:$0x19000] =	vst v63  }
0x3c3: {  	s26 =	simm.s32 $0x6000  }
0x3c4: {  	[tilespmem:s26], [sflag:$0x1] =	stream.indirect_vreg.gather [hbm4b:s5+s3], $0x80, v3, vm0, $0xb8;
	[tilespmem:$0x19000] =	vst v63  }
0x3c5: {  	s17 =	simm.s32 $0x6800  }
0x3c6: {  	[tilespmem:s17], [sflag:$0x1] =	stream.indirect_vreg.gather [hbm4b:s6+s3], $0x80, v3, vm0, $0xb8;
	[tilespmem:$0x19000] =	vst v63  }
0x3c7: {  	_ =	swait.ge [sflag:s11], $0x6000  }
0x3c8: {  	[sflag:s11] =	ssyncset.done $0x0  }
0x3c9: {  	s17 =	rddreg [dreg:$0x15];
	[sflag:s11] =	ssyncadd.s32 $0xFFFFA000  }
0x3ca: {  	[hbm4b:s17+s3] =	stream.linear.scatter [tilespmem:s20], [sflag:$0x6], $0x6000, $0x38;
	[tilespmem:$0x19000] =	vst v63  }
0x3cb: {  	_ =	swait.ge [sflag:s12], $0x6000  }
0x3cc: {  	[sflag:s12] =	ssyncset.done $0x0  }
0x3cd: {  	[sflag:s12] =	ssyncadd.s32 $0xFFFFA000  }
0x3ce: {  	v3 =	vld [tilespmem:$0xA80];
	_ =	sdelay $0x4  }
0x3cf: {  	v42 =	vshrl.u32 v3, $0x3  }
0x3d0: {  	v4 =	vmul.u32 $0x30, v42  }
0x3d1: {  	v3 =	vand.u32 $0x7, v3  }
0x3d2: {  	v3 =	vor.u32 v3, v4  }
0x3d3: {  	v4 =	vperm.xlane v3, v0;
	_ =	sdelay $0x1  }
0x3d4: {  	v4 =	vadd.s32 v1, v4;
	_ =	sdelay $0x3  }
0x3d5: {  	v3 =	vperm.xlane v3, v2  }
0x3d6: {  	[tilespmem:s20], [sflag:$0x2] =	stream.indirect_vreg.gather [hbm4b:s2+s3], $0x80, v4, vm0, $0xb8;
	[tilespmem:$0x19000] =	vst v63  }
0x3d7: {  	s17 =	simm.s32 $0x7800;
	v3 =	vadd.s32 v1, v3  }
0x3d8: {  	[tilespmem:s17], [sflag:$0x2] =	stream.indirect_vreg.gather [hbm4b:s5+s3], $0x80, v4, vm0, $0xb8;
	[tilespmem:$0x19000] =	vst v63  }
0x3d9: {  	s17 =	simm.s32 $0x8000  }
0x3da: {  	[tilespmem:s17], [sflag:$0x2] =	stream.indirect_vreg.gather [hbm4b:s6+s3], $0x80, v4, vm0, $0xb8;
	[tilespmem:$0x19000] =	vst v63  }
0x3db: {  	s17 =	simm.s32 $0x8800  }
0x3dc: {  	[tilespmem:s17], [sflag:$0x2] =	stream.indirect_vreg.gather [hbm4b:s2+s3], $0x80, v3, vm0, $0xb8;
	[tilespmem:$0x19000] =	vst v63  }
0x3dd: {  	s17 =	simm.s32 $0x9000  }
0x3de: {  	[tilespmem:s17], [sflag:$0x2] =	stream.indirect_vreg.gather [hbm4b:s5+s3], $0x80, v3, vm0, $0xb8;
	[tilespmem:$0x19000] =	vst v63  }
0x3df: {  	s17 =	simm.s32 $0x9800  }
0x3e0: {  	[tilespmem:s17], [sflag:$0x2] =	stream.indirect_vreg.gather [hbm4b:s6+s3], $0x80, v3, vm0, $0xb8;
	[tilespmem:$0x19000] =	vst v63  }
0x3e1: {  	v3 =	vld [tilespmem:$0xA90];
	_ =	sdelay $0x4  }
0x3e2: {  	v43 =	vshrl.u32 v3, $0x3  }
0x3e3: {  	v4 =	vmul.u32 $0x30, v43  }
0x3e4: {  	v3 =	vand.u32 $0x7, v3  }
0x3e5: {  	v3 =	vor.u32 v3, v4  }
0x3e6: {  	v4 =	vperm.xlane v3, v0;
	_ =	sdelay $0x1  }
0x3e7: {  	v4 =	vadd.s32 v1, v4;
	_ =	sdelay $0x3  }
0x3e8: {  	s17 =	simm.s32 $0xA000;
	v3 =	vperm.xlane v3, v2  }
0x3e9: {  	[tilespmem:s17], [sflag:$0x2] =	stream.indirect_vreg.gather [hbm4b:s2+s3], $0x80, v4, vm0, $0xb8;
	[tilespmem:$0x19000] =	vst v63  }
0x3ea: {  	v3 =	vadd.s32 v1, v3;
	s17 =	simm.s32 $0xA800  }
0x3eb: {  	[tilespmem:s17], [sflag:$0x2] =	stream.indirect_vreg.gather [hbm4b:s5+s3], $0x80, v4, vm0, $0xb8;
	[tilespmem:$0x19000] =	vst v63  }
0x3ec: {  	s17 =	simm.s32 $0xB000  }
0x3ed: {  	[tilespmem:s17], [sflag:$0x2] =	stream.indirect_vreg.gather [hbm4b:s6+s3], $0x80, v4, vm0, $0xb8;
	[tilespmem:$0x19000] =	vst v63  }
0x3ee: {  	s17 =	simm.s32 $0xB800  }
0x3ef: {  	[tilespmem:s17], [sflag:$0x2] =	stream.indirect_vreg.gather [hbm4b:s2+s3], $0x80, v3, vm0, $0xb8;
	[tilespmem:$0x19000] =	vst v63  }
0x3f0: {  	s24 =	simm.s32 $0xC000  }
0x3f1: {  	[tilespmem:s24], [sflag:$0x2] =	stream.indirect_vreg.gather [hbm4b:s5+s3], $0x80, v3, vm0, $0xb8;
	[tilespmem:$0x19000] =	vst v63  }
0x3f2: {  	s25 =	simm.s32 $0xC800  }
0x3f3: {  	[tilespmem:s25], [sflag:$0x2] =	stream.indirect_vreg.gather [hbm4b:s6+s3], $0x80, v3, vm0, $0xb8;
	[tilespmem:$0x19000] =	vst v63  }
0x3f4: {  	_ =	swait.ge [sflag:s13], $0x6000  }
0x3f5: {  	[sflag:s13] =	ssyncset.done $0x0  }
0x3f6: {  	s25 =	rddreg [dreg:$0x16];
	[sflag:s13] =	ssyncadd.s32 $0xFFFFA000  }
0x3f7: {  	[hbm4b:s25+s3] =	stream.linear.scatter [tilespmem:s4], [sflag:$0x7], $0x6000, $0x38;
	[tilespmem:$0x19000] =	vst v63  }
0x3f8: {  	_ =	swait.ge [sflag:s14], $0x6000  }
0x3f9: {  	[sflag:s14] =	ssyncset.done $0x0  }
0x3fa: {  	[sflag:s14] =	ssyncadd.s32 $0xFFFFA000  }
0x3fb: {  	v3 =	vld [tilespmem:$0xB00];
	_ =	sdelay $0x4  }
0x3fc: {  	v44 =	vshrl.u32 v3, $0x3  }
0x3fd: {  	v4 =	vmul.u32 $0x30, v44  }
0x3fe: {  	v3 =	vand.u32 $0x7, v3  }
0x3ff: {  	v3 =	vor.u32 v3, v4  }
0x400: {  	v4 =	vperm.xlane v3, v0;
	_ =	sdelay $0x1  }
0x401: {  	v4 =	vadd.s32 v1, v4;
	_ =	sdelay $0x3  }
0x402: {  	v3 =	vperm.xlane v3, v2  }
0x403: {  	[tilespmem:s4], [sflag:$0x3] =	stream.indirect_vreg.gather [hbm4b:s2+s3], $0x80, v4, vm0, $0xb8;
	[tilespmem:$0x19000] =	vst v63  }
0x404: {  	s28 =	simm.s32 $0xD800;
	v3 =	vadd.s32 v1, v3  }
0x405: {  	[tilespmem:s28], [sflag:$0x3] =	stream.indirect_vreg.gather [hbm4b:s5+s3], $0x80, v4, vm0, $0xb8;
	[tilespmem:$0x19000] =	vst v63  }
0x406: {  	s29 =	simm.s32 $0xE000  }
0x407: {  	[tilespmem:s29], [sflag:$0x3] =	stream.indirect_vreg.gather [hbm4b:s6+s3], $0x80, v4, vm0, $0xb8;
	[tilespmem:$0x19000] =	vst v63  }
0x408: {  	s30 =	simm.s32 $0xE800  }
0x409: {  	[tilespmem:s30], [sflag:$0x3] =	stream.indirect_vreg.gather [hbm4b:s2+s3], $0x80, v3, vm0, $0xb8;
	[tilespmem:$0x19000] =	vst v63  }
0x40a: {  	s31 =	simm.s32 $0xF000  }
0x40b: {  	[tilespmem:s31], [sflag:$0x3] =	stream.indirect_vreg.gather [hbm4b:s5+s3], $0x80, v3, vm0, $0xb8;
	[tilespmem:$0x19000] =	vst v63  }
0x40c: {  	s31 =	simm.s32 $0xF800  }
0x40d: {  	[tilespmem:s31], [sflag:$0x3] =	stream.indirect_vreg.gather [hbm4b:s6+s3], $0x80, v3, vm0, $0xb8;
	[tilespmem:$0x19000] =	vst v63  }
0x40e: {  	v3 =	vld [tilespmem:$0xB10];
	_ =	sdelay $0x4  }
0x40f: {  	v45 =	vshrl.u32 v3, $0x3  }
0x410: {  	v4 =	vmul.u32 $0x30, v45  }
0x411: {  	v3 =	vand.u32 $0x7, v3  }
0x412: {  	v3 =	vor.u32 v3, v4  }
0x413: {  	v4 =	vperm.xlane v3, v0;
	_ =	sdelay $0x1  }
0x414: {  	v4 =	vadd.s32 v1, v4;
	_ =	sdelay $0x3  }
0x415: {  	s24 =	simm.s32 $0x10000;
	v3 =	vperm.xlane v3, v2  }
0x416: {  	[tilespmem:s24], [sflag:$0x3] =	stream.indirect_vreg.gather [hbm4b:s2+s3], $0x80, v4, vm0, $0xb8;
	[tilespmem:$0x19000] =	vst v63  }
0x417: {  	s23 =	simm.s32 $0x10800;
	v3 =	vadd.s32 v1, v3  }
0x418: {  	[tilespmem:s23], [sflag:$0x3] =	stream.indirect_vreg.gather [hbm4b:s5+s3], $0x80, v4, vm0, $0xb8;
	[tilespmem:$0x19000] =	vst v63  }
0x419: {  	s25 =	simm.s32 $0x11000  }
0x41a: {  	[tilespmem:s25], [sflag:$0x3] =	stream.indirect_vreg.gather [hbm4b:s6+s3], $0x80, v4, vm0, $0xb8;
	[tilespmem:$0x19000] =	vst v63  }
0x41b: {  	s19 =	simm.s32 $0x11800  }
0x41c: {  	[tilespmem:s19], [sflag:$0x3] =	stream.indirect_vreg.gather [hbm4b:s2+s3], $0x80, v3, vm0, $0xb8;
	[tilespmem:$0x19000] =	vst v63  }
0x41d: {  	s1 =	simm.s32 $0x12000  }
0x41e: {  	[tilespmem:s1], [sflag:$0x3] =	stream.indirect_vreg.gather [hbm4b:s5+s3], $0x80, v3, vm0, $0xb8;
	[tilespmem:$0x19000] =	vst v63  }
0x41f: {  	s28 =	simm.s32 $0x12800  }
0x420: {  	[tilespmem:s28], [sflag:$0x3] =	stream.indirect_vreg.gather [hbm4b:s6+s3], $0x80, v3, vm0, $0xb8;
	[tilespmem:$0x19000] =	vst v63  }
0x421: {  	_ =	swait.ge [sflag:s15], $0x6000  }
0x422: {  	[sflag:s15] =	ssyncset.done $0x0  }
0x423: {  	s29 =	rddreg [dreg:$0x17];
	[sflag:s15] =	ssyncadd.s32 $0xFFFFA000  }
0x424: {  	[hbm4b:s29+s3] =	stream.linear.scatter [tilespmem:s22], [sflag:$0x8], $0x6000, $0x38;
	[tilespmem:$0x19000] =	vst v63  }
0x425: {  	_ =	swait.ge [sflag:s16], $0x6000  }
0x426: {  	[sflag:s16] =	ssyncset.done $0x0  }
0x427: {  	[sflag:s16] =	ssyncadd.s32 $0xFFFFA000  }
0x428: {  	v3 =	vld [tilespmem:$0xB80];
	_ =	sdelay $0x4  }
0x429: {  	v46 =	vshrl.u32 v3, $0x3  }
0x42a: {  	v4 =	vmul.u32 $0x30, v46  }
0x42b: {  	v3 =	vand.u32 $0x7, v3  }
0x42c: {  	v3 =	vor.u32 v3, v4  }
0x42d: {  	v4 =	vperm.xlane v3, v0;
	_ =	sdelay $0x1  }
0x42e: {  	v4 =	vadd.s32 v1, v4;
	_ =	sdelay $0x3  }
0x42f: {  	v3 =	vperm.xlane v3, v2  }
0x430: {  	[tilespmem:s22], [sflag:$0x4] =	stream.indirect_vreg.gather [hbm4b:s2+s3], $0x80, v4, vm0, $0xb8;
	[tilespmem:$0x19000] =	vst v63  }
0x431: {  	s7 =	simm.s32 $0x13800;
	v3 =	vadd.s32 v1, v3  }
0x432: {  	[tilespmem:s7], [sflag:$0x4] =	stream.indirect_vreg.gather [hbm4b:s5+s3], $0x80, v4, vm0, $0xb8;
	[tilespmem:$0x19000] =	vst v63  }
0x433: {  	s9 =	simm.s32 $0x14000  }
0x434: {  	[tilespmem:s9], [sflag:$0x4] =	stream.indirect_vreg.gather [hbm4b:s6+s3], $0x80, v4, vm0, $0xb8;
	[tilespmem:$0x19000] =	vst v63  }
0x435: {  	s18 =	simm.s32 $0x14800  }
0x436: {  	[tilespmem:s18], [sflag:$0x4] =	stream.indirect_vreg.gather [hbm4b:s2+s3], $0x80, v3, vm0, $0xb8;
	[tilespmem:$0x19000] =	vst v63  }
0x437: {  	s21 =	simm.s32 $0x15000  }
0x438: {  	[tilespmem:s21], [sflag:$0x4] =	stream.indirect_vreg.gather [hbm4b:s5+s3], $0x80, v3, vm0, $0xb8;
	[tilespmem:$0x19000] =	vst v63  }
0x439: {  	s30 =	simm.s32 $0x15800  }
0x43a: {  	[tilespmem:s30], [sflag:$0x4] =	stream.indirect_vreg.gather [hbm4b:s6+s3], $0x80, v3, vm0, $0xb8;
	[tilespmem:$0x19000] =	vst v63  }
0x43b: {  	v3 =	vld [tilespmem:$0xB90];
	_ =	sdelay $0x4  }
0x43c: {  	v47 =	vshrl.u32 v3, $0x3  }
0x43d: {  	v4 =	vmul.u32 $0x30, v47  }
0x43e: {  	v3 =	vand.u32 $0x7, v3  }
0x43f: {  	v3 =	vor.u32 v3, v4  }
0x440: {  	v4 =	vperm.xlane v3, v0;
	_ =	sdelay $0x1  }
0x441: {  	v4 =	vadd.s32 v1, v4;
	_ =	sdelay $0x3  }
0x442: {  	s31 =	simm.s32 $0x16000;
	v3 =	vperm.xlane v3, v2  }
0x443: {  	[tilespmem:s31], [sflag:$0x4] =	stream.indirect_vreg.gather [hbm4b:s2+s3], $0x80, v4, vm0, $0xb8;
	[tilespmem:$0x19000] =	vst v63  }
0x444: {  	s9 =	simm.s32 $0x16800;
	v3 =	vadd.s32 v1, v3  }
0x445: {  	[tilespmem:s9], [sflag:$0x4] =	stream.indirect_vreg.gather [hbm4b:s5+s3], $0x80, v4, vm0, $0xb8;
	[tilespmem:$0x19000] =	vst v63  }
0x446: {  	s17 =	simm.s32 $0x17000  }
0x447: {  	[tilespmem:s17], [sflag:$0x4] =	stream.indirect_vreg.gather [hbm4b:s6+s3], $0x80, v4, vm0, $0xb8;
	[tilespmem:$0x19000] =	vst v63  }
0x448: {  	s18 =	simm.s32 $0x17800  }
0x449: {  	[tilespmem:s18], [sflag:$0x4] =	stream.indirect_vreg.gather [hbm4b:s2+s3], $0x80, v3, vm0, $0xb8;
	[tilespmem:$0x19000] =	vst v63  }
0x44a: {  	s19 =	simm.s32 $0x18000  }
0x44b: {  	[tilespmem:s19], [sflag:$0x4] =	stream.indirect_vreg.gather [hbm4b:s5+s3], $0x80, v3, vm0, $0xb8;
	[tilespmem:$0x19000] =	vst v63  }
0x44c: {  	s21 =	simm.s32 $0x18800  }
0x44d: {  	[tilespmem:s21], [sflag:$0x4] =	stream.indirect_vreg.gather [hbm4b:s6+s3], $0x80, v3, vm0, $0xb8;
	[tilespmem:$0x19000] =	vst v63  }
0x44e: {  	_ =	swait.ge [sflag:s8], $0x6000  }
0x44f: {  	[sflag:s8] =	ssyncset.done $0x0  }
0x450: {  	s28 =	rddreg [dreg:$0x18];
	[sflag:s8] =	ssyncadd.s32 $0xFFFFA000  }
0x451: {  	[hbm4b:s28+s3] =	stream.linear.scatter [tilespmem:s0], [sflag:$0x5], $0x6000, $0x38;
	[tilespmem:$0x19000] =	vst v63  }
0x452: {  	_ =	swait.ge [sflag:s10], $0x6000  }
0x453: {  	[sflag:s10] =	ssyncset.done $0x0  }
0x454: {  	[sflag:s10] =	ssyncadd.s32 $0xFFFFA000  }
0x455: {  	v3 =	vld [tilespmem:$0xC00];
	_ =	sdelay $0x4  }
0x456: {  	v48 =	vshrl.u32 v3, $0x3  }
0x457: {  	v4 =	vmul.u32 $0x30, v48  }
0x458: {  	v3 =	vand.u32 $0x7, v3  }
0x459: {  	v3 =	vor.u32 v3, v4  }
0x45a: {  	v4 =	vperm.xlane v3, v0;
	_ =	sdelay $0x1  }
0x45b: {  	v4 =	vadd.s32 v1, v4;
	_ =	sdelay $0x3  }
0x45c: {  	v3 =	vperm.xlane v3, v2  }
0x45d: {  	[tilespmem:s0], [sflag:$0x1] =	stream.indirect_vreg.gather [hbm4b:s2+s3], $0x80, v4, vm0, $0xb8;
	[tilespmem:$0x19000] =	vst v63  }
0x45e: {  	s29 =	simm.s32 $0x1800;
	v3 =	vadd.s32 v1, v3  }
0x45f: {  	[tilespmem:s29], [sflag:$0x1] =	stream.indirect_vreg.gather [hbm4b:s5+s3], $0x80, v4, vm0, $0xb8;
	[tilespmem:$0x19000] =	vst v63  }
0x460: {  	s30 =	simm.s32 $0x2000  }
0x461: {  	[tilespmem:s30], [sflag:$0x1] =	stream.indirect_vreg.gather [hbm4b:s6+s3], $0x80, v4, vm0, $0xb8;
	[tilespmem:$0x19000] =	vst v63  }
0x462: {  	s31 =	simm.s32 $0x2800  }
0x463: {  	[tilespmem:s31], [sflag:$0x1] =	stream.indirect_vreg.gather [hbm4b:s2+s3], $0x80, v3, vm0, $0xb8;
	[tilespmem:$0x19000] =	vst v63  }
0x464: {  	s7 =	simm.s32 $0x3000  }
0x465: {  	[tilespmem:s7], [sflag:$0x1] =	stream.indirect_vreg.gather [hbm4b:s5+s3], $0x80, v3, vm0, $0xb8;
	[tilespmem:$0x19000] =	vst v63  }
0x466: {  	s9 =	simm.s32 $0x3800  }
0x467: {  	[tilespmem:s9], [sflag:$0x1] =	stream.indirect_vreg.gather [hbm4b:s6+s3], $0x80, v3, vm0, $0xb8;
	[tilespmem:$0x19000] =	vst v63  }
0x468: {  	v3 =	vld [tilespmem:$0xC10];
	_ =	sdelay $0x4  }
0x469: {  	v49 =	vshrl.u32 v3, $0x3  }
0x46a: {  	v4 =	vmul.u32 $0x30, v49  }
0x46b: {  	v3 =	vand.u32 $0x7, v3  }
0x46c: {  	v3 =	vor.u32 v3, v4  }
0x46d: {  	v4 =	vperm.xlane v3, v0;
	_ =	sdelay $0x1  }
0x46e: {  	v4 =	vadd.s32 v1, v4;
	_ =	sdelay $0x3  }
0x46f: {  	s17 =	simm.s32 $0x4000;
	v3 =	vperm.xlane v3, v2  }
0x470: {  	[tilespmem:s17], [sflag:$0x1] =	stream.indirect_vreg.gather [hbm4b:s2+s3], $0x80, v4, vm0, $0xb8;
	[tilespmem:$0x19000] =	vst v63  }
0x471: {  	s19 =	simm.s32 $0x4800;
	v3 =	vadd.s32 v1, v3  }
0x472: {  	[tilespmem:s19], [sflag:$0x1] =	stream.indirect_vreg.gather [hbm4b:s5+s3], $0x80, v4, vm0, $0xb8;
	[tilespmem:$0x19000] =	vst v63  }
0x473: {  	s21 =	simm.s32 $0x5000  }
0x474: {  	[tilespmem:s21], [sflag:$0x1] =	stream.indirect_vreg.gather [hbm4b:s6+s3], $0x80, v4, vm0, $0xb8;
	[tilespmem:$0x19000] =	vst v63  }
0x475: {  	s28 =	simm.s32 $0x5800  }
0x476: {  	[tilespmem:s28], [sflag:$0x1] =	stream.indirect_vreg.gather [hbm4b:s2+s3], $0x80, v3, vm0, $0xb8;
	[tilespmem:$0x19000] =	vst v63  }
0x477: {  	s26 =	simm.s32 $0x6000  }
0x478: {  	[tilespmem:s26], [sflag:$0x1] =	stream.indirect_vreg.gather [hbm4b:s5+s3], $0x80, v3, vm0, $0xb8;
	[tilespmem:$0x19000] =	vst v63  }
0x479: {  	s29 =	simm.s32 $0x6800  }
0x47a: {  	[tilespmem:s29], [sflag:$0x1] =	stream.indirect_vreg.gather [hbm4b:s6+s3], $0x80, v3, vm0, $0xb8;
	[tilespmem:$0x19000] =	vst v63  }
0x47b: {  	_ =	swait.ge [sflag:s11], $0x6000  }
0x47c: {  	[sflag:s11] =	ssyncset.done $0x0  }
0x47d: {  	s30 =	rddreg [dreg:$0x19];
	[sflag:s11] =	ssyncadd.s32 $0xFFFFA000  }
0x47e: {  	[hbm4b:s30+s3] =	stream.linear.scatter [tilespmem:s20], [sflag:$0x6], $0x6000, $0x38;
	[tilespmem:$0x19000] =	vst v63  }
0x47f: {  	_ =	swait.ge [sflag:s12], $0x6000  }
0x480: {  	[sflag:s12] =	ssyncset.done $0x0  }
0x481: {  	[sflag:s12] =	ssyncadd.s32 $0xFFFFA000  }
0x482: {  	v3 =	vld [tilespmem:$0xC80];
	_ =	sdelay $0x4  }
0x483: {  	v50 =	vshrl.u32 v3, $0x3  }
0x484: {  	v4 =	vmul.u32 $0x30, v50  }
0x485: {  	v3 =	vand.u32 $0x7, v3  }
0x486: {  	v3 =	vor.u32 v3, v4  }
0x487: {  	v4 =	vperm.xlane v3, v0;
	_ =	sdelay $0x1  }
0x488: {  	v4 =	vadd.s32 v1, v4;
	_ =	sdelay $0x3  }
0x489: {  	v3 =	vperm.xlane v3, v2  }
0x48a: {  	[tilespmem:s20], [sflag:$0x2] =	stream.indirect_vreg.gather [hbm4b:s2+s3], $0x80, v4, vm0, $0xb8;
	[tilespmem:$0x19000] =	vst v63  }
0x48b: {  	s31 =	simm.s32 $0x7800;
	v3 =	vadd.s32 v1, v3  }
0x48c: {  	[tilespmem:s31], [sflag:$0x2] =	stream.indirect_vreg.gather [hbm4b:s5+s3], $0x80, v4, vm0, $0xb8;
	[tilespmem:$0x19000] =	vst v63  }
0x48d: {  	s17 =	simm.s32 $0x8000  }
0x48e: {  	[tilespmem:s17], [sflag:$0x2] =	stream.indirect_vreg.gather [hbm4b:s6+s3], $0x80, v4, vm0, $0xb8;
	[tilespmem:$0x19000] =	vst v63  }
0x48f: {  	s19 =	simm.s32 $0x8800  }
0x490: {  	[tilespmem:s19], [sflag:$0x2] =	stream.indirect_vreg.gather [hbm4b:s2+s3], $0x80, v3, vm0, $0xb8;
	[tilespmem:$0x19000] =	vst v63  }
0x491: {  	s20 =	simm.s32 $0x9000  }
0x492: {  	[tilespmem:s20], [sflag:$0x2] =	stream.indirect_vreg.gather [hbm4b:s5+s3], $0x80, v3, vm0, $0xb8;
	[tilespmem:$0x19000] =	vst v63  }
0x493: {  	s21 =	simm.s32 $0x9800  }
0x494: {  	[tilespmem:s21], [sflag:$0x2] =	stream.indirect_vreg.gather [hbm4b:s6+s3], $0x80, v3, vm0, $0xb8;
	[tilespmem:$0x19000] =	vst v63  }
0x495: {  	v3 =	vld [tilespmem:$0xC90];
	_ =	sdelay $0x4  }
0x496: {  	v51 =	vshrl.u32 v3, $0x3  }
0x497: {  	v4 =	vmul.u32 $0x30, v51  }
0x498: {  	v3 =	vand.u32 $0x7, v3  }
0x499: {  	v3 =	vor.u32 v3, v4  }
0x49a: {  	v4 =	vperm.xlane v3, v0;
	_ =	sdelay $0x1  }
0x49b: {  	v4 =	vadd.s32 v1, v4;
	_ =	sdelay $0x3  }
0x49c: {  	s26 =	simm.s32 $0xA000;
	v3 =	vperm.xlane v3, v2  }
0x49d: {  	[tilespmem:s26], [sflag:$0x2] =	stream.indirect_vreg.gather [hbm4b:s2+s3], $0x80, v4, vm0, $0xb8;
	[tilespmem:$0x19000] =	vst v63  }
0x49e: {  	s28 =	simm.s32 $0xA800;
	v3 =	vadd.s32 v1, v3  }
0x49f: {  	[tilespmem:s28], [sflag:$0x2] =	stream.indirect_vreg.gather [hbm4b:s5+s3], $0x80, v4, vm0, $0xb8;
	[tilespmem:$0x19000] =	vst v63  }
0x4a0: {  	s29 =	simm.s32 $0xB000  }
0x4a1: {  	[tilespmem:s29], [sflag:$0x2] =	stream.indirect_vreg.gather [hbm4b:s6+s3], $0x80, v4, vm0, $0xb8;
	[tilespmem:$0x19000] =	vst v63  }
0x4a2: {  	s30 =	simm.s32 $0xB800  }
0x4a3: {  	[tilespmem:s30], [sflag:$0x2] =	stream.indirect_vreg.gather [hbm4b:s2+s3], $0x80, v3, vm0, $0xb8;
	[tilespmem:$0x19000] =	vst v63  }
0x4a4: {  	s31 =	simm.s32 $0xC000  }
0x4a5: {  	[tilespmem:s31], [sflag:$0x2] =	stream.indirect_vreg.gather [hbm4b:s5+s3], $0x80, v3, vm0, $0xb8;
	[tilespmem:$0x19000] =	vst v63  }
0x4a6: {  	s19 =	simm.s32 $0xC800  }
0x4a7: {  	[tilespmem:s19], [sflag:$0x2] =	stream.indirect_vreg.gather [hbm4b:s6+s3], $0x80, v3, vm0, $0xb8;
	[tilespmem:$0x19000] =	vst v63  }
0x4a8: {  	_ =	swait.ge [sflag:s13], $0x6000  }
0x4a9: {  	[sflag:s13] =	ssyncset.done $0x0  }
0x4aa: {  	s20 =	rddreg [dreg:$0x1a];
	[sflag:s13] =	ssyncadd.s32 $0xFFFFA000  }
0x4ab: {  	[hbm4b:s20+s3] =	stream.linear.scatter [tilespmem:s4], [sflag:$0x7], $0x6000, $0x38;
	[tilespmem:$0x19000] =	vst v63  }
0x4ac: {  	_ =	swait.ge [sflag:s14], $0x6000  }
0x4ad: {  	[sflag:s14] =	ssyncset.done $0x0  }
0x4ae: {  	[sflag:s14] =	ssyncadd.s32 $0xFFFFA000  }
0x4af: {  	v3 =	vld [tilespmem:$0xD00];
	_ =	sdelay $0x4  }
0x4b0: {  	v52 =	vshrl.u32 v3, $0x3  }
0x4b1: {  	v4 =	vmul.u32 $0x30, v52  }
0x4b2: {  	v3 =	vand.u32 $0x7, v3  }
0x4b3: {  	v3 =	vor.u32 v3, v4  }
0x4b4: {  	v4 =	vperm.xlane v3, v0;
	_ =	sdelay $0x1  }
0x4b5: {  	v4 =	vadd.s32 v1, v4;
	_ =	sdelay $0x3  }
0x4b6: {  	v3 =	vperm.xlane v3, v2  }
0x4b7: {  	[tilespmem:s4], [sflag:$0x3] =	stream.indirect_vreg.gather [hbm4b:s2+s3], $0x80, v4, vm0, $0xb8;
	[tilespmem:$0x19000] =	vst v63  }
0x4b8: {  	s29 =	simm.s32 $0xD800;
	v3 =	vadd.s32 v1, v3  }
0x4b9: {  	[tilespmem:s29], [sflag:$0x3] =	stream.indirect_vreg.gather [hbm4b:s5+s3], $0x80, v4, vm0, $0xb8;
	[tilespmem:$0x19000] =	vst v63  }
0x4ba: {  	s30 =	simm.s32 $0xE000  }
0x4bb: {  	[tilespmem:s30], [sflag:$0x3] =	stream.indirect_vreg.gather [hbm4b:s6+s3], $0x80, v4, vm0, $0xb8;
	[tilespmem:$0x19000] =	vst v63  }
0x4bc: {  	s31 =	simm.s32 $0xE800  }
0x4bd: {  	[tilespmem:s31], [sflag:$0x3] =	stream.indirect_vreg.gather [hbm4b:s2+s3], $0x80, v3, vm0, $0xb8;
	[tilespmem:$0x19000] =	vst v63  }
0x4be: {  	s17 =	simm.s32 $0xF000  }
0x4bf: {  	[tilespmem:s17], [sflag:$0x3] =	stream.indirect_vreg.gather [hbm4b:s5+s3], $0x80, v3, vm0, $0xb8;
	[tilespmem:$0x19000] =	vst v63  }
0x4c0: {  	s19 =	simm.s32 $0xF800  }
0x4c1: {  	[tilespmem:s19], [sflag:$0x3] =	stream.indirect_vreg.gather [hbm4b:s6+s3], $0x80, v3, vm0, $0xb8;
	[tilespmem:$0x19000] =	vst v63  }
0x4c2: {  	v3 =	vld [tilespmem:$0xD10];
	_ =	sdelay $0x4  }
0x4c3: {  	v53 =	vshrl.u32 v3, $0x3  }
0x4c4: {  	v4 =	vmul.u32 $0x30, v53  }
0x4c5: {  	v3 =	vand.u32 $0x7, v3  }
0x4c6: {  	v3 =	vor.u32 v3, v4  }
0x4c7: {  	v4 =	vperm.xlane v3, v0;
	_ =	sdelay $0x1  }
0x4c8: {  	v4 =	vadd.s32 v1, v4;
	_ =	sdelay $0x3  }
0x4c9: {  	s20 =	simm.s32 $0x10000;
	v3 =	vperm.xlane v3, v2  }
0x4ca: {  	[tilespmem:s20], [sflag:$0x3] =	stream.indirect_vreg.gather [hbm4b:s2+s3], $0x80, v4, vm0, $0xb8;
	[tilespmem:$0x19000] =	vst v63  }
0x4cb: {  	s23 =	simm.s32 $0x10800;
	v3 =	vadd.s32 v1, v3  }
0x4cc: {  	[tilespmem:s23], [sflag:$0x3] =	stream.indirect_vreg.gather [hbm4b:s5+s3], $0x80, v4, vm0, $0xb8;
	[tilespmem:$0x19000] =	vst v63  }
0x4cd: {  	s24 =	simm.s32 $0x11000  }
0x4ce: {  	[tilespmem:s24], [sflag:$0x3] =	stream.indirect_vreg.gather [hbm4b:s6+s3], $0x80, v4, vm0, $0xb8;
	[tilespmem:$0x19000] =	vst v63  }
0x4cf: {  	s25 =	simm.s32 $0x11800  }
0x4d0: {  	[tilespmem:s25], [sflag:$0x3] =	stream.indirect_vreg.gather [hbm4b:s2+s3], $0x80, v3, vm0, $0xb8;
	[tilespmem:$0x19000] =	vst v63  }
0x4d1: {  	s1 =	simm.s32 $0x12000  }
0x4d2: {  	[tilespmem:s1], [sflag:$0x3] =	stream.indirect_vreg.gather [hbm4b:s5+s3], $0x80, v3, vm0, $0xb8;
	[tilespmem:$0x19000] =	vst v63  }
0x4d3: {  	s25 =	simm.s32 $0x12800  }
0x4d4: {  	[tilespmem:s25], [sflag:$0x3] =	stream.indirect_vreg.gather [hbm4b:s6+s3], $0x80, v3, vm0, $0xb8;
	[tilespmem:$0x19000] =	vst v63  }
0x4d5: {  	_ =	swait.ge [sflag:s15], $0x6000  }
0x4d6: {  	[sflag:s15] =	ssyncset.done $0x0  }
0x4d7: {  	s4 =	rddreg [dreg:$0x1b];
	[sflag:s15] =	ssyncadd.s32 $0xFFFFA000  }
0x4d8: {  	[hbm4b:s4+s3] =	stream.linear.scatter [tilespmem:s22], [sflag:$0x8], $0x6000, $0x38;
	[tilespmem:$0x19000] =	vst v63  }
0x4d9: {  	_ =	swait.ge [sflag:s16], $0x6000  }
0x4da: {  	[sflag:s16] =	ssyncset.done $0x0  }
0x4db: {  	[sflag:s16] =	ssyncadd.s32 $0xFFFFA000  }
0x4dc: {  	v3 =	vld [tilespmem:$0xD80];
	_ =	sdelay $0x4  }
0x4dd: {  	v54 =	vshrl.u32 v3, $0x3  }
0x4de: {  	v4 =	vmul.u32 $0x30, v54  }
0x4df: {  	v3 =	vand.u32 $0x7, v3  }
0x4e0: {  	v3 =	vor.u32 v3, v4  }
0x4e1: {  	v4 =	vperm.xlane v3, v0;
	_ =	sdelay $0x1  }
0x4e2: {  	v4 =	vadd.s32 v1, v4;
	_ =	sdelay $0x3  }
0x4e3: {  	v3 =	vperm.xlane v3, v2  }
0x4e4: {  	[tilespmem:s22], [sflag:$0x4] =	stream.indirect_vreg.gather [hbm4b:s2+s3], $0x80, v4, vm0, $0xb8;
	[tilespmem:$0x19000] =	vst v63  }
0x4e5: {  	s17 =	simm.s32 $0x13800;
	v3 =	vadd.s32 v1, v3  }
0x4e6: {  	[tilespmem:s17], [sflag:$0x4] =	stream.indirect_vreg.gather [hbm4b:s5+s3], $0x80, v4, vm0, $0xb8;
	[tilespmem:$0x19000] =	vst v63  }
0x4e7: {  	s25 =	simm.s32 $0x14000  }
0x4e8: {  	[tilespmem:s25], [sflag:$0x4] =	stream.indirect_vreg.gather [hbm4b:s6+s3], $0x80, v4, vm0, $0xb8;
	[tilespmem:$0x19000] =	vst v63  }
0x4e9: {  	s17 =	simm.s32 $0x14800  }
0x4ea: {  	[tilespmem:s17], [sflag:$0x4] =	stream.indirect_vreg.gather [hbm4b:s2+s3], $0x80, v3, vm0, $0xb8;
	[tilespmem:$0x19000] =	vst v63  }
0x4eb: {  	s17 =	simm.s32 $0x15000  }
0x4ec: {  	[tilespmem:s17], [sflag:$0x4] =	stream.indirect_vreg.gather [hbm4b:s5+s3], $0x80, v3, vm0, $0xb8;
	[tilespmem:$0x19000] =	vst v63  }
0x4ed: {  	s17 =	simm.s32 $0x15800  }
0x4ee: {  	[tilespmem:s17], [sflag:$0x4] =	stream.indirect_vreg.gather [hbm4b:s6+s3], $0x80, v3, vm0, $0xb8;
	[tilespmem:$0x19000] =	vst v63  }
0x4ef: {  	v3 =	vld [tilespmem:$0xD90];
	_ =	sdelay $0x4  }
0x4f0: {  	v55 =	vshrl.u32 v3, $0x3  }
0x4f1: {  	v4 =	vmul.u32 $0x30, v55  }
0x4f2: {  	v3 =	vand.u32 $0x7, v3  }
0x4f3: {  	v3 =	vor.u32 v3, v4  }
0x4f4: {  	v4 =	vperm.xlane v3, v0;
	_ =	sdelay $0x1  }
0x4f5: {  	v4 =	vadd.s32 v1, v4;
	_ =	sdelay $0x3  }
0x4f6: {  	s17 =	simm.s32 $0x16000;
	v3 =	vperm.xlane v3, v2  }
0x4f7: {  	[tilespmem:s17], [sflag:$0x4] =	stream.indirect_vreg.gather [hbm4b:s2+s3], $0x80, v4, vm0, $0xb8;
	[tilespmem:$0x19000] =	vst v63  }
0x4f8: {  	v3 =	vadd.s32 v1, v3;
	s17 =	simm.s32 $0x16800  }
0x4f9: {  	[tilespmem:s17], [sflag:$0x4] =	stream.indirect_vreg.gather [hbm4b:s5+s3], $0x80, v4, vm0, $0xb8;
	[tilespmem:$0x19000] =	vst v63  }
0x4fa: {  	s17 =	simm.s32 $0x17000  }
0x4fb: {  	[tilespmem:s17], [sflag:$0x4] =	stream.indirect_vreg.gather [hbm4b:s6+s3], $0x80, v4, vm0, $0xb8;
	[tilespmem:$0x19000] =	vst v63  }
0x4fc: {  	s17 =	simm.s32 $0x17800  }
0x4fd: {  	[tilespmem:s17], [sflag:$0x4] =	stream.indirect_vreg.gather [hbm4b:s2+s3], $0x80, v3, vm0, $0xb8;
	[tilespmem:$0x19000] =	vst v63  }
0x4fe: {  	s17 =	simm.s32 $0x18000  }
0x4ff: {  	[tilespmem:s17], [sflag:$0x4] =	stream.indirect_vreg.gather [hbm4b:s5+s3], $0x80, v3, vm0, $0xb8;
	[tilespmem:$0x19000] =	vst v63  }
0x500: {  	s17 =	simm.s32 $0x18800  }
0x501: {  	[tilespmem:s17], [sflag:$0x4] =	stream.indirect_vreg.gather [hbm4b:s6+s3], $0x80, v3, vm0, $0xb8;
	[tilespmem:$0x19000] =	vst v63  }
0x502: {  	_ =	swait.ge [sflag:s8], $0x6000  }
0x503: {  	[sflag:s8] =	ssyncset.done $0x0  }
0x504: {  	s4 =	simm.s32 $0x1000;
	s17 =	rddreg [dreg:$0x1c];
	[sflag:s8] =	ssyncadd.s32 $0xFFFFA000  }
0x505: {  	[hbm4b:s17+s3] =	stream.linear.scatter [tilespmem:s4], [sflag:$0x5], $0x6000, $0x38;
	[tilespmem:$0x19000] =	vst v63  }
0x506: {  	_ =	swait.ge [sflag:s10], $0x6000  }
0x507: {  	[sflag:s10] =	ssyncset.done $0x0  }
0x508: {  	[sflag:s10] =	ssyncadd.s32 $0xFFFFA000  }
0x509: {  	v3 =	vld [tilespmem:$0xE00];
	_ =	sdelay $0x4  }
0x50a: {  	v56 =	vshrl.u32 v3, $0x3  }
0x50b: {  	v4 =	vmul.u32 $0x30, v56  }
0x50c: {  	v3 =	vand.u32 $0x7, v3  }
0x50d: {  	v3 =	vor.u32 v3, v4  }
0x50e: {  	v4 =	vperm.xlane v3, v0;
	_ =	sdelay $0x1  }
0x50f: {  	v4 =	vadd.s32 v1, v4;
	_ =	sdelay $0x3  }
0x510: {  	v3 =	vperm.xlane v3, v2  }
0x511: {  	[tilespmem:s4], [sflag:$0x1] =	stream.indirect_vreg.gather [hbm4b:s2+s3], $0x80, v4, vm0, $0xb8;
	[tilespmem:$0x19000] =	vst v63  }
0x512: {  	s17 =	simm.s32 $0x1800;
	v3 =	vadd.s32 v1, v3  }
0x513: {  	[tilespmem:s17], [sflag:$0x1] =	stream.indirect_vreg.gather [hbm4b:s5+s3], $0x80, v4, vm0, $0xb8;
	[tilespmem:$0x19000] =	vst v63  }
0x514: {  	s17 =	simm.s32 $0x2000  }
0x515: {  	[tilespmem:s17], [sflag:$0x1] =	stream.indirect_vreg.gather [hbm4b:s6+s3], $0x80, v4, vm0, $0xb8;
	[tilespmem:$0x19000] =	vst v63  }
0x516: {  	s17 =	simm.s32 $0x2800  }
0x517: {  	[tilespmem:s17], [sflag:$0x1] =	stream.indirect_vreg.gather [hbm4b:s2+s3], $0x80, v3, vm0, $0xb8;
	[tilespmem:$0x19000] =	vst v63  }
0x518: {  	s17 =	simm.s32 $0x3000  }
0x519: {  	[tilespmem:s17], [sflag:$0x1] =	stream.indirect_vreg.gather [hbm4b:s5+s3], $0x80, v3, vm0, $0xb8;
	[tilespmem:$0x19000] =	vst v63  }
0x51a: {  	s18 =	simm.s32 $0x3800  }
0x51b: {  	[tilespmem:s18], [sflag:$0x1] =	stream.indirect_vreg.gather [hbm4b:s6+s3], $0x80, v3, vm0, $0xb8;
	[tilespmem:$0x19000] =	vst v63  }
0x51c: {  	v3 =	vld [tilespmem:$0xE10];
	_ =	sdelay $0x4  }
0x51d: {  	v57 =	vshrl.u32 v3, $0x3  }
0x51e: {  	v4 =	vmul.u32 $0x30, v57  }
0x51f: {  	v3 =	vand.u32 $0x7, v3  }
0x520: {  	v3 =	vor.u32 v3, v4  }
0x521: {  	v4 =	vperm.xlane v3, v0;
	_ =	sdelay $0x1  }
0x522: {  	v4 =	vadd.s32 v1, v4;
	_ =	sdelay $0x3  }
0x523: {  	s18 =	simm.s32 $0x4000;
	v3 =	vperm.xlane v3, v2  }
0x524: {  	[tilespmem:s18], [sflag:$0x1] =	stream.indirect_vreg.gather [hbm4b:s2+s3], $0x80, v4, vm0, $0xb8;
	[tilespmem:$0x19000] =	vst v63  }
0x525: {  	v3 =	vadd.s32 v1, v3;
	s18 =	simm.s32 $0x4800  }
0x526: {  	[tilespmem:s18], [sflag:$0x1] =	stream.indirect_vreg.gather [hbm4b:s5+s3], $0x80, v4, vm0, $0xb8;
	[tilespmem:$0x19000] =	vst v63  }
0x527: {  	s18 =	simm.s32 $0x5000  }
0x528: {  	[tilespmem:s18], [sflag:$0x1] =	stream.indirect_vreg.gather [hbm4b:s6+s3], $0x80, v4, vm0, $0xb8;
	[tilespmem:$0x19000] =	vst v63  }
0x529: {  	s0 =	simm.s32 $0x5800  }
0x52a: {  	[tilespmem:s0], [sflag:$0x1] =	stream.indirect_vreg.gather [hbm4b:s2+s3], $0x80, v3, vm0, $0xb8;
	[tilespmem:$0x19000] =	vst v63  }
0x52b: {  	s7 =	simm.s32 $0x6000  }
0x52c: {  	[tilespmem:s7], [sflag:$0x1] =	stream.indirect_vreg.gather [hbm4b:s5+s3], $0x80, v3, vm0, $0xb8;
	[tilespmem:$0x19000] =	vst v63  }
0x52d: {  	s18 =	simm.s32 $0x6800  }
0x52e: {  	[tilespmem:s18], [sflag:$0x1] =	stream.indirect_vreg.gather [hbm4b:s6+s3], $0x80, v3, vm0, $0xb8;
	[tilespmem:$0x19000] =	vst v63  }
0x52f: {  	_ =	swait.ge [sflag:s11], $0x6000  }
0x530: {  	[sflag:s11] =	ssyncset.done $0x0  }
0x531: {  	s7 =	simm.s32 $0x7000;
	s0 =	rddreg [dreg:$0x1d];
	[sflag:s11] =	ssyncadd.s32 $0xFFFFA000  }
0x532: {  	[hbm4b:s0+s3] =	stream.linear.scatter [tilespmem:s7], [sflag:$0x6], $0x6000, $0x38;
	[tilespmem:$0x19000] =	vst v63  }
0x533: {  	_ =	swait.ge [sflag:s12], $0x6000  }
0x534: {  	[sflag:s12] =	ssyncset.done $0x0  }
0x535: {  	[sflag:s12] =	ssyncadd.s32 $0xFFFFA000  }
0x536: {  	v3 =	vld [tilespmem:$0xE80];
	_ =	sdelay $0x4  }
0x537: {  	v58 =	vshrl.u32 v3, $0x3  }
0x538: {  	v4 =	vmul.u32 $0x30, v58  }
0x539: {  	v3 =	vand.u32 $0x7, v3  }
0x53a: {  	v3 =	vor.u32 v3, v4  }
0x53b: {  	v4 =	vperm.xlane v3, v0;
	_ =	sdelay $0x1  }
0x53c: {  	v4 =	vadd.s32 v1, v4;
	_ =	sdelay $0x3  }
0x53d: {  	v3 =	vperm.xlane v3, v2  }
0x53e: {  	[tilespmem:s7], [sflag:$0x2] =	stream.indirect_vreg.gather [hbm4b:s2+s3], $0x80, v4, vm0, $0xb8;
	[tilespmem:$0x19000] =	vst v63  }
0x53f: {  	s17 =	simm.s32 $0x7800;
	v3 =	vadd.s32 v1, v3  }
0x540: {  	[tilespmem:s17], [sflag:$0x2] =	stream.indirect_vreg.gather [hbm4b:s5+s3], $0x80, v4, vm0, $0xb8;
	[tilespmem:$0x19000] =	vst v63  }
0x541: {  	s7 =	simm.s32 $0x8000  }
0x542: {  	[tilespmem:s7], [sflag:$0x2] =	stream.indirect_vreg.gather [hbm4b:s6+s3], $0x80, v4, vm0, $0xb8;
	[tilespmem:$0x19000] =	vst v63  }
0x543: {  	s17 =	simm.s32 $0x8800  }
0x544: {  	[tilespmem:s17], [sflag:$0x2] =	stream.indirect_vreg.gather [hbm4b:s2+s3], $0x80, v3, vm0, $0xb8;
	[tilespmem:$0x19000] =	vst v63  }
0x545: {  	s7 =	simm.s32 $0x9000  }
0x546: {  	[tilespmem:s7], [sflag:$0x2] =	stream.indirect_vreg.gather [hbm4b:s5+s3], $0x80, v3, vm0, $0xb8;
	[tilespmem:$0x19000] =	vst v63  }
0x547: {  	s17 =	simm.s32 $0x9800  }
0x548: {  	[tilespmem:s17], [sflag:$0x2] =	stream.indirect_vreg.gather [hbm4b:s6+s3], $0x80, v3, vm0, $0xb8;
	[tilespmem:$0x19000] =	vst v63  }
0x549: {  	v3 =	vld [tilespmem:$0xE90];
	_ =	sdelay $0x4  }
0x54a: {  	v59 =	vshrl.u32 v3, $0x3  }
0x54b: {  	v4 =	vmul.u32 $0x30, v59  }
0x54c: {  	v3 =	vand.u32 $0x7, v3  }
0x54d: {  	v3 =	vor.u32 v3, v4  }
0x54e: {  	v4 =	vperm.xlane v3, v0;
	_ =	sdelay $0x1  }
0x54f: {  	v4 =	vadd.s32 v1, v4;
	_ =	sdelay $0x3  }
0x550: {  	s7 =	simm.s32 $0xA000;
	v3 =	vperm.xlane v3, v2  }
0x551: {  	[tilespmem:s7], [sflag:$0x2] =	stream.indirect_vreg.gather [hbm4b:s2+s3], $0x80, v4, vm0, $0xb8;
	[tilespmem:$0x19000] =	vst v63  }
0x552: {  	s17 =	simm.s32 $0xA800;
	v3 =	vadd.s32 v1, v3  }
0x553: {  	[tilespmem:s17], [sflag:$0x2] =	stream.indirect_vreg.gather [hbm4b:s5+s3], $0x80, v4, vm0, $0xb8;
	[tilespmem:$0x19000] =	vst v63  }
0x554: {  	s26 =	simm.s32 $0xB000  }
0x555: {  	[tilespmem:s26], [sflag:$0x2] =	stream.indirect_vreg.gather [hbm4b:s6+s3], $0x80, v4, vm0, $0xb8;
	[tilespmem:$0x19000] =	vst v63  }
0x556: {  	s9 =	simm.s32 $0xB800  }
0x557: {  	[tilespmem:s9], [sflag:$0x2] =	stream.indirect_vreg.gather [hbm4b:s2+s3], $0x80, v3, vm0, $0xb8;
	[tilespmem:$0x19000] =	vst v63  }
0x558: {  	s21 =	simm.s32 $0xC000  }
0x559: {  	[tilespmem:s21], [sflag:$0x2] =	stream.indirect_vreg.gather [hbm4b:s5+s3], $0x80, v3, vm0, $0xb8;
	[tilespmem:$0x19000] =	vst v63  }
0x55a: {  	s28 =	simm.s32 $0xC800  }
0x55b: {  	[tilespmem:s28], [sflag:$0x2] =	stream.indirect_vreg.gather [hbm4b:s6+s3], $0x80, v3, vm0, $0xb8;
	[tilespmem:$0x19000] =	vst v63  }
0x55c: {  	_ =	swait.ge [sflag:s13], $0x6000  }
0x55d: {  	[sflag:s13] =	ssyncset.done $0x0  }
0x55e: {  	s26 =	simm.s32 $0xD000;
	s21 =	rddreg [dreg:$0x1e];
	[sflag:s13] =	ssyncadd.s32 $0xFFFFA000  }
0x55f: {  	[hbm4b:s21+s3] =	stream.linear.scatter [tilespmem:s26], [sflag:$0x7], $0x6000, $0x38;
	[tilespmem:$0x19000] =	vst v63  }
0x560: {  	_ =	swait.ge [sflag:s14], $0x6000  }
0x561: {  	[sflag:s14] =	ssyncset.done $0x0  }
0x562: {  	[sflag:s14] =	ssyncadd.s32 $0xFFFFA000  }
0x563: {  	v3 =	vld [tilespmem:$0xF00];
	_ =	sdelay $0x4  }
0x564: {  	v60 =	vshrl.u32 v3, $0x3  }
0x565: {  	v4 =	vmul.u32 $0x30, v60  }
0x566: {  	v3 =	vand.u32 $0x7, v3  }
0x567: {  	v3 =	vor.u32 v3, v4  }
0x568: {  	v4 =	vperm.xlane v3, v0;
	_ =	sdelay $0x1  }
0x569: {  	v4 =	vadd.s32 v1, v4;
	_ =	sdelay $0x3  }
0x56a: {  	v3 =	vperm.xlane v3, v2  }
0x56b: {  	[tilespmem:s26], [sflag:$0x3] =	stream.indirect_vreg.gather [hbm4b:s2+s3], $0x80, v4, vm0, $0xb8;
	[tilespmem:$0x19000] =	vst v63  }
0x56c: {  	s29 =	simm.s32 $0xD800;
	v3 =	vadd.s32 v1, v3  }
0x56d: {  	[tilespmem:s29], [sflag:$0x3] =	stream.indirect_vreg.gather [hbm4b:s5+s3], $0x80, v4, vm0, $0xb8;
	[tilespmem:$0x19000] =	vst v63  }
0x56e: {  	s30 =	simm.s32 $0xE000  }
0x56f: {  	[tilespmem:s30], [sflag:$0x3] =	stream.indirect_vreg.gather [hbm4b:s6+s3], $0x80, v4, vm0, $0xb8;
	[tilespmem:$0x19000] =	vst v63  }
0x570: {  	s31 =	simm.s32 $0xE800  }
0x571: {  	[tilespmem:s31], [sflag:$0x3] =	stream.indirect_vreg.gather [hbm4b:s2+s3], $0x80, v3, vm0, $0xb8;
	[tilespmem:$0x19000] =	vst v63  }
0x572: {  	s28 =	simm.s32 $0xF000  }
0x573: {  	[tilespmem:s28], [sflag:$0x3] =	stream.indirect_vreg.gather [hbm4b:s5+s3], $0x80, v3, vm0, $0xb8;
	[tilespmem:$0x19000] =	vst v63  }
0x574: {  	s29 =	simm.s32 $0xF800  }
0x575: {  	[tilespmem:s29], [sflag:$0x3] =	stream.indirect_vreg.gather [hbm4b:s6+s3], $0x80, v3, vm0, $0xb8;
	[tilespmem:$0x19000] =	vst v63  }
0x576: {  	v3 =	vld [tilespmem:$0xF10];
	_ =	sdelay $0x4  }
0x577: {  	v61 =	vshrl.u32 v3, $0x3  }
0x578: {  	v4 =	vmul.u32 $0x30, v61  }
0x579: {  	v3 =	vand.u32 $0x7, v3  }
0x57a: {  	v3 =	vor.u32 v3, v4  }
0x57b: {  	v4 =	vperm.xlane v3, v0;
	_ =	sdelay $0x1  }
0x57c: {  	v4 =	vadd.s32 v1, v4;
	_ =	sdelay $0x3  }
0x57d: {  	s30 =	simm.s32 $0x10000;
	v3 =	vperm.xlane v3, v2  }
0x57e: {  	[tilespmem:s30], [sflag:$0x3] =	stream.indirect_vreg.gather [hbm4b:s2+s3], $0x80, v4, vm0, $0xb8;
	[tilespmem:$0x19000] =	vst v63  }
0x57f: {  	s20 =	simm.s32 $0x10800;
	v3 =	vadd.s32 v1, v3  }
0x580: {  	[tilespmem:s20], [sflag:$0x3] =	stream.indirect_vreg.gather [hbm4b:s5+s3], $0x80, v4, vm0, $0xb8;
	[tilespmem:$0x19000] =	vst v63  }
0x581: {  	s19 =	simm.s32 $0x11000  }
0x582: {  	[tilespmem:s19], [sflag:$0x3] =	stream.indirect_vreg.gather [hbm4b:s6+s3], $0x80, v4, vm0, $0xb8;
	[tilespmem:$0x19000] =	vst v63  }
0x583: {  	s24 =	simm.s32 $0x11800  }
0x584: {  	[tilespmem:s24], [sflag:$0x3] =	stream.indirect_vreg.gather [hbm4b:s2+s3], $0x80, v3, vm0, $0xb8;
	[tilespmem:$0x19000] =	vst v63  }
0x585: {  	s23 =	simm.s32 $0x12000  }
0x586: {  	[tilespmem:s23], [sflag:$0x3] =	stream.indirect_vreg.gather [hbm4b:s5+s3], $0x80, v3, vm0, $0xb8;
	[tilespmem:$0x19000] =	vst v63  }
0x587: {  	s31 =	simm.s32 $0x12800  }
0x588: {  	[tilespmem:s31], [sflag:$0x3] =	stream.indirect_vreg.gather [hbm4b:s6+s3], $0x80, v3, vm0, $0xb8;
	[tilespmem:$0x19000] =	vst v63  }
0x589: {  	_ =	swait.ge [sflag:s15], $0x6000  }
0x58a: {  	[sflag:s15] =	ssyncset.done $0x0  }
0x58b: {  	s0 =	rddreg [dreg:$0x1f];
	[sflag:s15] =	ssyncadd.s32 $0xFFFFA000  }
0x58c: {  	[hbm4b:s0+s3] =	stream.linear.scatter [tilespmem:s22], [sflag:$0x8], $0x6000, $0x38;
	[tilespmem:$0x19000] =	vst v63  }
0x58d: {  	_ =	swait.ge [sflag:s16], $0x6000  }
0x58e: {  	[sflag:s16] =	ssyncset.done $0x0  }
0x58f: {  	[sflag:s16] =	ssyncadd.s32 $0xFFFFA000  }
0x590: {  	v3 =	vld [tilespmem:$0xF80];
	_ =	sdelay $0x4  }
0x591: {  	v62 =	vshrl.u32 v3, $0x3  }
0x592: {  	v4 =	vmul.u32 $0x30, v62  }
0x593: {  	v3 =	vand.u32 $0x7, v3  }
0x594: {  	v3 =	vor.u32 v3, v4  }
0x595: {  	v4 =	vperm.xlane v3, v0;
	_ =	sdelay $0x1  }
0x596: {  	v4 =	vadd.s32 v1, v4;
	_ =	sdelay $0x3  }
0x597: {  	v3 =	vperm.xlane v3, v2  }
0x598: {  	[tilespmem:s22], [sflag:$0x4] =	stream.indirect_vreg.gather [hbm4b:s2+s3], $0x80, v4, vm0, $0xb8;
	[tilespmem:$0x19000] =	vst v63  }
0x599: {  	s1 =	simm.s32 $0x13800;
	v3 =	vadd.s32 v1, v3  }
0x59a: {  	[tilespmem:s1], [sflag:$0x4] =	stream.indirect_vreg.gather [hbm4b:s5+s3], $0x80, v4, vm0, $0xb8;
	[tilespmem:$0x19000] =	vst v63  }
0x59b: {  	s25 =	simm.s32 $0x14000  }
0x59c: {  	[tilespmem:s25], [sflag:$0x4] =	stream.indirect_vreg.gather [hbm4b:s6+s3], $0x80, v4, vm0, $0xb8;
	[tilespmem:$0x19000] =	vst v63  }
0x59d: {  	s9 =	simm.s32 $0x14800  }
0x59e: {  	[tilespmem:s9], [sflag:$0x4] =	stream.indirect_vreg.gather [hbm4b:s2+s3], $0x80, v3, vm0, $0xb8;
	[tilespmem:$0x19000] =	vst v63  }
0x59f: {  	s17 =	simm.s32 $0x15000  }
0x5a0: {  	[tilespmem:s17], [sflag:$0x4] =	stream.indirect_vreg.gather [hbm4b:s5+s3], $0x80, v3, vm0, $0xb8;
	[tilespmem:$0x19000] =	vst v63  }
0x5a1: {  	s19 =	simm.s32 $0x15800  }
0x5a2: {  	[tilespmem:s19], [sflag:$0x4] =	stream.indirect_vreg.gather [hbm4b:s6+s3], $0x80, v3, vm0, $0xb8;
	[tilespmem:$0x19000] =	vst v63  }
0x5a3: {  	v3 =	vld [tilespmem:$0xF90];
	_ =	sdelay $0x4  }
0x5a4: {  	v63 =	vshrl.u32 v3, $0x3  }
0x5a5: {  	v4 =	vmul.u32 $0x30, v63  }
0x5a6: {  	v3 =	vand.u32 $0x7, v3  }
0x5a7: {  	v3 =	vor.u32 v3, v4  }
0x5a8: {  	v4 =	vperm.xlane v3, v0;
	_ =	sdelay $0x1  }
0x5a9: {  	v4 =	vadd.s32 v1, v4;
	_ =	sdelay $0x3  }
0x5aa: {  	s20 =	simm.s32 $0x16000;
	v3 =	vperm.xlane v3, v2  }
0x5ab: {  	[tilespmem:s20], [sflag:$0x4] =	stream.indirect_vreg.gather [hbm4b:s2+s3], $0x80, v4, vm0, $0xb8;
	[tilespmem:$0x19000] =	vst v63  }
0x5ac: {  	s21 =	simm.s32 $0x16800;
	v3 =	vadd.s32 v1, v3  }
0x5ad: {  	[tilespmem:s21], [sflag:$0x4] =	stream.indirect_vreg.gather [hbm4b:s5+s3], $0x80, v4, vm0, $0xb8;
	[tilespmem:$0x19000] =	vst v63  }
0x5ae: {  	s23 =	simm.s32 $0x17000  }
0x5af: {  	[tilespmem:s23], [sflag:$0x4] =	stream.indirect_vreg.gather [hbm4b:s6+s3], $0x80, v4, vm0, $0xb8;
	[tilespmem:$0x19000] =	vst v63  }
0x5b0: {  	s24 =	simm.s32 $0x17800  }
0x5b1: {  	[tilespmem:s24], [sflag:$0x4] =	stream.indirect_vreg.gather [hbm4b:s2+s3], $0x80, v3, vm0, $0xb8;
	[tilespmem:$0x19000] =	vst v63  }
0x5b2: {  	s25 =	simm.s32 $0x18000  }
0x5b3: {  	[tilespmem:s25], [sflag:$0x4] =	stream.indirect_vreg.gather [hbm4b:s5+s3], $0x80, v3, vm0, $0xb8;
	[tilespmem:$0x19000] =	vst v63  }
0x5b4: {  	s26 =	simm.s32 $0x18800  }
0x5b5: {  	[tilespmem:s26], [sflag:$0x4] =	stream.indirect_vreg.gather [hbm4b:s6+s3], $0x80, v3, vm0, $0xb8;
	[tilespmem:$0x19000] =	vst v63  }
0x5b6: {  	s0 =	sld [smem:$0x7F8];
	_ =	swait.ge [sflag:s8], $0x6000  }
0x5b7: {  	s28 =	sld [smem:$0x7FA]  }
0x5b8: {  	[sflag:s8] =	ssyncset.done $0x0  }
0x5b9: {  	s4 =	simm.s32 $0x1000;
	[sflag:s8] =	ssyncadd.s32 $0xFFFFA000  }
0x5ba: {  	[hbm4b:s28+s3] =	stream.linear.scatter [tilespmem:s4], [sflag:$0x5], $0x6000, $0x38;
	[tilespmem:$0x19000] =	vst v63  }
0x5bb: {  	_ =	swait.ge [sflag:s11], $0x6000  }
0x5bc: {  	s29 =	sld [smem:$0x7FB]  }
0x5bd: {  	[sflag:s11] =	ssyncset.done $0x0  }
0x5be: {  	s18 =	simm.s32 $0x7000;
	[sflag:s11] =	ssyncadd.s32 $0xFFFFA000  }
0x5bf: {  	[hbm4b:s29+s3] =	stream.linear.scatter [tilespmem:s18], [sflag:$0x6], $0x6000, $0x38;
	[tilespmem:$0x19000] =	vst v63  }
0x5c0: {  	_ =	swait.ge [sflag:s13], $0x6000  }
0x5c1: {  	s30 =	sld [smem:$0x7FC]  }
0x5c2: {  	[sflag:s13] =	ssyncset.done $0x0  }
0x5c3: {  	s7 =	simm.s32 $0xD000;
	[sflag:s13] =	ssyncadd.s32 $0xFFFFA000  }
0x5c4: {  	[hbm4b:s30+s3] =	stream.linear.scatter [tilespmem:s7], [sflag:$0x7], $0x6000, $0x38;
	[tilespmem:$0x19000] =	vst v63  }
0x5c5: {  	_ =	swait.ge [sflag:s15], $0x6000  }
0x5c6: {  	s31 =	sld [smem:$0x7FD]  }
0x5c7: {  	[sflag:s15] =	ssyncset.done $0x0  }
0x5c8: {  	[sflag:s15] =	ssyncadd.s32 $0xFFFFA000  }
0x5c9: {  	[hbm4b:s31+s3] =	stream.linear.scatter [tilespmem:s22], [sflag:$0x8], $0x6000, $0x38;
	[tilespmem:$0x19000] =	vst v63  }
0x5ca: {  	_ =	swait.ge [sflag:s10], $0x6000  }
0x5cb: {  	[sflag:s10] =	ssyncset.done $0x0  }
0x5cc: {  	[sflag:s10] =	ssyncadd.s32 $0xFFFFA000  }
0x5cd: {  	_ =	swait.ge [sflag:s12], $0x6000  }
0x5ce: {  	[sflag:s12] =	ssyncset.done $0x0  }
0x5cf: {  	[sflag:s12] =	ssyncadd.s32 $0xFFFFA000  }
0x5d0: {  	p0 =	sne.s32 s0, $0x1;
	_ =	swait.ge [sflag:s14], $0x6000  }
.Ltmp0:
0x5d1: {  	[sflag:s14] =	ssyncset.done $0x0;
	(pc) =	sbr.rel @p0 .LBB2_1-.Ltmp0, $4  }
0x5d2: {  	[sflag:s14] =	ssyncadd.s32 $0xFFFFA000  }
0x5d3: {  	_ =	swait.ge [sflag:s16], $0x6000  }
0x5d4: {  	[sflag:s16] =	ssyncset.done $0x0  }
0x5d5: {  	s0 =	sadd.s32 $0xFFFFFFFF, s0;
	[sflag:s16] =	ssyncadd.s32 $0xFFFFA000  }
0x5d6: {  	_ =	sfence.sel $0x180000  }
0x5d7: {  	[bflag:$0x0] =	sbarrier.arrive $0xFFFF  }
0x5d8: {  	_ =	strace $0x90000047  }
0x5d9: {  	s0 =	stileid.u32;
	[bflag:$0x2] =	sbarrier.arrive $0xFFFF  }
0x5da: {  	p0 =	sne.s32 s0, $0x0;
	s0 =	rddreg [dreg:$0x3]  }
0x5db: {  	s0 =	sadd.s32 @!p0 $0x100000, s0  }
0x5dc: {  	[sflag:s0] =	ssyncadd.tile.s32 @!p0 $0x1;
	_ =	shalt  }
.Lfunc_end2:
_tile_overlayer_lowered:
.L_overlay_start_2:
0x5dd: {  	(tag) =	ssettag $0x2  }
0x5de: {  	s0 =	rddreg [dreg:$0x0];
	s2 =	stileid.u32  }
0x5df: {  	s1 =	rddreg [dreg:$0x1];
	p0 =	sne.s32 s2, $0x0  }
0x5e0: {  	s3 =	rddreg [dreg:$0x2];
	[bflag:$0x3] =	sbarrier.arrive $0xFFFF;
	s2 =	simm.s32 @!p0 $0x1C09  }
0x5e1: {  	[timem:s3], [sflag:s2] =	dma.local @!p0 [hbm:s0], s1  }
0x5e2: {  	s0 =	simm.s32 @!p0 $0x9  }
0x5e3: {  	_ =	swait.ge @!p0 [sflag:s0], s1  }
0x5e4: {  	s1 =	ssub.s32 @!p0 $0x0, s1;
	[sflag:s0] =	ssyncset.done @!p0 $0x0  }
0x5e5: {  	[sflag:s0] =	ssyncadd.s32 @!p0 s1  }
0x5e6: {  	[bflag:$0x3] =	sbarrier.arrive $0xFFFF  }
0x5e7: {  	_ =	shalt  }

</sc_bundles>
